<compile_context>
chip_gen: v7x
topology: tpu7x:2x2x1
jax: 0.10.2.dev20260603
libtpu: 0.0.44.dev20260713+nightly
codegen_flags: <defaults>
</compile_context>

<pallas_src>
import functools

import jax
import jax.numpy as jnp
from jax import lax
from jax.experimental import pallas as pl
from jax.experimental.pallas import tpu as pltpu
from jax.experimental.pallas import tpu_sc as plsc

N = 10000
E = 320000
D_IN = 128
H = 8
D_OUT = 16
HD = H * D_OUT
NT = 16
DROP_BLOCKS = 4

NC = 2
NS = 16
L = 16

HALF = HD // NC
HPC = H // NC
ACCW = 2 * HALF
EPT = E // NS
K = 40
NCH = EPT // K
EPA = E // NC // NS
NCA = EPA // K
BS = 80
NBLK = N // BS
AW = H * DROP_BLOCKS


def _mm_body(f_ref, w_ref, o_ref):
    o_ref[...] = jnp.dot(f_ref[...], w_ref[...], preferred_element_type=jnp.float32)


def _project(feat, Wt):
    return pl.pallas_call(
        _mm_body,
        grid=(NBLK,),
        in_specs=[
            pl.BlockSpec((BS, D_IN), lambda nb: (nb, 0)),
            pl.BlockSpec((D_IN, HD), lambda nb: (0, 0)),
        ],
        out_specs=pl.BlockSpec((BS, HD), lambda nb: (nb, 0)),
        out_shape=jax.ShapeDtypeStruct((N, HD), jnp.float32),
    )(feat, Wt)


TB = 2560


def _tr_body(i_ref, o_ref):
    o_ref[...] = i_ref[...].T


def _transpose_attn(attnE):
    return pl.pallas_call(
        _tr_body,
        grid=(E // TB,),
        in_specs=[pl.BlockSpec((TB, AW), lambda b: (b, 0))],
        out_specs=pl.BlockSpec((AW, TB), lambda b: (0, b)),
        out_shape=jax.ShapeDtypeStruct((AW, E), jnp.float32),
    )(attnE)


def _sc_body(fsall, esrc, edst, ef, embT, rst2, attnf, dentabH,
             acc, wtabS, embv, eflat, wrow,
             srcb, dstb, typb, gbuf, wbuf, sbuf, dstb2, sbuf2, abuf, nbuf,
             rbuf, sem, sem2, sem3, sem4):
    cid = lax.axis_index("c")
    sid = lax.axis_index("s")
    lane = lax.iota(jnp.int32, L)
    zv = jnp.zeros((L,), jnp.float32)

    pltpu.sync_copy(embT, embv)
    for h in range(H):
        v = embv[h]
        m = v
        for sh in (1, 2, 4, 8):
            perm = jnp.bitwise_xor(lane, jnp.int32(sh))
            m = jnp.maximum(m, m.at[perm].get(mode="promise_in_bounds"))
        e = jnp.exp(v - m)
        eflat[pl.ds(h * L, L)] = e

    cf = jnp.broadcast_to(cid.astype(jnp.float32), (L,))
    eh_list = [eflat[pl.ds(h * L, L)] for h in range(H)]
    lane4 = lax.shift_right_logical(lane, 2)

    def build_t(t, _):
        tvec = jnp.broadcast_to(t, (L,))
        base = t * ACCW
        bh = [eh_list[h].at[tvec].get(mode="promise_in_bounds")
              for h in range(H)]
        for j in range(HPC):
            own = bh[j] * (1.0 - cf) + bh[HPC + j] * cf
            wrow[pl.ds(base + j * L, L)] = own
        dv0 = zv
        dv1 = zv
        for j in range(HPC):
            dv0 = jnp.where(lane4 == j, bh[j], dv0)
            dv1 = jnp.where(lane4 == j, bh[HPC + j], dv1)
        wrow[pl.ds(base + HALF, L)] = dv0
        wrow[pl.ds(base + HALF + L, L)] = dv1
        return 0
    lax.fori_loop(0, NT, build_t, 0)

    @pl.when(sid == 0)
    def _():
        def wcopy(t, _):
            pltpu.sync_copy(wrow.at[pl.ds(t * ACCW, ACCW)], wtabS.at[t])
            return 0
        lax.fori_loop(0, NT, wcopy, 0)

    def zrow(i, _):
        for j5 in range(ACCW // L):
            nbuf[i, pl.ds(j5 * L, L)] = zv
        return 0
    lax.fori_loop(0, 25, zrow, 0)

    def zblk(b, _):
        pltpu.sync_copy(nbuf.at[pl.ds(0, 25)], acc.at[pl.ds(sid * 625 + b * 25, 25)])
        return 0
    lax.fori_loop(0, 25, zblk, 0)
    plsc.subcore_barrier()

    cbase = cid * HALF

    def emul_into(sb, q, _):
        for u in range(4):
            p = q * 4 + u
            for j in range(HPC):
                sb[p, pl.ds(j * L, L)] = (
                    gbuf[p, pl.ds(cbase + j * L, L)] * wbuf[p, pl.ds(j * L, L)])
            sb[p, pl.ds(HALF, L)] = wbuf[p, pl.ds(HALF, L)]
            sb[p, pl.ds(HALF + L, L)] = wbuf[p, pl.ds(HALF + L, L)]
        return 0

    def echunk(i, _):
        @pl.when(i > 0)
        def _():
            pltpu.make_async_copy(sbuf, acc.at[dstb], sem3).wait()
            pltpu.make_async_copy(sbuf2, acc.at[dstb2], sem4).wait()

        offA = sid * EPT + (2 * i) * K
        pltpu.sync_copy(esrc.at[pl.ds(offA, K)], srcb)
        pltpu.sync_copy(edst.at[pl.ds(offA, K)], dstb)
        pltpu.sync_copy(ef.at[pl.ds(offA, K)], typb)
        wcp = pltpu.async_copy(wtabS.at[typb], wbuf, sem2)
        pltpu.async_copy(fsall.at[srcb], gbuf, sem).wait()
        wcp.wait()
        lax.fori_loop(0, K // 4, functools.partial(emul_into, sbuf), 0)
        pltpu.async_copy(sbuf, acc.at[dstb], sem3, add=True)

        offB = offA + K
        pltpu.sync_copy(esrc.at[pl.ds(offB, K)], srcb)
        pltpu.sync_copy(edst.at[pl.ds(offB, K)], dstb2)
        pltpu.sync_copy(ef.at[pl.ds(offB, K)], typb)
        wcp2 = pltpu.async_copy(wtabS.at[typb], wbuf, sem2)
        pltpu.async_copy(fsall.at[srcb], gbuf, sem).wait()
        wcp2.wait()
        lax.fori_loop(0, K // 4, functools.partial(emul_into, sbuf2), 0)
        pltpu.async_copy(sbuf2, acc.at[dstb2], sem4, add=True)
        return 0
    lax.fori_loop(0, NCH // 2, echunk, 0)
    pltpu.make_async_copy(sbuf, acc.at[dstb], sem3).wait()
    pltpu.make_async_copy(sbuf2, acc.at[dstb2], sem4).wait()
    plsc.subcore_barrier()

    doff = HALF + cid * L

    def rblk(b, _):
        @pl.when((b % NS) == sid)
        def _():
            pltpu.sync_copy(acc.at[pl.ds(b * BS, BS)], nbuf)

            def rrow(p, _):
                dv = nbuf[p, pl.ds(doff, L)]
                for j in range(HPC):
                    db = dv.at[jnp.broadcast_to(jnp.int32(4 * j), (L,))].get(
                        mode="promise_in_bounds")
                    num = nbuf[p, pl.ds(j * L, L)]
                    rbuf[pl.ds(p * HALF + j * L, L)] = num / jnp.maximum(db, 1e-30)
                return 0
            lax.fori_loop(0, BS, rrow, 0)
            pltpu.sync_copy(
                rbuf, rst2.at[pl.ds((cid * N + b * BS) * HALF, BS * HALF)])
            for q in range(BS // K):
                def dcopy(p, _):
                    gbuf[p, pl.ds(HALF, L)] = nbuf[q * K + p, pl.ds(HALF, L)]
                    gbuf[p, pl.ds(HALF + L, L)] = nbuf[q * K + p, pl.ds(HALF + L, L)]
                    return 0
                lax.fori_loop(0, K, dcopy, 0)
                pltpu.sync_copy(gbuf, dentabH.at[pl.ds(b * BS + q * K, K)])
        return 0
    lax.fori_loop(0, NBLK, rblk, 0)
    plsc.subcore_barrier()

    def achunk(i, _):
        off = cid * (E // NC) + sid * EPA + i * K
        pltpu.sync_copy(edst.at[pl.ds(off, K)], dstb)
        pltpu.sync_copy(ef.at[pl.ds(off, K)], typb)
        wcp = pltpu.async_copy(wtabS.at[typb], wbuf, sem2)
        pltpu.async_copy(dentabH.at[dstb], sbuf, sem).wait()
        wcp.wait()

        def arow(q, _):
            for u in range(4):
                p = q * 4 + u
                abuf[pl.ds(p * AW, L)] = (
                    wbuf[p, pl.ds(HALF, L)] / sbuf[p, pl.ds(HALF, L)])
                abuf[pl.ds(p * AW + L, L)] = (
                    wbuf[p, pl.ds(HALF + L, L)] / sbuf[p, pl.ds(HALF + L, L)])
            return 0
        lax.fori_loop(0, K // 4, arow, 0)
        pltpu.sync_copy(abuf, attnf.at[pl.ds(off * AW, K * AW)])
        return 0
    lax.fori_loop(0, NCA, achunk, 0)


_sc_call = functools.partial(
    pl.kernel,
    out_type=[
        jax.ShapeDtypeStruct((NC * N * HALF,), jnp.float32),
        jax.ShapeDtypeStruct((E * AW,), jnp.float32),
        jax.ShapeDtypeStruct((N, HD), jnp.float32),
    ],
    mesh=plsc.VectorSubcoreMesh(core_axis_name="c", subcore_axis_name="s"),
    scratch_types=[
        pltpu.VMEM_SHARED((N, ACCW), jnp.float32),
        pltpu.VMEM_SHARED((NT, ACCW), jnp.float32),
        pltpu.VMEM((H, NT), jnp.float32),
        pltpu.VMEM((H * L,), jnp.float32),
        pltpu.VMEM((NT * ACCW,), jnp.float32),
        pltpu.VMEM((K,), jnp.int32),
        pltpu.VMEM((K,), jnp.int32),
        pltpu.VMEM((K,), jnp.int32),
        pltpu.VMEM((K, HD), jnp.float32),
        pltpu.VMEM((K, ACCW), jnp.float32),
        pltpu.VMEM((K, ACCW), jnp.float32),
        pltpu.VMEM((K,), jnp.int32),
        pltpu.VMEM((K, ACCW), jnp.float32),
        pltpu.VMEM((K * AW,), jnp.float32),
        pltpu.VMEM((BS, ACCW), jnp.float32),
        pltpu.VMEM((BS * HALF,), jnp.float32),
        pltpu.SemaphoreType.DMA,
        pltpu.SemaphoreType.DMA,
        pltpu.SemaphoreType.DMA,
        pltpu.SemaphoreType.DMA,
    ],
)(_sc_body)


def kernel(feat, edge_index, e_feat, W, edge_emb_weight):
    fsall = _project(feat, W.T)
    embT = edge_emb_weight.T.astype(jnp.float32)
    rst2f, attnf, _ = _sc_call(fsall, edge_index[0], edge_index[1], e_feat, embT)
    rr = rst2f.reshape(NC, N, HALF)
    rst = jnp.concatenate([rr[0], rr[1]], axis=1).reshape(N, H, D_OUT)
    attn32 = _transpose_attn(attnf.reshape(E, AW))
    attn = jnp.transpose(
        attn32.reshape(H, DROP_BLOCKS, 1, E), (3, 0, 1, 2))
    return (rst, attn)

# --- scband reference (transcript-rebuilt; emitter-appended) ---
"""Pipeline reference for scband-srgc-13975823582059 (READ-ONLY COPY).

The authoritative reference and input builder live on the scoring server;
editing this copy changes nothing except your own understanding.
"""

import jax, jax.numpy as jnp
import numpy as np

N = 10000
E = 320000
D_IN = 128
H = 8
D_OUT = 16
NUM_ETYPES = 16
DROP_BLOCKS = 4


def setup_inputs(seed: int = 0) -> dict:
    key = jax.random.key(seed)
    k1, k2, k3, k4, k5 = jax.random.split(key, 5)
    feat = jax.random.normal(k1, (N, D_IN), dtype=jnp.float32)
    edge_index = jax.random.randint(k2, (2, E), 0, N, dtype=jnp.int32)
    e_feat = jax.random.randint(k3, (E,), 0, NUM_ETYPES, dtype=jnp.int32)
    # fc weight (torch Linear: [out_features, in_features]), xavier-normal-ish scale
    gain = float(np.sqrt(2.0))
    std = gain * float(np.sqrt(2.0 / (D_IN + H * D_OUT)))
    W = jax.random.normal(k4, (H * D_OUT, D_IN), dtype=jnp.float32) * std
    # edge_emb initialized with normal_() in torch
    edge_emb_weight = jax.random.normal(k5, (NUM_ETYPES, H), dtype=jnp.float32)
    return {"feat": feat, "edge_index": edge_index, "e_feat": e_feat, "W": W, "edge_emb_weight": edge_emb_weight}


def _edge_softmax(scores, dst, num_nodes):
    # scores: [E, H]; softmax over edges grouped by destination node (DGL edge_softmax)
    seg_max = jax.ops.segment_max(scores, dst, num_segments=num_nodes)
    seg_max = jnp.where(jnp.isfinite(seg_max), seg_max, 0.0)
    ex = jnp.exp(scores - seg_max[dst])
    seg_sum = jax.ops.segment_sum(ex, dst, num_segments=num_nodes)
    return ex / seg_sum[dst]


def reference(feat, edge_index, e_feat, W, edge_emb_weight):
    src = edge_index[0]
    dst = edge_index[1]
    # feat_drop is identity (p=0). fc projection then mcdropedge block view.
    feat_src = (feat @ W.T).reshape(N, H, DROP_BLOCKS, D_OUT // DROP_BLOCKS)
    # edge type embedding -> per-edge per-head logits ee: [E, H]
    ee = jnp.take(edge_emb_weight, e_feat, axis=0)
    attn = _edge_softmax(ee, dst, N)  # [E, H]
    # aug == 'mcdropedge': attn.repeat(1,1,drop_blocks).unsqueeze(-1); attn_drop is identity (p=0)
    attn_expand = jnp.repeat(attn[:, :, None], DROP_BLOCKS, axis=2)[..., None]  # [E, H, B, 1]
    # u_mul_e then sum aggregation by dst
    m = feat_src[src] * attn_expand  # [E, H, B, D_OUT//B]
    rst = jax.ops.segment_sum(m.reshape(E, H * D_OUT), dst, num_segments=N)
    rst = rst.reshape(N, H, D_OUT)
    # bias=False, activation=None
    return (rst, attn_expand)

if __name__ == "__main__":
    import jax
    _d = setup_inputs()
    print(jax.jit(kernel)(*tuple(_d.values())))

</pallas_src>

<mosaic_0001>
#map = affine_map<(d0, d1) -> (0, 0)>
#map1 = affine_map<(d0, d1) -> (0)>
module attributes {stable_mosaic.version = 14 : i64} {
  func.func @_sc_body(%arg0: i32, %arg1: i32, %arg2: memref<10000x128xf32, #tpu.memory_space<hbm>>, %arg3: memref<320000xi32, #tpu.memory_space<hbm>>, %arg4: memref<320000xi32, #tpu.memory_space<hbm>>, %arg5: memref<320000xi32, #tpu.memory_space<hbm>>, %arg6: memref<8x16xf32, #tpu.memory_space<hbm>>, %arg7: memref<1280000xf32, #tpu.memory_space<hbm>>, %arg8: memref<10240000xf32, #tpu.memory_space<hbm>>, %arg9: memref<10000x128xf32, #tpu.memory_space<hbm>>, %arg10: memref<10000x128xf32, #tpu.memory_space<vmem_shared>>, %arg11: memref<16x128xf32, #tpu.memory_space<vmem_shared>>, %arg12: memref<8x16xf32, #tpu.memory_space<vmem>>, %arg13: memref<128xf32, #tpu.memory_space<vmem>>, %arg14: memref<2048xf32, #tpu.memory_space<vmem>>, %arg15: memref<40xi32, #tpu.memory_space<vmem>>, %arg16: memref<40xi32, #tpu.memory_space<vmem>>, %arg17: memref<40xi32, #tpu.memory_space<vmem>>, %arg18: memref<40x128xf32, #tpu.memory_space<vmem>>, %arg19: memref<40x128xf32, #tpu.memory_space<vmem>>, %arg20: memref<40x128xf32, #tpu.memory_space<vmem>>, %arg21: memref<40xi32, #tpu.memory_space<vmem>>, %arg22: memref<40x128xf32, #tpu.memory_space<vmem>>, %arg23: memref<1280xf32, #tpu.memory_space<vmem>>, %arg24: memref<80x128xf32, #tpu.memory_space<vmem>>, %arg25: memref<5120xf32, #tpu.memory_space<vmem>>, %arg26: memref<!tpu.dma_semaphore, #tpu.memory_space<semaphore_mem>>, %arg27: memref<!tpu.dma_semaphore, #tpu.memory_space<semaphore_mem>>, %arg28: memref<!tpu.dma_semaphore, #tpu.memory_space<semaphore_mem>>, %arg29: memref<!tpu.dma_semaphore, #tpu.memory_space<semaphore_mem>>) attributes {dimension_semantics = [#tpu.dimension_semantics<core_parallel>, #tpu.dimension_semantics<subcore_parallel>], iteration_bounds = array<i64: 2, 16>, scalar_prefetch = 0 : i64, scratch_operands = 20 : i64, tpu.core_type = #tpu.core_type<sc_vector_subcore>, window_params = [{transform_indices = #map}, {transform_indices = #map1}, {transform_indices = #map1}, {transform_indices = #map1}, {transform_indices = #map}, {transform_indices = #map1}, {transform_indices = #map1}, {transform_indices = #map}]} {
    %iota3A = tpu.iota {dimensions = array<i32: 0>} : vector<16xi32>
    %broadcast_in_dim3A = arith.constant 0.000000e+00 : f32
    %broadcast_in_dim3A_0 = vector.broadcast %broadcast_in_dim3A : f32 to vector<16xf32>
    "tpu.region"() ({
      %run_scoped3A = tpu.sem_alloc : memref<!tpu.dma_semaphore, #tpu.memory_space<semaphore_mem>>
      tpu.enqueue_dma source(%arg6 : memref<8x16xf32, #tpu.memory_space<hbm>>) target(%arg12 : memref<8x16xf32, #tpu.memory_space<vmem>>) target_semaphore(%run_scoped3A : memref<!tpu.dma_semaphore, #tpu.memory_space<semaphore_mem>>)
      tpu.wait_dma2 semaphore(%run_scoped3A : memref<!tpu.dma_semaphore, #tpu.memory_space<semaphore_mem>>) src(%arg6 : memref<8x16xf32, #tpu.memory_space<hbm>>) dst(%arg12 : memref<8x16xf32, #tpu.memory_space<vmem>>)
      tpu.yield
    }) : () -> ()
    %get3A = arith.constant 0 : i32
    %get3A_1 = arith.index_cast %get3A : i32 to index
    %get3A_2 = arith.constant 0 : index
    %get3A_3 = tpu.vector_load %arg12[%get3A_1, %get3A_2] {strides = array<i32>} : memref<8x16xf32, #tpu.memory_space<vmem>>, vector<1x16xf32>,
    %get3A_4 = vector.shape_cast %get3A_3 : vector<1x16xf32> to vector<16xf32>
    %xor3A = arith.constant 1 : i32
    %xor3A_5 = vector.broadcast %xor3A : i32 to vector<16xi32>
    %xor3A_6 = arith.xori %iota3A, %xor3A_5 : vector<16xi32>
    %lt3A = arith.constant 0 : i32
    %lt3A_7 = vector.broadcast %lt3A : i32 to vector<16xi32>
    %lt3A_8 = arith.cmpi slt, %xor3A_6, %lt3A_7 : vector<16xi32>
    %add3A = arith.constant 16 : i32
    %add3A_9 = vector.broadcast %add3A : i32 to vector<16xi32>
    %add3A_10 = arith.addi %xor3A_6, %add3A_9 : vector<16xi32>
    %select_n3A = arith.select %lt3A_8, %add3A_10, %xor3A_6 : vector<16xi1>, vector<16xi32>
    %broadcast_in_dim3A_11 = vector.shape_cast %select_n3A : vector<16xi32> to vector<16x1xi32>
    %gather3A = vector.shape_cast %broadcast_in_dim3A_11 : vector<16x1xi32> to vector<16xi32>
    %gather3A_12 = tpu.dynamic_gather %get3A_4[%gather3A] in [0] : vector<16xf32>, vector<16xi32> -> vector<16xf32>
    %max3A = arith.maximumf %get3A_4, %gather3A_12 : vector<16xf32>
    %xor3A_13 = arith.constant 2 : i32
    %xor3A_14 = vector.broadcast %xor3A_13 : i32 to vector<16xi32>
    %xor3A_15 = arith.xori %iota3A, %xor3A_14 : vector<16xi32>
    %lt3A_16 = arith.constant 0 : i32
    %lt3A_17 = vector.broadcast %lt3A_16 : i32 to vector<16xi32>
    %lt3A_18 = arith.cmpi slt, %xor3A_15, %lt3A_17 : vector<16xi32>
    %add3A_19 = arith.constant 16 : i32
    %add3A_20 = vector.broadcast %add3A_19 : i32 to vector<16xi32>
    %add3A_21 = arith.addi %xor3A_15, %add3A_20 : vector<16xi32>
    %select_n3A_22 = arith.select %lt3A_18, %add3A_21, %xor3A_15 : vector<16xi1>, vector<16xi32>
    %broadcast_in_dim3A_23 = vector.shape_cast %select_n3A_22 : vector<16xi32> to vector<16x1xi32>
    %gather3A_24 = vector.shape_cast %broadcast_in_dim3A_23 : vector<16x1xi32> to vector<16xi32>
    %gather3A_25 = tpu.dynamic_gather %max3A[%gather3A_24] in [0] : vector<16xf32>, vector<16xi32> -> vector<16xf32>
    %max3A_26 = arith.maximumf %max3A, %gather3A_25 : vector<16xf32>
    %xor3A_27 = arith.constant 4 : i32
    %xor3A_28 = vector.broadcast %xor3A_27 : i32 to vector<16xi32>
    %xor3A_29 = arith.xori %iota3A, %xor3A_28 : vector<16xi32>
    %lt3A_30 = arith.constant 0 : i32
    %lt3A_31 = vector.broadcast %lt3A_30 : i32 to vector<16xi32>
    %lt3A_32 = arith.cmpi slt, %xor3A_29, %lt3A_31 : vector<16xi32>
    %add3A_33 = arith.constant 16 : i32
    %add3A_34 = vector.broadcast %add3A_33 : i32 to vector<16xi32>
    %add3A_35 = arith.addi %xor3A_29, %add3A_34 : vector<16xi32>
    %select_n3A_36 = arith.select %lt3A_32, %add3A_35, %xor3A_29 : vector<16xi1>, vector<16xi32>
    %broadcast_in_dim3A_37 = vector.shape_cast %select_n3A_36 : vector<16xi32> to vector<16x1xi32>
    %gather3A_38 = vector.shape_cast %broadcast_in_dim3A_37 : vector<16x1xi32> to vector<16xi32>
    %gather3A_39 = tpu.dynamic_gather %max3A_26[%gather3A_38] in [0] : vector<16xf32>, vector<16xi32> -> vector<16xf32>
    %max3A_40 = arith.maximumf %max3A_26, %gather3A_39 : vector<16xf32>
    %xor3A_41 = arith.constant 8 : i32
    %xor3A_42 = vector.broadcast %xor3A_41 : i32 to vector<16xi32>
    %xor3A_43 = arith.xori %iota3A, %xor3A_42 : vector<16xi32>
    %lt3A_44 = arith.constant 0 : i32
    %lt3A_45 = vector.broadcast %lt3A_44 : i32 to vector<16xi32>
    %lt3A_46 = arith.cmpi slt, %xor3A_43, %lt3A_45 : vector<16xi32>
    %add3A_47 = arith.constant 16 : i32
    %add3A_48 = vector.broadcast %add3A_47 : i32 to vector<16xi32>
    %add3A_49 = arith.addi %xor3A_43, %add3A_48 : vector<16xi32>
    %select_n3A_50 = arith.select %lt3A_46, %add3A_49, %xor3A_43 : vector<16xi1>, vector<16xi32>
    %broadcast_in_dim3A_51 = vector.shape_cast %select_n3A_50 : vector<16xi32> to vector<16x1xi32>
    %gather3A_52 = vector.shape_cast %broadcast_in_dim3A_51 : vector<16x1xi32> to vector<16xi32>
    %gather3A_53 = tpu.dynamic_gather %max3A_40[%gather3A_52] in [0] : vector<16xf32>, vector<16xi32> -> vector<16xf32>
    %max3A_54 = arith.maximumf %max3A_40, %gather3A_53 : vector<16xf32>
    %sub3A = arith.subf %get3A_4, %max3A_54 : vector<16xf32>
    %exp3A = math.exp %sub3A : vector<16xf32>
    %swap3A = arith.constant 0 : index
    %swap3A_55 = tpu.vector_load %arg13[%swap3A] {strides = array<i32>} : memref<128xf32, #tpu.memory_space<vmem>>, vector<16xf32>,
    %swap3A_56 = vector.shape_cast %swap3A_55 : vector<16xf32> to vector<16xf32>
    %swap3A_57 = vector.shape_cast %exp3A : vector<16xf32> to vector<16xf32>
    tpu.vector_store %arg13[%swap3A], %swap3A_57 {strides = array<i32>} : memref<128xf32, #tpu.memory_space<vmem>>, vector<16xf32>,
    %get3A_58 = arith.constant 1 : i32
    %get3A_59 = arith.index_cast %get3A_58 : i32 to index
    %get3A_60 = arith.constant 0 : index
    %get3A_61 = tpu.vector_load %arg12[%get3A_59, %get3A_60] {strides = array<i32>} : memref<8x16xf32, #tpu.memory_space<vmem>>, vector<1x16xf32>,
    %get3A_62 = vector.shape_cast %get3A_61 : vector<1x16xf32> to vector<16xf32>
    %xor3A_63 = arith.constant 1 : i32
    %xor3A_64 = vector.broadcast %xor3A_63 : i32 to vector<16xi32>
    %xor3A_65 = arith.xori %iota3A, %xor3A_64 : vector<16xi32>
    %lt3A_66 = arith.constant 0 : i32
    %lt3A_67 = vector.broadcast %lt3A_66 : i32 to vector<16xi32>
    %lt3A_68 = arith.cmpi slt, %xor3A_65, %lt3A_67 : vector<16xi32>
    %add3A_69 = arith.constant 16 : i32
    %add3A_70 = vector.broadcast %add3A_69 : i32 to vector<16xi32>
    %add3A_71 = arith.addi %xor3A_65, %add3A_70 : vector<16xi32>
    %select_n3A_72 = arith.select %lt3A_68, %add3A_71, %xor3A_65 : vector<16xi1>, vector<16xi32>
    %broadcast_in_dim3A_73 = vector.shape_cast %select_n3A_72 : vector<16xi32> to vector<16x1xi32>
    %gather3A_74 = vector.shape_cast %broadcast_in_dim3A_73 : vector<16x1xi32> to vector<16xi32>
    %gather3A_75 = tpu.dynamic_gather %get3A_62[%gather3A_74] in [0] : vector<16xf32>, vector<16xi32> -> vector<16xf32>
    %max3A_76 = arith.maximumf %get3A_62, %gather3A_75 : vector<16xf32>
    %xor3A_77 = arith.constant 2 : i32
    %xor3A_78 = vector.broadcast %xor3A_77 : i32 to vector<16xi32>
    %xor3A_79 = arith.xori %iota3A, %xor3A_78 : vector<16xi32>
    %lt3A_80 = arith.constant 0 : i32
    %lt3A_81 = vector.broadcast %lt3A_80 : i32 to vector<16xi32>
    %lt3A_82 = arith.cmpi slt, %xor3A_79, %lt3A_81 : vector<16xi32>
    %add3A_83 = arith.constant 16 : i32
    %add3A_84 = vector.broadcast %add3A_83 : i32 to vector<16xi32>
    %add3A_85 = arith.addi %xor3A_79, %add3A_84 : vector<16xi32>
    %select_n3A_86 = arith.select %lt3A_82, %add3A_85, %xor3A_79 : vector<16xi1>, vector<16xi32>
    %broadcast_in_dim3A_87 = vector.shape_cast %select_n3A_86 : vector<16xi32> to vector<16x1xi32>
    %gather3A_88 = vector.shape_cast %broadcast_in_dim3A_87 : vector<16x1xi32> to vector<16xi32>
    %gather3A_89 = tpu.dynamic_gather %max3A_76[%gather3A_88] in [0] : vector<16xf32>, vector<16xi32> -> vector<16xf32>
    %max3A_90 = arith.maximumf %max3A_76, %gather3A_89 : vector<16xf32>
    %xor3A_91 = arith.constant 4 : i32
    %xor3A_92 = vector.broadcast %xor3A_91 : i32 to vector<16xi32>
    %xor3A_93 = arith.xori %iota3A, %xor3A_92 : vector<16xi32>
    %lt3A_94 = arith.constant 0 : i32
    %lt3A_95 = vector.broadcast %lt3A_94 : i32 to vector<16xi32>
    %lt3A_96 = arith.cmpi slt, %xor3A_93, %lt3A_95 : vector<16xi32>
    %add3A_97 = arith.constant 16 : i32
    %add3A_98 = vector.broadcast %add3A_97 : i32 to vector<16xi32>
    %add3A_99 = arith.addi %xor3A_93, %add3A_98 : vector<16xi32>
    %select_n3A_100 = arith.select %lt3A_96, %add3A_99, %xor3A_93 : vector<16xi1>, vector<16xi32>
    %broadcast_in_dim3A_101 = vector.shape_cast %select_n3A_100 : vector<16xi32> to vector<16x1xi32>
    %gather3A_102 = vector.shape_cast %broadcast_in_dim3A_101 : vector<16x1xi32> to vector<16xi32>
    %gather3A_103 = tpu.dynamic_gather %max3A_90[%gather3A_102] in [0] : vector<16xf32>, vector<16xi32> -> vector<16xf32>
    %max3A_104 = arith.maximumf %max3A_90, %gather3A_103 : vector<16xf32>
    %xor3A_105 = arith.constant 8 : i32
    %xor3A_106 = vector.broadcast %xor3A_105 : i32 to vector<16xi32>
    %xor3A_107 = arith.xori %iota3A, %xor3A_106 : vector<16xi32>
    %lt3A_108 = arith.constant 0 : i32
    %lt3A_109 = vector.broadcast %lt3A_108 : i32 to vector<16xi32>
    %lt3A_110 = arith.cmpi slt, %xor3A_107, %lt3A_109 : vector<16xi32>
    %add3A_111 = arith.constant 16 : i32
    %add3A_112 = vector.broadcast %add3A_111 : i32 to vector<16xi32>
    %add3A_113 = arith.addi %xor3A_107, %add3A_112 : vector<16xi32>
    %select_n3A_114 = arith.select %lt3A_110, %add3A_113, %xor3A_107 : vector<16xi1>, vector<16xi32>
    %broadcast_in_dim3A_115 = vector.shape_cast %select_n3A_114 : vector<16xi32> to vector<16x1xi32>
    %gather3A_116 = vector.shape_cast %broadcast_in_dim3A_115 : vector<16x1xi32> to vector<16xi32>
    %gather3A_117 = tpu.dynamic_gather %max3A_104[%gather3A_116] in [0] : vector<16xf32>, vector<16xi32> -> vector<16xf32>
    %max3A_118 = arith.maximumf %max3A_104, %gather3A_117 : vector<16xf32>
    %sub3A_119 = arith.subf %get3A_62, %max3A_118 : vector<16xf32>
    %exp3A_120 = math.exp %sub3A_119 : vector<16xf32>
    %swap3A_121 = arith.constant 16 : index
    %swap3A_122 = tpu.vector_load %arg13[%swap3A_121] {strides = array<i32>} : memref<128xf32, #tpu.memory_space<vmem>>, vector<16xf32>,
    %swap3A_123 = vector.shape_cast %swap3A_122 : vector<16xf32> to vector<16xf32>
    %swap3A_124 = vector.shape_cast %exp3A_120 : vector<16xf32> to vector<16xf32>
    tpu.vector_store %arg13[%swap3A_121], %swap3A_124 {strides = array<i32>} : memref<128xf32, #tpu.memory_space<vmem>>, vector<16xf32>,
    %get3A_125 = arith.constant 2 : i32
    %get3A_126 = arith.index_cast %get3A_125 : i32 to index
    %get3A_127 = arith.constant 0 : index
    %get3A_128 = tpu.vector_load %arg12[%get3A_126, %get3A_127] {strides = array<i32>} : memref<8x16xf32, #tpu.memory_space<vmem>>, vector<1x16xf32>,
    %get3A_129 = vector.shape_cast %get3A_128 : vector<1x16xf32> to vector<16xf32>
    %xor3A_130 = arith.constant 1 : i32
    %xor3A_131 = vector.broadcast %xor3A_130 : i32 to vector<16xi32>
    %xor3A_132 = arith.xori %iota3A, %xor3A_131 : vector<16xi32>
    %lt3A_133 = arith.constant 0 : i32
    %lt3A_134 = vector.broadcast %lt3A_133 : i32 to vector<16xi32>
    %lt3A_135 = arith.cmpi slt, %xor3A_132, %lt3A_134 : vector<16xi32>
    %add3A_136 = arith.constant 16 : i32
    %add3A_137 = vector.broadcast %add3A_136 : i32 to vector<16xi32>
    %add3A_138 = arith.addi %xor3A_132, %add3A_137 : vector<16xi32>
    %select_n3A_139 = arith.select %lt3A_135, %add3A_138, %xor3A_132 : vector<16xi1>, vector<16xi32>
    %broadcast_in_dim3A_140 = vector.shape_cast %select_n3A_139 : vector<16xi32> to vector<16x1xi32>
    %gather3A_141 = vector.shape_cast %broadcast_in_dim3A_140 : vector<16x1xi32> to vector<16xi32>
    %gather3A_142 = tpu.dynamic_gather %get3A_129[%gather3A_141] in [0] : vector<16xf32>, vector<16xi32> -> vector<16xf32>
    %max3A_143 = arith.maximumf %get3A_129, %gather3A_142 : vector<16xf32>
    %xor3A_144 = arith.constant 2 : i32
    %xor3A_145 = vector.broadcast %xor3A_144 : i32 to vector<16xi32>
    %xor3A_146 = arith.xori %iota3A, %xor3A_145 : vector<16xi32>
    %lt3A_147 = arith.constant 0 : i32
    %lt3A_148 = vector.broadcast %lt3A_147 : i32 to vector<16xi32>
    %lt3A_149 = arith.cmpi slt, %xor3A_146, %lt3A_148 : vector<16xi32>
    %add3A_150 = arith.constant 16 : i32
    %add3A_151 = vector.broadcast %add3A_150 : i32 to vector<16xi32>
    %add3A_152 = arith.addi %xor3A_146, %add3A_151 : vector<16xi32>
    %select_n3A_153 = arith.select %lt3A_149, %add3A_152, %xor3A_146 : vector<16xi1>, vector<16xi32>
    %broadcast_in_dim3A_154 = vector.shape_cast %select_n3A_153 : vector<16xi32> to vector<16x1xi32>
    %gather3A_155 = vector.shape_cast %broadcast_in_dim3A_154 : vector<16x1xi32> to vector<16xi32>
    %gather3A_156 = tpu.dynamic_gather %max3A_143[%gather3A_155] in [0] : vector<16xf32>, vector<16xi32> -> vector<16xf32>
    %max3A_157 = arith.maximumf %max3A_143, %gather3A_156 : vector<16xf32>
    %xor3A_158 = arith.constant 4 : i32
    %xor3A_159 = vector.broadcast %xor3A_158 : i32 to vector<16xi32>
    %xor3A_160 = arith.xori %iota3A, %xor3A_159 : vector<16xi32>
    %lt3A_161 = arith.constant 0 : i32
    %lt3A_162 = vector.broadcast %lt3A_161 : i32 to vector<16xi32>
    %lt3A_163 = arith.cmpi slt, %xor3A_160, %lt3A_162 : vector<16xi32>
    %add3A_164 = arith.constant 16 : i32
    %add3A_165 = vector.broadcast %add3A_164 : i32 to vector<16xi32>
    %add3A_166 = arith.addi %xor3A_160, %add3A_165 : vector<16xi32>
    %select_n3A_167 = arith.select %lt3A_163, %add3A_166, %xor3A_160 : vector<16xi1>, vector<16xi32>
    %broadcast_in_dim3A_168 = vector.shape_cast %select_n3A_167 : vector<16xi32> to vector<16x1xi32>
    %gather3A_169 = vector.shape_cast %broadcast_in_dim3A_168 : vector<16x1xi32> to vector<16xi32>
    %gather3A_170 = tpu.dynamic_gather %max3A_157[%gather3A_169] in [0] : vector<16xf32>, vector<16xi32> -> vector<16xf32>
    %max3A_171 = arith.maximumf %max3A_157, %gather3A_170 : vector<16xf32>
    %xor3A_172 = arith.constant 8 : i32
    %xor3A_173 = vector.broadcast %xor3A_172 : i32 to vector<16xi32>
    %xor3A_174 = arith.xori %iota3A, %xor3A_173 : vector<16xi32>
    %lt3A_175 = arith.constant 0 : i32
    %lt3A_176 = vector.broadcast %lt3A_175 : i32 to vector<16xi32>
    %lt3A_177 = arith.cmpi slt, %xor3A_174, %lt3A_176 : vector<16xi32>
    %add3A_178 = arith.constant 16 : i32
    %add3A_179 = vector.broadcast %add3A_178 : i32 to vector<16xi32>
    %add3A_180 = arith.addi %xor3A_174, %add3A_179 : vector<16xi32>
    %select_n3A_181 = arith.select %lt3A_177, %add3A_180, %xor3A_174 : vector<16xi1>, vector<16xi32>
    %broadcast_in_dim3A_182 = vector.shape_cast %select_n3A_181 : vector<16xi32> to vector<16x1xi32>
    %gather3A_183 = vector.shape_cast %broadcast_in_dim3A_182 : vector<16x1xi32> to vector<16xi32>
    %gather3A_184 = tpu.dynamic_gather %max3A_171[%gather3A_183] in [0] : vector<16xf32>, vector<16xi32> -> vector<16xf32>
    %max3A_185 = arith.maximumf %max3A_171, %gather3A_184 : vector<16xf32>
    %sub3A_186 = arith.subf %get3A_129, %max3A_185 : vector<16xf32>
    %exp3A_187 = math.exp %sub3A_186 : vector<16xf32>
    %swap3A_188 = arith.constant 32 : index
    %swap3A_189 = tpu.vector_load %arg13[%swap3A_188] {strides = array<i32>} : memref<128xf32, #tpu.memory_space<vmem>>, vector<16xf32>,
    %swap3A_190 = vector.shape_cast %swap3A_189 : vector<16xf32> to vector<16xf32>
    %swap3A_191 = vector.shape_cast %exp3A_187 : vector<16xf32> to vector<16xf32>
    tpu.vector_store %arg13[%swap3A_188], %swap3A_191 {strides = array<i32>} : memref<128xf32, #tpu.memory_space<vmem>>, vector<16xf32>,
    %get3A_192 = arith.constant 3 : i32
    %get3A_193 = arith.index_cast %get3A_192 : i32 to index
    %get3A_194 = arith.constant 0 : index
    %get3A_195 = tpu.vector_load %arg12[%get3A_193, %get3A_194] {strides = array<i32>} : memref<8x16xf32, #tpu.memory_space<vmem>>, vector<1x16xf32>,
    %get3A_196 = vector.shape_cast %get3A_195 : vector<1x16xf32> to vector<16xf32>
    %xor3A_197 = arith.constant 1 : i32
    %xor3A_198 = vector.broadcast %xor3A_197 : i32 to vector<16xi32>
    %xor3A_199 = arith.xori %iota3A, %xor3A_198 : vector<16xi32>
    %lt3A_200 = arith.constant 0 : i32
    %lt3A_201 = vector.broadcast %lt3A_200 : i32 to vector<16xi32>
    %lt3A_202 = arith.cmpi slt, %xor3A_199, %lt3A_201 : vector<16xi32>
    %add3A_203 = arith.constant 16 : i32
    %add3A_204 = vector.broadcast %add3A_203 : i32 to vector<16xi32>
    %add3A_205 = arith.addi %xor3A_199, %add3A_204 : vector<16xi32>
    %select_n3A_206 = arith.select %lt3A_202, %add3A_205, %xor3A_199 : vector<16xi1>, vector<16xi32>
    %broadcast_in_dim3A_207 = vector.shape_cast %select_n3A_206 : vector<16xi32> to vector<16x1xi32>
    %gather3A_208 = vector.shape_cast %broadcast_in_dim3A_207 : vector<16x1xi32> to vector<16xi32>
    %gather3A_209 = tpu.dynamic_gather %get3A_196[%gather3A_208] in [0] : vector<16xf32>, vector<16xi32> -> vector<16xf32>
    %max3A_210 = arith.maximumf %get3A_196, %gather3A_209 : vector<16xf32>
    %xor3A_211 = arith.constant 2 : i32
    %xor3A_212 = vector.broadcast %xor3A_211 : i32 to vector<16xi32>
    %xor3A_213 = arith.xori %iota3A, %xor3A_212 : vector<16xi32>
    %lt3A_214 = arith.constant 0 : i32
    %lt3A_215 = vector.broadcast %lt3A_214 : i32 to vector<16xi32>
    %lt3A_216 = arith.cmpi slt, %xor3A_213, %lt3A_215 : vector<16xi32>
    %add3A_217 = arith.constant 16 : i32
    %add3A_218 = vector.broadcast %add3A_217 : i32 to vector<16xi32>
    %add3A_219 = arith.addi %xor3A_213, %add3A_218 : vector<16xi32>
    %select_n3A_220 = arith.select %lt3A_216, %add3A_219, %xor3A_213 : vector<16xi1>, vector<16xi32>
    %broadcast_in_dim3A_221 = vector.shape_cast %select_n3A_220 : vector<16xi32> to vector<16x1xi32>
    %gather3A_222 = vector.shape_cast %broadcast_in_dim3A_221 : vector<16x1xi32> to vector<16xi32>
    %gather3A_223 = tpu.dynamic_gather %max3A_210[%gather3A_222] in [0] : vector<16xf32>, vector<16xi32> -> vector<16xf32>
    %max3A_224 = arith.maximumf %max3A_210, %gather3A_223 : vector<16xf32>
    %xor3A_225 = arith.constant 4 : i32
    %xor3A_226 = vector.broadcast %xor3A_225 : i32 to vector<16xi32>
    %xor3A_227 = arith.xori %iota3A, %xor3A_226 : vector<16xi32>
    %lt3A_228 = arith.constant 0 : i32
    %lt3A_229 = vector.broadcast %lt3A_228 : i32 to vector<16xi32>
    %lt3A_230 = arith.cmpi slt, %xor3A_227, %lt3A_229 : vector<16xi32>
    %add3A_231 = arith.constant 16 : i32
    %add3A_232 = vector.broadcast %add3A_231 : i32 to vector<16xi32>
    %add3A_233 = arith.addi %xor3A_227, %add3A_232 : vector<16xi32>
    %select_n3A_234 = arith.select %lt3A_230, %add3A_233, %xor3A_227 : vector<16xi1>, vector<16xi32>
    %broadcast_in_dim3A_235 = vector.shape_cast %select_n3A_234 : vector<16xi32> to vector<16x1xi32>
    %gather3A_236 = vector.shape_cast %broadcast_in_dim3A_235 : vector<16x1xi32> to vector<16xi32>
    %gather3A_237 = tpu.dynamic_gather %max3A_224[%gather3A_236] in [0] : vector<16xf32>, vector<16xi32> -> vector<16xf32>
    %max3A_238 = arith.maximumf %max3A_224, %gather3A_237 : vector<16xf32>
    %xor3A_239 = arith.constant 8 : i32
    %xor3A_240 = vector.broadcast %xor3A_239 : i32 to vector<16xi32>
    %xor3A_241 = arith.xori %iota3A, %xor3A_240 : vector<16xi32>
    %lt3A_242 = arith.constant 0 : i32
    %lt3A_243 = vector.broadcast %lt3A_242 : i32 to vector<16xi32>
    %lt3A_244 = arith.cmpi slt, %xor3A_241, %lt3A_243 : vector<16xi32>
    %add3A_245 = arith.constant 16 : i32
    %add3A_246 = vector.broadcast %add3A_245 : i32 to vector<16xi32>
    %add3A_247 = arith.addi %xor3A_241, %add3A_246 : vector<16xi32>
    %select_n3A_248 = arith.select %lt3A_244, %add3A_247, %xor3A_241 : vector<16xi1>, vector<16xi32>
    %broadcast_in_dim3A_249 = vector.shape_cast %select_n3A_248 : vector<16xi32> to vector<16x1xi32>
    %gather3A_250 = vector.shape_cast %broadcast_in_dim3A_249 : vector<16x1xi32> to vector<16xi32>
    %gather3A_251 = tpu.dynamic_gather %max3A_238[%gather3A_250] in [0] : vector<16xf32>, vector<16xi32> -> vector<16xf32>
    %max3A_252 = arith.maximumf %max3A_238, %gather3A_251 : vector<16xf32>
    %sub3A_253 = arith.subf %get3A_196, %max3A_252 : vector<16xf32>
    %exp3A_254 = math.exp %sub3A_253 : vector<16xf32>
    %swap3A_255 = arith.constant 48 : index
    %swap3A_256 = tpu.vector_load %arg13[%swap3A_255] {strides = array<i32>} : memref<128xf32, #tpu.memory_space<vmem>>, vector<16xf32>,
    %swap3A_257 = vector.shape_cast %swap3A_256 : vector<16xf32> to vector<16xf32>
    %swap3A_258 = vector.shape_cast %exp3A_254 : vector<16xf32> to vector<16xf32>
    tpu.vector_store %arg13[%swap3A_255], %swap3A_258 {strides = array<i32>} : memref<128xf32, #tpu.memory_space<vmem>>, vector<16xf32>,
    %get3A_259 = arith.constant 4 : i32
    %get3A_260 = arith.index_cast %get3A_259 : i32 to index
    %get3A_261 = arith.constant 0 : index
    %get3A_262 = tpu.vector_load %arg12[%get3A_260, %get3A_261] {strides = array<i32>} : memref<8x16xf32, #tpu.memory_space<vmem>>, vector<1x16xf32>,
    %get3A_263 = vector.shape_cast %get3A_262 : vector<1x16xf32> to vector<16xf32>
    %xor3A_264 = arith.constant 1 : i32
    %xor3A_265 = vector.broadcast %xor3A_264 : i32 to vector<16xi32>
    %xor3A_266 = arith.xori %iota3A, %xor3A_265 : vector<16xi32>
    %lt3A_267 = arith.constant 0 : i32
    %lt3A_268 = vector.broadcast %lt3A_267 : i32 to vector<16xi32>
    %lt3A_269 = arith.cmpi slt, %xor3A_266, %lt3A_268 : vector<16xi32>
    %add3A_270 = arith.constant 16 : i32
    %add3A_271 = vector.broadcast %add3A_270 : i32 to vector<16xi32>
    %add3A_272 = arith.addi %xor3A_266, %add3A_271 : vector<16xi32>
    %select_n3A_273 = arith.select %lt3A_269, %add3A_272, %xor3A_266 : vector<16xi1>, vector<16xi32>
    %broadcast_in_dim3A_274 = vector.shape_cast %select_n3A_273 : vector<16xi32> to vector<16x1xi32>
    %gather3A_275 = vector.shape_cast %broadcast_in_dim3A_274 : vector<16x1xi32> to vector<16xi32>
    %gather3A_276 = tpu.dynamic_gather %get3A_263[%gather3A_275] in [0] : vector<16xf32>, vector<16xi32> -> vector<16xf32>
    %max3A_277 = arith.maximumf %get3A_263, %gather3A_276 : vector<16xf32>
    %xor3A_278 = arith.constant 2 : i32
    %xor3A_279 = vector.broadcast %xor3A_278 : i32 to vector<16xi32>
    %xor3A_280 = arith.xori %iota3A, %xor3A_279 : vector<16xi32>
    %lt3A_281 = arith.constant 0 : i32
    %lt3A_282 = vector.broadcast %lt3A_281 : i32 to vector<16xi32>
    %lt3A_283 = arith.cmpi slt, %xor3A_280, %lt3A_282 : vector<16xi32>
    %add3A_284 = arith.constant 16 : i32
    %add3A_285 = vector.broadcast %add3A_284 : i32 to vector<16xi32>
    %add3A_286 = arith.addi %xor3A_280, %add3A_285 : vector<16xi32>
    %select_n3A_287 = arith.select %lt3A_283, %add3A_286, %xor3A_280 : vector<16xi1>, vector<16xi32>
    %broadcast_in_dim3A_288 = vector.shape_cast %select_n3A_287 : vector<16xi32> to vector<16x1xi32>
    %gather3A_289 = vector.shape_cast %broadcast_in_dim3A_288 : vector<16x1xi32> to vector<16xi32>
    %gather3A_290 = tpu.dynamic_gather %max3A_277[%gather3A_289] in [0] : vector<16xf32>, vector<16xi32> -> vector<16xf32>
    %max3A_291 = arith.maximumf %max3A_277, %gather3A_290 : vector<16xf32>
    %xor3A_292 = arith.constant 4 : i32
    %xor3A_293 = vector.broadcast %xor3A_292 : i32 to vector<16xi32>
    %xor3A_294 = arith.xori %iota3A, %xor3A_293 : vector<16xi32>
    %lt3A_295 = arith.constant 0 : i32
    %lt3A_296 = vector.broadcast %lt3A_295 : i32 to vector<16xi32>
    %lt3A_297 = arith.cmpi slt, %xor3A_294, %lt3A_296 : vector<16xi32>
    %add3A_298 = arith.constant 16 : i32
    %add3A_299 = vector.broadcast %add3A_298 : i32 to vector<16xi32>
    %add3A_300 = arith.addi %xor3A_294, %add3A_299 : vector<16xi32>
    %select_n3A_301 = arith.select %lt3A_297, %add3A_300, %xor3A_294 : vector<16xi1>, vector<16xi32>
    %broadcast_in_dim3A_302 = vector.shape_cast %select_n3A_301 : vector<16xi32> to vector<16x1xi32>
    %gather3A_303 = vector.shape_cast %broadcast_in_dim3A_302 : vector<16x1xi32> to vector<16xi32>
    %gather3A_304 = tpu.dynamic_gather %max3A_291[%gather3A_303] in [0] : vector<16xf32>, vector<16xi32> -> vector<16xf32>
    %max3A_305 = arith.maximumf %max3A_291, %gather3A_304 : vector<16xf32>
    %xor3A_306 = arith.constant 8 : i32
    %xor3A_307 = vector.broadcast %xor3A_306 : i32 to vector<16xi32>
    %xor3A_308 = arith.xori %iota3A, %xor3A_307 : vector<16xi32>
    %lt3A_309 = arith.constant 0 : i32
    %lt3A_310 = vector.broadcast %lt3A_309 : i32 to vector<16xi32>
    %lt3A_311 = arith.cmpi slt, %xor3A_308, %lt3A_310 : vector<16xi32>
    %add3A_312 = arith.constant 16 : i32
    %add3A_313 = vector.broadcast %add3A_312 : i32 to vector<16xi32>
    %add3A_314 = arith.addi %xor3A_308, %add3A_313 : vector<16xi32>
    %select_n3A_315 = arith.select %lt3A_311, %add3A_314, %xor3A_308 : vector<16xi1>, vector<16xi32>
    %broadcast_in_dim3A_316 = vector.shape_cast %select_n3A_315 : vector<16xi32> to vector<16x1xi32>
    %gather3A_317 = vector.shape_cast %broadcast_in_dim3A_316 : vector<16x1xi32> to vector<16xi32>
    %gather3A_318 = tpu.dynamic_gather %max3A_305[%gather3A_317] in [0] : vector<16xf32>, vector<16xi32> -> vector<16xf32>
    %max3A_319 = arith.maximumf %max3A_305, %gather3A_318 : vector<16xf32>
    %sub3A_320 = arith.subf %get3A_263, %max3A_319 : vector<16xf32>
    %exp3A_321 = math.exp %sub3A_320 : vector<16xf32>
    %swap3A_322 = arith.constant 64 : index
    %swap3A_323 = tpu.vector_load %arg13[%swap3A_322] {strides = array<i32>} : memref<128xf32, #tpu.memory_space<vmem>>, vector<16xf32>,
    %swap3A_324 = vector.shape_cast %swap3A_323 : vector<16xf32> to vector<16xf32>
    %swap3A_325 = vector.shape_cast %exp3A_321 : vector<16xf32> to vector<16xf32>
    tpu.vector_store %arg13[%swap3A_322], %swap3A_325 {strides = array<i32>} : memref<128xf32, #tpu.memory_space<vmem>>, vector<16xf32>,
    %get3A_326 = arith.constant 5 : i32
    %get3A_327 = arith.index_cast %get3A_326 : i32 to index
    %get3A_328 = arith.constant 0 : index
    %get3A_329 = tpu.vector_load %arg12[%get3A_327, %get3A_328] {strides = array<i32>} : memref<8x16xf32, #tpu.memory_space<vmem>>, vector<1x16xf32>,
    %get3A_330 = vector.shape_cast %get3A_329 : vector<1x16xf32> to vector<16xf32>
    %xor3A_331 = arith.constant 1 : i32
    %xor3A_332 = vector.broadcast %xor3A_331 : i32 to vector<16xi32>
    %xor3A_333 = arith.xori %iota3A, %xor3A_332 : vector<16xi32>
    %lt3A_334 = arith.constant 0 : i32
    %lt3A_335 = vector.broadcast %lt3A_334 : i32 to vector<16xi32>
    %lt3A_336 = arith.cmpi slt, %xor3A_333, %lt3A_335 : vector<16xi32>
    %add3A_337 = arith.constant 16 : i32
    %add3A_338 = vector.broadcast %add3A_337 : i32 to vector<16xi32>
    %add3A_339 = arith.addi %xor3A_333, %add3A_338 : vector<16xi32>
    %select_n3A_340 = arith.select %lt3A_336, %add3A_339, %xor3A_333 : vector<16xi1>, vector<16xi32>
    %broadcast_in_dim3A_341 = vector.shape_cast %select_n3A_340 : vector<16xi32> to vector<16x1xi32>
    %gather3A_342 = vector.shape_cast %broadcast_in_dim3A_341 : vector<16x1xi32> to vector<16xi32>
    %gather3A_343 = tpu.dynamic_gather %get3A_330[%gather3A_342] in [0] : vector<16xf32>, vector<16xi32> -> vector<16xf32>
    %max3A_344 = arith.maximumf %get3A_330, %gather3A_343 : vector<16xf32>
    %xor3A_345 = arith.constant 2 : i32
    %xor3A_346 = vector.broadcast %xor3A_345 : i32 to vector<16xi32>
    %xor3A_347 = arith.xori %iota3A, %xor3A_346 : vector<16xi32>
    %lt3A_348 = arith.constant 0 : i32
    %lt3A_349 = vector.broadcast %lt3A_348 : i32 to vector<16xi32>
    %lt3A_350 = arith.cmpi slt, %xor3A_347, %lt3A_349 : vector<16xi32>
    %add3A_351 = arith.constant 16 : i32
    %add3A_352 = vector.broadcast %add3A_351 : i32 to vector<16xi32>
    %add3A_353 = arith.addi %xor3A_347, %add3A_352 : vector<16xi32>
    %select_n3A_354 = arith.select %lt3A_350, %add3A_353, %xor3A_347 : vector<16xi1>, vector<16xi32>
    %broadcast_in_dim3A_355 = vector.shape_cast %select_n3A_354 : vector<16xi32> to vector<16x1xi32>
    %gather3A_356 = vector.shape_cast %broadcast_in_dim3A_355 : vector<16x1xi32> to vector<16xi32>
    %gather3A_357 = tpu.dynamic_gather %max3A_344[%gather3A_356] in [0] : vector<16xf32>, vector<16xi32> -> vector<16xf32>
    %max3A_358 = arith.maximumf %max3A_344, %gather3A_357 : vector<16xf32>
    %xor3A_359 = arith.constant 4 : i32
    %xor3A_360 = vector.broadcast %xor3A_359 : i32 to vector<16xi32>
    %xor3A_361 = arith.xori %iota3A, %xor3A_360 : vector<16xi32>
    %lt3A_362 = arith.constant 0 : i32
    %lt3A_363 = vector.broadcast %lt3A_362 : i32 to vector<16xi32>
    %lt3A_364 = arith.cmpi slt, %xor3A_361, %lt3A_363 : vector<16xi32>
    %add3A_365 = arith.constant 16 : i32
    %add3A_366 = vector.broadcast %add3A_365 : i32 to vector<16xi32>
    %add3A_367 = arith.addi %xor3A_361, %add3A_366 : vector<16xi32>
    %select_n3A_368 = arith.select %lt3A_364, %add3A_367, %xor3A_361 : vector<16xi1>, vector<16xi32>
    %broadcast_in_dim3A_369 = vector.shape_cast %select_n3A_368 : vector<16xi32> to vector<16x1xi32>
    %gather3A_370 = vector.shape_cast %broadcast_in_dim3A_369 : vector<16x1xi32> to vector<16xi32>
    %gather3A_371 = tpu.dynamic_gather %max3A_358[%gather3A_370] in [0] : vector<16xf32>, vector<16xi32> -> vector<16xf32>
    %max3A_372 = arith.maximumf %max3A_358, %gather3A_371 : vector<16xf32>
    %xor3A_373 = arith.constant 8 : i32
    %xor3A_374 = vector.broadcast %xor3A_373 : i32 to vector<16xi32>
    %xor3A_375 = arith.xori %iota3A, %xor3A_374 : vector<16xi32>
    %lt3A_376 = arith.constant 0 : i32
    %lt3A_377 = vector.broadcast %lt3A_376 : i32 to vector<16xi32>
    %lt3A_378 = arith.cmpi slt, %xor3A_375, %lt3A_377 : vector<16xi32>
    %add3A_379 = arith.constant 16 : i32
    %add3A_380 = vector.broadcast %add3A_379 : i32 to vector<16xi32>
    %add3A_381 = arith.addi %xor3A_375, %add3A_380 : vector<16xi32>
    %select_n3A_382 = arith.select %lt3A_378, %add3A_381, %xor3A_375 : vector<16xi1>, vector<16xi32>
    %broadcast_in_dim3A_383 = vector.shape_cast %select_n3A_382 : vector<16xi32> to vector<16x1xi32>
    %gather3A_384 = vector.shape_cast %broadcast_in_dim3A_383 : vector<16x1xi32> to vector<16xi32>
    %gather3A_385 = tpu.dynamic_gather %max3A_372[%gather3A_384] in [0] : vector<16xf32>, vector<16xi32> -> vector<16xf32>
    %max3A_386 = arith.maximumf %max3A_372, %gather3A_385 : vector<16xf32>
    %sub3A_387 = arith.subf %get3A_330, %max3A_386 : vector<16xf32>
    %exp3A_388 = math.exp %sub3A_387 : vector<16xf32>
    %swap3A_389 = arith.constant 80 : index
    %swap3A_390 = tpu.vector_load %arg13[%swap3A_389] {strides = array<i32>} : memref<128xf32, #tpu.memory_space<vmem>>, vector<16xf32>,
    %swap3A_391 = vector.shape_cast %swap3A_390 : vector<16xf32> to vector<16xf32>
    %swap3A_392 = vector.shape_cast %exp3A_388 : vector<16xf32> to vector<16xf32>
    tpu.vector_store %arg13[%swap3A_389], %swap3A_392 {strides = array<i32>} : memref<128xf32, #tpu.memory_space<vmem>>, vector<16xf32>,
    %get3A_393 = arith.constant 6 : i32
    %get3A_394 = arith.index_cast %get3A_393 : i32 to index
    %get3A_395 = arith.constant 0 : index
    %get3A_396 = tpu.vector_load %arg12[%get3A_394, %get3A_395] {strides = array<i32>} : memref<8x16xf32, #tpu.memory_space<vmem>>, vector<1x16xf32>,
    %get3A_397 = vector.shape_cast %get3A_396 : vector<1x16xf32> to vector<16xf32>
    %xor3A_398 = arith.constant 1 : i32
    %xor3A_399 = vector.broadcast %xor3A_398 : i32 to vector<16xi32>
    %xor3A_400 = arith.xori %iota3A, %xor3A_399 : vector<16xi32>
    %lt3A_401 = arith.constant 0 : i32
    %lt3A_402 = vector.broadcast %lt3A_401 : i32 to vector<16xi32>
    %lt3A_403 = arith.cmpi slt, %xor3A_400, %lt3A_402 : vector<16xi32>
    %add3A_404 = arith.constant 16 : i32
    %add3A_405 = vector.broadcast %add3A_404 : i32 to vector<16xi32>
    %add3A_406 = arith.addi %xor3A_400, %add3A_405 : vector<16xi32>
    %select_n3A_407 = arith.select %lt3A_403, %add3A_406, %xor3A_400 : vector<16xi1>, vector<16xi32>
    %broadcast_in_dim3A_408 = vector.shape_cast %select_n3A_407 : vector<16xi32> to vector<16x1xi32>
    %gather3A_409 = vector.shape_cast %broadcast_in_dim3A_408 : vector<16x1xi32> to vector<16xi32>
    %gather3A_410 = tpu.dynamic_gather %get3A_397[%gather3A_409] in [0] : vector<16xf32>, vector<16xi32> -> vector<16xf32>
    %max3A_411 = arith.maximumf %get3A_397, %gather3A_410 : vector<16xf32>
    %xor3A_412 = arith.constant 2 : i32
    %xor3A_413 = vector.broadcast %xor3A_412 : i32 to vector<16xi32>
    %xor3A_414 = arith.xori %iota3A, %xor3A_413 : vector<16xi32>
    %lt3A_415 = arith.constant 0 : i32
    %lt3A_416 = vector.broadcast %lt3A_415 : i32 to vector<16xi32>
    %lt3A_417 = arith.cmpi slt, %xor3A_414, %lt3A_416 : vector<16xi32>
    %add3A_418 = arith.constant 16 : i32
    %add3A_419 = vector.broadcast %add3A_418 : i32 to vector<16xi32>
    %add3A_420 = arith.addi %xor3A_414, %add3A_419 : vector<16xi32>
    %select_n3A_421 = arith.select %lt3A_417, %add3A_420, %xor3A_414 : vector<16xi1>, vector<16xi32>
    %broadcast_in_dim3A_422 = vector.shape_cast %select_n3A_421 : vector<16xi32> to vector<16x1xi32>
    %gather3A_423 = vector.shape_cast %broadcast_in_dim3A_422 : vector<16x1xi32> to vector<16xi32>
    %gather3A_424 = tpu.dynamic_gather %max3A_411[%gather3A_423] in [0] : vector<16xf32>, vector<16xi32> -> vector<16xf32>
    %max3A_425 = arith.maximumf %max3A_411, %gather3A_424 : vector<16xf32>
    %xor3A_426 = arith.constant 4 : i32
    %xor3A_427 = vector.broadcast %xor3A_426 : i32 to vector<16xi32>
    %xor3A_428 = arith.xori %iota3A, %xor3A_427 : vector<16xi32>
    %lt3A_429 = arith.constant 0 : i32
    %lt3A_430 = vector.broadcast %lt3A_429 : i32 to vector<16xi32>
    %lt3A_431 = arith.cmpi slt, %xor3A_428, %lt3A_430 : vector<16xi32>
    %add3A_432 = arith.constant 16 : i32
    %add3A_433 = vector.broadcast %add3A_432 : i32 to vector<16xi32>
    %add3A_434 = arith.addi %xor3A_428, %add3A_433 : vector<16xi32>
    %select_n3A_435 = arith.select %lt3A_431, %add3A_434, %xor3A_428 : vector<16xi1>, vector<16xi32>
    %broadcast_in_dim3A_436 = vector.shape_cast %select_n3A_435 : vector<16xi32> to vector<16x1xi32>
    %gather3A_437 = vector.shape_cast %broadcast_in_dim3A_436 : vector<16x1xi32> to vector<16xi32>
    %gather3A_438 = tpu.dynamic_gather %max3A_425[%gather3A_437] in [0] : vector<16xf32>, vector<16xi32> -> vector<16xf32>
    %max3A_439 = arith.maximumf %max3A_425, %gather3A_438 : vector<16xf32>
    %xor3A_440 = arith.constant 8 : i32
    %xor3A_441 = vector.broadcast %xor3A_440 : i32 to vector<16xi32>
    %xor3A_442 = arith.xori %iota3A, %xor3A_441 : vector<16xi32>
    %lt3A_443 = arith.constant 0 : i32
    %lt3A_444 = vector.broadcast %lt3A_443 : i32 to vector<16xi32>
    %lt3A_445 = arith.cmpi slt, %xor3A_442, %lt3A_444 : vector<16xi32>
    %add3A_446 = arith.constant 16 : i32
    %add3A_447 = vector.broadcast %add3A_446 : i32 to vector<16xi32>
    %add3A_448 = arith.addi %xor3A_442, %add3A_447 : vector<16xi32>
    %select_n3A_449 = arith.select %lt3A_445, %add3A_448, %xor3A_442 : vector<16xi1>, vector<16xi32>
    %broadcast_in_dim3A_450 = vector.shape_cast %select_n3A_449 : vector<16xi32> to vector<16x1xi32>
    %gather3A_451 = vector.shape_cast %broadcast_in_dim3A_450 : vector<16x1xi32> to vector<16xi32>
    %gather3A_452 = tpu.dynamic_gather %max3A_439[%gather3A_451] in [0] : vector<16xf32>, vector<16xi32> -> vector<16xf32>
    %max3A_453 = arith.maximumf %max3A_439, %gather3A_452 : vector<16xf32>
    %sub3A_454 = arith.subf %get3A_397, %max3A_453 : vector<16xf32>
    %exp3A_455 = math.exp %sub3A_454 : vector<16xf32>
    %swap3A_456 = arith.constant 96 : index
    %swap3A_457 = tpu.vector_load %arg13[%swap3A_456] {strides = array<i32>} : memref<128xf32, #tpu.memory_space<vmem>>, vector<16xf32>,
    %swap3A_458 = vector.shape_cast %swap3A_457 : vector<16xf32> to vector<16xf32>
    %swap3A_459 = vector.shape_cast %exp3A_455 : vector<16xf32> to vector<16xf32>
    tpu.vector_store %arg13[%swap3A_456], %swap3A_459 {strides = array<i32>} : memref<128xf32, #tpu.memory_space<vmem>>, vector<16xf32>,
    %get3A_460 = arith.constant 7 : i32
    %get3A_461 = arith.index_cast %get3A_460 : i32 to index
    %get3A_462 = arith.constant 0 : index
    %get3A_463 = tpu.vector_load %arg12[%get3A_461, %get3A_462] {strides = array<i32>} : memref<8x16xf32, #tpu.memory_space<vmem>>, vector<1x16xf32>,
    %get3A_464 = vector.shape_cast %get3A_463 : vector<1x16xf32> to vector<16xf32>
    %xor3A_465 = arith.constant 1 : i32
    %xor3A_466 = vector.broadcast %xor3A_465 : i32 to vector<16xi32>
    %xor3A_467 = arith.xori %iota3A, %xor3A_466 : vector<16xi32>
    %lt3A_468 = arith.constant 0 : i32
    %lt3A_469 = vector.broadcast %lt3A_468 : i32 to vector<16xi32>
    %lt3A_470 = arith.cmpi slt, %xor3A_467, %lt3A_469 : vector<16xi32>
    %add3A_471 = arith.constant 16 : i32
    %add3A_472 = vector.broadcast %add3A_471 : i32 to vector<16xi32>
    %add3A_473 = arith.addi %xor3A_467, %add3A_472 : vector<16xi32>
    %select_n3A_474 = arith.select %lt3A_470, %add3A_473, %xor3A_467 : vector<16xi1>, vector<16xi32>
    %broadcast_in_dim3A_475 = vector.shape_cast %select_n3A_474 : vector<16xi32> to vector<16x1xi32>
    %gather3A_476 = vector.shape_cast %broadcast_in_dim3A_475 : vector<16x1xi32> to vector<16xi32>
    %gather3A_477 = tpu.dynamic_gather %get3A_464[%gather3A_476] in [0] : vector<16xf32>, vector<16xi32> -> vector<16xf32>
    %max3A_478 = arith.maximumf %get3A_464, %gather3A_477 : vector<16xf32>
    %xor3A_479 = arith.constant 2 : i32
    %xor3A_480 = vector.broadcast %xor3A_479 : i32 to vector<16xi32>
    %xor3A_481 = arith.xori %iota3A, %xor3A_480 : vector<16xi32>
    %lt3A_482 = arith.constant 0 : i32
    %lt3A_483 = vector.broadcast %lt3A_482 : i32 to vector<16xi32>
    %lt3A_484 = arith.cmpi slt, %xor3A_481, %lt3A_483 : vector<16xi32>
    %add3A_485 = arith.constant 16 : i32
    %add3A_486 = vector.broadcast %add3A_485 : i32 to vector<16xi32>
    %add3A_487 = arith.addi %xor3A_481, %add3A_486 : vector<16xi32>
    %select_n3A_488 = arith.select %lt3A_484, %add3A_487, %xor3A_481 : vector<16xi1>, vector<16xi32>
    %broadcast_in_dim3A_489 = vector.shape_cast %select_n3A_488 : vector<16xi32> to vector<16x1xi32>
    %gather3A_490 = vector.shape_cast %broadcast_in_dim3A_489 : vector<16x1xi32> to vector<16xi32>
    %gather3A_491 = tpu.dynamic_gather %max3A_478[%gather3A_490] in [0] : vector<16xf32>, vector<16xi32> -> vector<16xf32>
    %max3A_492 = arith.maximumf %max3A_478, %gather3A_491 : vector<16xf32>
    %xor3A_493 = arith.constant 4 : i32
    %xor3A_494 = vector.broadcast %xor3A_493 : i32 to vector<16xi32>
    %xor3A_495 = arith.xori %iota3A, %xor3A_494 : vector<16xi32>
    %lt3A_496 = arith.constant 0 : i32
    %lt3A_497 = vector.broadcast %lt3A_496 : i32 to vector<16xi32>
    %lt3A_498 = arith.cmpi slt, %xor3A_495, %lt3A_497 : vector<16xi32>
    %add3A_499 = arith.constant 16 : i32
    %add3A_500 = vector.broadcast %add3A_499 : i32 to vector<16xi32>
    %add3A_501 = arith.addi %xor3A_495, %add3A_500 : vector<16xi32>
    %select_n3A_502 = arith.select %lt3A_498, %add3A_501, %xor3A_495 : vector<16xi1>, vector<16xi32>
    %broadcast_in_dim3A_503 = vector.shape_cast %select_n3A_502 : vector<16xi32> to vector<16x1xi32>
    %gather3A_504 = vector.shape_cast %broadcast_in_dim3A_503 : vector<16x1xi32> to vector<16xi32>
    %gather3A_505 = tpu.dynamic_gather %max3A_492[%gather3A_504] in [0] : vector<16xf32>, vector<16xi32> -> vector<16xf32>
    %max3A_506 = arith.maximumf %max3A_492, %gather3A_505 : vector<16xf32>
    %xor3A_507 = arith.constant 8 : i32
    %xor3A_508 = vector.broadcast %xor3A_507 : i32 to vector<16xi32>
    %xor3A_509 = arith.xori %iota3A, %xor3A_508 : vector<16xi32>
    %lt3A_510 = arith.constant 0 : i32
    %lt3A_511 = vector.broadcast %lt3A_510 : i32 to vector<16xi32>
    %lt3A_512 = arith.cmpi slt, %xor3A_509, %lt3A_511 : vector<16xi32>
    %add3A_513 = arith.constant 16 : i32
    %add3A_514 = vector.broadcast %add3A_513 : i32 to vector<16xi32>
    %add3A_515 = arith.addi %xor3A_509, %add3A_514 : vector<16xi32>
    %select_n3A_516 = arith.select %lt3A_512, %add3A_515, %xor3A_509 : vector<16xi1>, vector<16xi32>
    %broadcast_in_dim3A_517 = vector.shape_cast %select_n3A_516 : vector<16xi32> to vector<16x1xi32>
    %gather3A_518 = vector.shape_cast %broadcast_in_dim3A_517 : vector<16x1xi32> to vector<16xi32>
    %gather3A_519 = tpu.dynamic_gather %max3A_506[%gather3A_518] in [0] : vector<16xf32>, vector<16xi32> -> vector<16xf32>
    %max3A_520 = arith.maximumf %max3A_506, %gather3A_519 : vector<16xf32>
    %sub3A_521 = arith.subf %get3A_464, %max3A_520 : vector<16xf32>
    %exp3A_522 = math.exp %sub3A_521 : vector<16xf32>
    %swap3A_523 = arith.constant 112 : index
    %swap3A_524 = tpu.vector_load %arg13[%swap3A_523] {strides = array<i32>} : memref<128xf32, #tpu.memory_space<vmem>>, vector<16xf32>,
    %swap3A_525 = vector.shape_cast %swap3A_524 : vector<16xf32> to vector<16xf32>
    %swap3A_526 = vector.shape_cast %exp3A_522 : vector<16xf32> to vector<16xf32>
    tpu.vector_store %arg13[%swap3A_523], %swap3A_526 {strides = array<i32>} : memref<128xf32, #tpu.memory_space<vmem>>, vector<16xf32>,
    %convert_element_type3A = arith.sitofp %arg0 : i32 to f32
    %broadcast_in_dim3A_527 = vector.broadcast %convert_element_type3A : f32 to vector<16xf32>
    %get3A_528 = arith.constant 0 : index
    %get3A_529 = tpu.vector_load %arg13[%get3A_528] {strides = array<i32>} : memref<128xf32, #tpu.memory_space<vmem>>, vector<16xf32>,
    %get3A_530 = vector.shape_cast %get3A_529 : vector<16xf32> to vector<16xf32>
    %get3A_531 = arith.constant 16 : index
    %get3A_532 = tpu.vector_load %arg13[%get3A_531] {strides = array<i32>} : memref<128xf32, #tpu.memory_space<vmem>>, vector<16xf32>,
    %get3A_533 = vector.shape_cast %get3A_532 : vector<16xf32> to vector<16xf32>
    %get3A_534 = arith.constant 32 : index
    %get3A_535 = tpu.vector_load %arg13[%get3A_534] {strides = array<i32>} : memref<128xf32, #tpu.memory_space<vmem>>, vector<16xf32>,
    %get3A_536 = vector.shape_cast %get3A_535 : vector<16xf32> to vector<16xf32>
    %get3A_537 = arith.constant 48 : index
    %get3A_538 = tpu.vector_load %arg13[%get3A_537] {strides = array<i32>} : memref<128xf32, #tpu.memory_space<vmem>>, vector<16xf32>,
    %get3A_539 = vector.shape_cast %get3A_538 : vector<16xf32> to vector<16xf32>
    %get3A_540 = arith.constant 64 : index
    %get3A_541 = tpu.vector_load %arg13[%get3A_540] {strides = array<i32>} : memref<128xf32, #tpu.memory_space<vmem>>, vector<16xf32>,
    %get3A_542 = vector.shape_cast %get3A_541 : vector<16xf32> to vector<16xf32>
    %get3A_543 = arith.constant 80 : index
    %get3A_544 = tpu.vector_load %arg13[%get3A_543] {strides = array<i32>} : memref<128xf32, #tpu.memory_space<vmem>>, vector<16xf32>,
    %get3A_545 = vector.shape_cast %get3A_544 : vector<16xf32> to vector<16xf32>
    %get3A_546 = arith.constant 96 : index
    %get3A_547 = tpu.vector_load %arg13[%get3A_546] {strides = array<i32>} : memref<128xf32, #tpu.memory_space<vmem>>, vector<16xf32>,
    %get3A_548 = vector.shape_cast %get3A_547 : vector<16xf32> to vector<16xf32>
    %get3A_549 = arith.constant 112 : index
    %get3A_550 = tpu.vector_load %arg13[%get3A_549] {strides = array<i32>} : memref<128xf32, #tpu.memory_space<vmem>>, vector<16xf32>,
    %get3A_551 = vector.shape_cast %get3A_550 : vector<16xf32> to vector<16xf32>
    %shift_right_logical3A = arith.constant 2 : i32
    %shift_right_logical3A_552 = vector.broadcast %shift_right_logical3A : i32 to vector<16xi32>
    %shift_right_logical3A_553 = arith.shrui %iota3A, %shift_right_logical3A_552 : vector<16xi32>
    %scan3A = arith.constant 0 : i32
    %scan3A_554 = arith.constant 0 : i32
    %scan3A_555 = arith.constant 16 : i32
    %scan3A_556 = arith.addi %scan3A_554, %scan3A_555 : i32
    %scan3A_557 = arith.constant 1 : i32
    %scan3A_558 = scf.for %scan3A_610 = %scan3A_554 to %scan3A_556 step %scan3A_557 iter_args(%scan3A_611 = %scan3A) -> (i32)  : i32 {
      %broadcast_in_dim3A_612 = vector.broadcast %scan3A_610 : i32 to vector<16xi32>
      %mul3A_613 = arith.constant 128 : i32
      %mul3A_614 = arith.muli %scan3A_610, %mul3A_613 : i32
      %lt3A_615 = arith.constant 0 : i32
      %lt3A_616 = vector.broadcast %lt3A_615 : i32 to vector<16xi32>
      %lt3A_617 = arith.cmpi slt, %broadcast_in_dim3A_612, %lt3A_616 : vector<16xi32>
      %add3A_618 = arith.constant 16 : i32
      %add3A_619 = vector.broadcast %add3A_618 : i32 to vector<16xi32>
      %add3A_620 = arith.addi %broadcast_in_dim3A_612, %add3A_619 : vector<16xi32>
      %select_n3A_621 = arith.select %lt3A_617, %add3A_620, %broadcast_in_dim3A_612 : vector<16xi1>, vector<16xi32>
      %broadcast_in_dim3A_622 = vector.shape_cast %select_n3A_621 : vector<16xi32> to vector<16x1xi32>
      %gather3A_623 = vector.shape_cast %broadcast_in_dim3A_622 : vector<16x1xi32> to vector<16xi32>
      %gather3A_624 = tpu.dynamic_gather %get3A_530[%gather3A_623] in [0] : vector<16xf32>, vector<16xi32> -> vector<16xf32>
      %lt3A_625 = arith.constant 0 : i32
      %lt3A_626 = vector.broadcast %lt3A_625 : i32 to vector<16xi32>
      %lt3A_627 = arith.cmpi slt, %broadcast_in_dim3A_612, %lt3A_626 : vector<16xi32>
      %add3A_628 = arith.constant 16 : i32
      %add3A_629 = vector.broadcast %add3A_628 : i32 to vector<16xi32>
      %add3A_630 = arith.addi %broadcast_in_dim3A_612, %add3A_629 : vector<16xi32>
      %select_n3A_631 = arith.select %lt3A_627, %add3A_630, %broadcast_in_dim3A_612 : vector<16xi1>, vector<16xi32>
      %broadcast_in_dim3A_632 = vector.shape_cast %select_n3A_631 : vector<16xi32> to vector<16x1xi32>
      %gather3A_633 = vector.shape_cast %broadcast_in_dim3A_632 : vector<16x1xi32> to vector<16xi32>
      %gather3A_634 = tpu.dynamic_gather %get3A_533[%gather3A_633] in [0] : vector<16xf32>, vector<16xi32> -> vector<16xf32>
      %lt3A_635 = arith.constant 0 : i32
      %lt3A_636 = vector.broadcast %lt3A_635 : i32 to vector<16xi32>
      %lt3A_637 = arith.cmpi slt, %broadcast_in_dim3A_612, %lt3A_636 : vector<16xi32>
      %add3A_638 = arith.constant 16 : i32
      %add3A_639 = vector.broadcast %add3A_638 : i32 to vector<16xi32>
      %add3A_640 = arith.addi %broadcast_in_dim3A_612, %add3A_639 : vector<16xi32>
      %select_n3A_641 = arith.select %lt3A_637, %add3A_640, %broadcast_in_dim3A_612 : vector<16xi1>, vector<16xi32>
      %broadcast_in_dim3A_642 = vector.shape_cast %select_n3A_641 : vector<16xi32> to vector<16x1xi32>
      %gather3A_643 = vector.shape_cast %broadcast_in_dim3A_642 : vector<16x1xi32> to vector<16xi32>
      %gather3A_644 = tpu.dynamic_gather %get3A_536[%gather3A_643] in [0] : vector<16xf32>, vector<16xi32> -> vector<16xf32>
      %lt3A_645 = arith.constant 0 : i32
      %lt3A_646 = vector.broadcast %lt3A_645 : i32 to vector<16xi32>
      %lt3A_647 = arith.cmpi slt, %broadcast_in_dim3A_612, %lt3A_646 : vector<16xi32>
      %add3A_648 = arith.constant 16 : i32
      %add3A_649 = vector.broadcast %add3A_648 : i32 to vector<16xi32>
      %add3A_650 = arith.addi %broadcast_in_dim3A_612, %add3A_649 : vector<16xi32>
      %select_n3A_651 = arith.select %lt3A_647, %add3A_650, %broadcast_in_dim3A_612 : vector<16xi1>, vector<16xi32>
      %broadcast_in_dim3A_652 = vector.shape_cast %select_n3A_651 : vector<16xi32> to vector<16x1xi32>
      %gather3A_653 = vector.shape_cast %broadcast_in_dim3A_652 : vector<16x1xi32> to vector<16xi32>
      %gather3A_654 = tpu.dynamic_gather %get3A_539[%gather3A_653] in [0] : vector<16xf32>, vector<16xi32> -> vector<16xf32>
      %lt3A_655 = arith.constant 0 : i32
      %lt3A_656 = vector.broadcast %lt3A_655 : i32 to vector<16xi32>
      %lt3A_657 = arith.cmpi slt, %broadcast_in_dim3A_612, %lt3A_656 : vector<16xi32>
      %add3A_658 = arith.constant 16 : i32
      %add3A_659 = vector.broadcast %add3A_658 : i32 to vector<16xi32>
      %add3A_660 = arith.addi %broadcast_in_dim3A_612, %add3A_659 : vector<16xi32>
      %select_n3A_661 = arith.select %lt3A_657, %add3A_660, %broadcast_in_dim3A_612 : vector<16xi1>, vector<16xi32>
      %broadcast_in_dim3A_662 = vector.shape_cast %select_n3A_661 : vector<16xi32> to vector<16x1xi32>
      %gather3A_663 = vector.shape_cast %broadcast_in_dim3A_662 : vector<16x1xi32> to vector<16xi32>
      %gather3A_664 = tpu.dynamic_gather %get3A_542[%gather3A_663] in [0] : vector<16xf32>, vector<16xi32> -> vector<16xf32>
      %lt3A_665 = arith.constant 0 : i32
      %lt3A_666 = vector.broadcast %lt3A_665 : i32 to vector<16xi32>
      %lt3A_667 = arith.cmpi slt, %broadcast_in_dim3A_612, %lt3A_666 : vector<16xi32>
      %add3A_668 = arith.constant 16 : i32
      %add3A_669 = vector.broadcast %add3A_668 : i32 to vector<16xi32>
      %add3A_670 = arith.addi %broadcast_in_dim3A_612, %add3A_669 : vector<16xi32>
      %select_n3A_671 = arith.select %lt3A_667, %add3A_670, %broadcast_in_dim3A_612 : vector<16xi1>, vector<16xi32>
      %broadcast_in_dim3A_672 = vector.shape_cast %select_n3A_671 : vector<16xi32> to vector<16x1xi32>
      %gather3A_673 = vector.shape_cast %broadcast_in_dim3A_672 : vector<16x1xi32> to vector<16xi32>
      %gather3A_674 = tpu.dynamic_gather %get3A_545[%gather3A_673] in [0] : vector<16xf32>, vector<16xi32> -> vector<16xf32>
      %lt3A_675 = arith.constant 0 : i32
      %lt3A_676 = vector.broadcast %lt3A_675 : i32 to vector<16xi32>
      %lt3A_677 = arith.cmpi slt, %broadcast_in_dim3A_612, %lt3A_676 : vector<16xi32>
      %add3A_678 = arith.constant 16 : i32
      %add3A_679 = vector.broadcast %add3A_678 : i32 to vector<16xi32>
      %add3A_680 = arith.addi %broadcast_in_dim3A_612, %add3A_679 : vector<16xi32>
      %select_n3A_681 = arith.select %lt3A_677, %add3A_680, %broadcast_in_dim3A_612 : vector<16xi1>, vector<16xi32>
      %broadcast_in_dim3A_682 = vector.shape_cast %select_n3A_681 : vector<16xi32> to vector<16x1xi32>
      %gather3A_683 = vector.shape_cast %broadcast_in_dim3A_682 : vector<16x1xi32> to vector<16xi32>
      %gather3A_684 = tpu.dynamic_gather %get3A_548[%gather3A_683] in [0] : vector<16xf32>, vector<16xi32> -> vector<16xf32>
      %lt3A_685 = arith.constant 0 : i32
      %lt3A_686 = vector.broadcast %lt3A_685 : i32 to vector<16xi32>
      %lt3A_687 = arith.cmpi slt, %broadcast_in_dim3A_612, %lt3A_686 : vector<16xi32>
      %add3A_688 = arith.constant 16 : i32
      %add3A_689 = vector.broadcast %add3A_688 : i32 to vector<16xi32>
      %add3A_690 = arith.addi %broadcast_in_dim3A_612, %add3A_689 : vector<16xi32>
      %select_n3A_691 = arith.select %lt3A_687, %add3A_690, %broadcast_in_dim3A_612 : vector<16xi1>, vector<16xi32>
      %broadcast_in_dim3A_692 = vector.shape_cast %select_n3A_691 : vector<16xi32> to vector<16x1xi32>
      %gather3A_693 = vector.shape_cast %broadcast_in_dim3A_692 : vector<16x1xi32> to vector<16xi32>
      %gather3A_694 = tpu.dynamic_gather %get3A_551[%gather3A_693] in [0] : vector<16xf32>, vector<16xi32> -> vector<16xf32>
      %sub3A_695 = arith.constant 1.000000e+00 : f32
      %sub3A_696 = vector.broadcast %sub3A_695 : f32 to vector<16xf32>
      %sub3A_697 = arith.subf %sub3A_696, %broadcast_in_dim3A_527 : vector<16xf32>
      %mul3A_698 = arith.mulf %gather3A_624, %sub3A_697 : vector<16xf32>
      %mul3A_699 = arith.mulf %gather3A_664, %broadcast_in_dim3A_527 : vector<16xf32>
      %add3A_700 = arith.addf %mul3A_698, %mul3A_699 : vector<16xf32>
      %add3A_701 = arith.constant 0 : i32
      %add3A_702 = arith.addi %mul3A_614, %add3A_701 : i32
      %swap3A_703 = arith.index_cast %add3A_702 : i32 to index
      %swap3A_704 = tpu.vector_load %arg14[%swap3A_703] {strides = array<i32>} : memref<2048xf32, #tpu.memory_space<vmem>>, vector<16xf32>,
      %swap3A_705 = vector.shape_cast %swap3A_704 : vector<16xf32> to vector<16xf32>
      %swap3A_706 = vector.shape_cast %add3A_700 : vector<16xf32> to vector<16xf32>
      tpu.vector_store %arg14[%swap3A_703], %swap3A_706 {strides = array<i32>} : memref<2048xf32, #tpu.memory_space<vmem>>, vector<16xf32>,
      %sub3A_707 = arith.constant 1.000000e+00 : f32
      %sub3A_708 = vector.broadcast %sub3A_707 : f32 to vector<16xf32>
      %sub3A_709 = arith.subf %sub3A_708, %broadcast_in_dim3A_527 : vector<16xf32>
      %mul3A_710 = arith.mulf %gather3A_634, %sub3A_709 : vector<16xf32>
      %mul3A_711 = arith.mulf %gather3A_674, %broadcast_in_dim3A_527 : vector<16xf32>
      %add3A_712 = arith.addf %mul3A_710, %mul3A_711 : vector<16xf32>
      %add3A_713 = arith.constant 16 : i32
      %add3A_714 = arith.addi %mul3A_614, %add3A_713 : i32
      %swap3A_715 = arith.index_cast %add3A_714 : i32 to index
      %swap3A_716 = tpu.vector_load %arg14[%swap3A_715] {strides = array<i32>} : memref<2048xf32, #tpu.memory_space<vmem>>, vector<16xf32>,
      %swap3A_717 = vector.shape_cast %swap3A_716 : vector<16xf32> to vector<16xf32>
      %swap3A_718 = vector.shape_cast %add3A_712 : vector<16xf32> to vector<16xf32>
      tpu.vector_store %arg14[%swap3A_715], %swap3A_718 {strides = array<i32>} : memref<2048xf32, #tpu.memory_space<vmem>>, vector<16xf32>,
      %sub3A_719 = arith.constant 1.000000e+00 : f32
      %sub3A_720 = vector.broadcast %sub3A_719 : f32 to vector<16xf32>
      %sub3A_721 = arith.subf %sub3A_720, %broadcast_in_dim3A_527 : vector<16xf32>
      %mul3A_722 = arith.mulf %gather3A_644, %sub3A_721 : vector<16xf32>
      %mul3A_723 = arith.mulf %gather3A_684, %broadcast_in_dim3A_527 : vector<16xf32>
      %add3A_724 = arith.addf %mul3A_722, %mul3A_723 : vector<16xf32>
      %add3A_725 = arith.constant 32 : i32
      %add3A_726 = arith.addi %mul3A_614, %add3A_725 : i32
      %swap3A_727 = arith.index_cast %add3A_726 : i32 to index
      %swap3A_728 = tpu.vector_load %arg14[%swap3A_727] {strides = array<i32>} : memref<2048xf32, #tpu.memory_space<vmem>>, vector<16xf32>,
      %swap3A_729 = vector.shape_cast %swap3A_728 : vector<16xf32> to vector<16xf32>
      %swap3A_730 = vector.shape_cast %add3A_724 : vector<16xf32> to vector<16xf32>
      tpu.vector_store %arg14[%swap3A_727], %swap3A_730 {strides = array<i32>} : memref<2048xf32, #tpu.memory_space<vmem>>, vector<16xf32>,
      %sub3A_731 = arith.constant 1.000000e+00 : f32
      %sub3A_732 = vector.broadcast %sub3A_731 : f32 to vector<16xf32>
      %sub3A_733 = arith.subf %sub3A_732, %broadcast_in_dim3A_527 : vector<16xf32>
      %mul3A_734 = arith.mulf %gather3A_654, %sub3A_733 : vector<16xf32>
      %mul3A_735 = arith.mulf %gather3A_694, %broadcast_in_dim3A_527 : vector<16xf32>
      %add3A_736 = arith.addf %mul3A_734, %mul3A_735 : vector<16xf32>
      %add3A_737 = arith.constant 48 : i32
      %add3A_738 = arith.addi %mul3A_614, %add3A_737 : i32
      %swap3A_739 = arith.index_cast %add3A_738 : i32 to index
      %swap3A_740 = tpu.vector_load %arg14[%swap3A_739] {strides = array<i32>} : memref<2048xf32, #tpu.memory_space<vmem>>, vector<16xf32>,
      %swap3A_741 = vector.shape_cast %swap3A_740 : vector<16xf32> to vector<16xf32>
      %swap3A_742 = vector.shape_cast %add3A_736 : vector<16xf32> to vector<16xf32>
      tpu.vector_store %arg14[%swap3A_739], %swap3A_742 {strides = array<i32>} : memref<2048xf32, #tpu.memory_space<vmem>>, vector<16xf32>,
      %eq3A_743 = arith.constant 0 : i32
      %eq3A_744 = vector.broadcast %eq3A_743 : i32 to vector<16xi32>
      %eq3A_745 = arith.cmpi eq, %shift_right_logical3A_553, %eq3A_744 : vector<16xi32>
      %select_n3A_746 = arith.select %eq3A_745, %gather3A_624, %broadcast_in_dim3A_0 : vector<16xi1>, vector<16xf32>
      %eq3A_747 = arith.constant 0 : i32
      %eq3A_748 = vector.broadcast %eq3A_747 : i32 to vector<16xi32>
      %eq3A_749 = arith.cmpi eq, %shift_right_logical3A_553, %eq3A_748 : vector<16xi32>
      %select_n3A_750 = arith.select %eq3A_749, %gather3A_664, %broadcast_in_dim3A_0 : vector<16xi1>, vector<16xf32>
      %eq3A_751 = arith.constant 1 : i32
      %eq3A_752 = vector.broadcast %eq3A_751 : i32 to vector<16xi32>
      %eq3A_753 = arith.cmpi eq, %shift_right_logical3A_553, %eq3A_752 : vector<16xi32>
      %select_n3A_754 = arith.select %eq3A_753, %gather3A_634, %select_n3A_746 : vector<16xi1>, vector<16xf32>
      %eq3A_755 = arith.constant 1 : i32
      %eq3A_756 = vector.broadcast %eq3A_755 : i32 to vector<16xi32>
      %eq3A_757 = arith.cmpi eq, %shift_right_logical3A_553, %eq3A_756 : vector<16xi32>
      %select_n3A_758 = arith.select %eq3A_757, %gather3A_674, %select_n3A_750 : vector<16xi1>, vector<16xf32>
      %eq3A_759 = arith.constant 2 : i32
      %eq3A_760 = vector.broadcast %eq3A_759 : i32 to vector<16xi32>
      %eq3A_761 = arith.cmpi eq, %shift_right_logical3A_553, %eq3A_760 : vector<16xi32>
      %select_n3A_762 = arith.select %eq3A_761, %gather3A_644, %select_n3A_754 : vector<16xi1>, vector<16xf32>
      %eq3A_763 = arith.constant 2 : i32
      %eq3A_764 = vector.broadcast %eq3A_763 : i32 to vector<16xi32>
      %eq3A_765 = arith.cmpi eq, %shift_right_logical3A_553, %eq3A_764 : vector<16xi32>
      %select_n3A_766 = arith.select %eq3A_765, %gather3A_684, %select_n3A_758 : vector<16xi1>, vector<16xf32>
      %eq3A_767 = arith.constant 3 : i32
      %eq3A_768 = vector.broadcast %eq3A_767 : i32 to vector<16xi32>
      %eq3A_769 = arith.cmpi eq, %shift_right_logical3A_553, %eq3A_768 : vector<16xi32>
      %select_n3A_770 = arith.select %eq3A_769, %gather3A_654, %select_n3A_762 : vector<16xi1>, vector<16xf32>
      %eq3A_771 = arith.constant 3 : i32
      %eq3A_772 = vector.broadcast %eq3A_771 : i32 to vector<16xi32>
      %eq3A_773 = arith.cmpi eq, %shift_right_logical3A_553, %eq3A_772 : vector<16xi32>
      %select_n3A_774 = arith.select %eq3A_773, %gather3A_694, %select_n3A_766 : vector<16xi1>, vector<16xf32>
      %add3A_775 = arith.constant 64 : i32
      %add3A_776 = arith.addi %mul3A_614, %add3A_775 : i32
      %swap3A_777 = arith.index_cast %add3A_776 : i32 to index
      %swap3A_778 = tpu.vector_load %arg14[%swap3A_777] {strides = array<i32>} : memref<2048xf32, #tpu.memory_space<vmem>>, vector<16xf32>,
      %swap3A_779 = vector.shape_cast %swap3A_778 : vector<16xf32> to vector<16xf32>
      %swap3A_780 = vector.shape_cast %select_n3A_770 : vector<16xf32> to vector<16xf32>
      tpu.vector_store %arg14[%swap3A_777], %swap3A_780 {strides = array<i32>} : memref<2048xf32, #tpu.memory_space<vmem>>, vector<16xf32>,
      %add3A_781 = arith.constant 64 : i32
      %add3A_782 = arith.addi %mul3A_614, %add3A_781 : i32
      %add3A_783 = arith.constant 16 : i32
      %add3A_784 = arith.addi %add3A_782, %add3A_783 : i32
      %swap3A_785 = arith.index_cast %add3A_784 : i32 to index
      %swap3A_786 = tpu.vector_load %arg14[%swap3A_785] {strides = array<i32>} : memref<2048xf32, #tpu.memory_space<vmem>>, vector<16xf32>,
      %swap3A_787 = vector.shape_cast %swap3A_786 : vector<16xf32> to vector<16xf32>
      %swap3A_788 = vector.shape_cast %select_n3A_774 : vector<16xf32> to vector<16xf32>
      tpu.vector_store %arg14[%swap3A_785], %swap3A_788 {strides = array<i32>} : memref<2048xf32, #tpu.memory_space<vmem>>, vector<16xf32>,
      %scan3A_789 = arith.constant 0 : i32
      scf.yield %scan3A_789 : i32
    }
    %scan3A_559 = arith.constant 16 : i32
    %eq3A = arith.constant 0 : i32
    %eq3A_560 = arith.cmpi eq, %arg1, %eq3A : i32
    %convert_element_type3A_561 = arith.extui %eq3A_560 : i1 to i32
    %cond3A = arith.constant 0 : i32
    %cond3A_562 = arith.cmpi ne, %convert_element_type3A_561, %cond3A : i32
    scf.if %cond3A_562 {
      %scan3A_610 = arith.constant 0 : i32
      %scan3A_611 = arith.constant 0 : i32
      %scan3A_612 = arith.constant 16 : i32
      %scan3A_613 = arith.addi %scan3A_611, %scan3A_612 : i32
      %scan3A_614 = arith.constant 1 : i32
      %scan3A_615 = scf.for %scan3A_617 = %scan3A_611 to %scan3A_613 step %scan3A_614 iter_args(%scan3A_618 = %scan3A_610) -> (i32)  : i32 {
        %mul3A_619 = arith.constant 128 : i32
        %mul3A_620 = arith.muli %scan3A_617, %mul3A_619 : i32
        "tpu.region"() ({
          %run_scoped3A = tpu.sem_alloc : memref<!tpu.dma_semaphore, #tpu.memory_space<semaphore_mem>>
          %dma_start3A = tpu.memref_slice %arg14[%mul3A_620] : memref<2048xf32, #tpu.memory_space<vmem>> -> memref<128xf32, #tpu.memory_space<vmem>>
          %dma_start3A_622 = arith.constant 0 : i32
          %dma_start3A_623 = tpu.memref_slice %arg11[%scan3A_617, %dma_start3A_622] : memref<16x128xf32, #tpu.memory_space<vmem_shared>> -> memref<1x128xf32, #tpu.memory_space<vmem_shared>>
          %dma_start3A_624 = tpu.memref_squeeze %dma_start3A_623 : memref<1x128xf32, #tpu.memory_space<vmem_shared>> -> memref<128xf32, #tpu.memory_space<vmem_shared>>
          %dma_start3A_625 = arith.constant 0 : i32
          %dma_start3A_626 = tpu.memref_slice %arg11[%scan3A_617, %dma_start3A_625] : memref<16x128xf32, #tpu.memory_space<vmem_shared>> -> memref<1x128xf32, #tpu.memory_space<vmem_shared>>
          %dma_start3A_627 = tpu.memref_squeeze %dma_start3A_626 : memref<1x128xf32, #tpu.memory_space<vmem_shared>> -> memref<128xf32, #tpu.memory_space<vmem_shared>>
          %dma_start3A_628 = tpu.memref_slice %arg14[%mul3A_620] : memref<2048xf32, #tpu.memory_space<vmem>> -> memref<128xf32, #tpu.memory_space<vmem>>
          tpu.enqueue_dma source(%dma_start3A_628 : memref<128xf32, #tpu.memory_space<vmem>>) target(%dma_start3A_627 : memref<128xf32, #tpu.memory_space<vmem_shared>>) target_semaphore(%run_scoped3A : memref<!tpu.dma_semaphore, #tpu.memory_space<semaphore_mem>>)
          %dma_wait3A_629 = tpu.memref_slice %arg14[%mul3A_620] : memref<2048xf32, #tpu.memory_space<vmem>> -> memref<128xf32, #tpu.memory_space<vmem>>
          %dma_wait3A_630 = arith.constant 0 : i32
          %dma_wait3A_631 = tpu.memref_slice %arg11[%scan3A_617, %dma_wait3A_630] : memref<16x128xf32, #tpu.memory_space<vmem_shared>> -> memref<1x128xf32, #tpu.memory_space<vmem_shared>>
          %dma_wait3A_632 = tpu.memref_squeeze %dma_wait3A_631 : memref<1x128xf32, #tpu.memory_space<vmem_shared>> -> memref<128xf32, #tpu.memory_space<vmem_shared>>
          %dma_wait3A_633 = arith.constant 0 : i32
          %dma_wait3A_634 = tpu.memref_slice %arg11[%scan3A_617, %dma_wait3A_633] : memref<16x128xf32, #tpu.memory_space<vmem_shared>> -> memref<1x128xf32, #tpu.memory_space<vmem_shared>>
          %dma_wait3A_635 = tpu.memref_squeeze %dma_wait3A_634 : memref<1x128xf32, #tpu.memory_space<vmem_shared>> -> memref<128xf32, #tpu.memory_space<vmem_shared>>
          %dma_wait3A_636 = tpu.memref_slice %arg14[%mul3A_620] : memref<2048xf32, #tpu.memory_space<vmem>> -> memref<128xf32, #tpu.memory_space<vmem>>
          tpu.wait_dma2 semaphore(%run_scoped3A : memref<!tpu.dma_semaphore, #tpu.memory_space<semaphore_mem>>) src(%dma_wait3A_636 : memref<128xf32, #tpu.memory_space<vmem>>) dst(%dma_wait3A_635 : memref<128xf32, #tpu.memory_space<vmem_shared>>)
          tpu.yield
        }) : () -> ()
        %scan3A_621 = arith.constant 0 : i32
        scf.yield %scan3A_621 : i32
      }
      %scan3A_616 = arith.constant 16 : i32
    } else {
    }
    %scan3A_563 = arith.constant 0 : i32
    %scan3A_564 = arith.constant 0 : i32
    %scan3A_565 = arith.constant 25 : i32
    %scan3A_566 = arith.addi %scan3A_564, %scan3A_565 : i32
    %scan3A_567 = arith.constant 1 : i32
    %scan3A_568 = scf.for %scan3A_610 = %scan3A_564 to %scan3A_566 step %scan3A_567 iter_args(%scan3A_611 = %scan3A_563) -> (i32)  : i32 {
      %swap3A_612 = arith.index_cast %scan3A_610 : i32 to index
      %swap3A_613 = arith.constant 0 : index
      %swap3A_614 = tpu.vector_load %arg24[%swap3A_612, %swap3A_613] {strides = array<i32>} : memref<80x128xf32, #tpu.memory_space<vmem>>, vector<1x16xf32>,
      %swap3A_615 = vector.shape_cast %swap3A_614 : vector<1x16xf32> to vector<16xf32>
      %swap3A_616 = vector.shape_cast %broadcast_in_dim3A_0 : vector<16xf32> to vector<1x16xf32>
      tpu.vector_store %arg24[%swap3A_612, %swap3A_613], %swap3A_616 {strides = array<i32>} : memref<80x128xf32, #tpu.memory_space<vmem>>, vector<1x16xf32>,
      %swap3A_617 = arith.index_cast %scan3A_610 : i32 to index
      %swap3A_618 = arith.constant 16 : index
      %swap3A_619 = tpu.vector_load %arg24[%swap3A_617, %swap3A_618] {strides = array<i32>} : memref<80x128xf32, #tpu.memory_space<vmem>>, vector<1x16xf32>,
      %swap3A_620 = vector.shape_cast %swap3A_619 : vector<1x16xf32> to vector<16xf32>
      %swap3A_621 = vector.shape_cast %broadcast_in_dim3A_0 : vector<16xf32> to vector<1x16xf32>
      tpu.vector_store %arg24[%swap3A_617, %swap3A_618], %swap3A_621 {strides = array<i32>} : memref<80x128xf32, #tpu.memory_space<vmem>>, vector<1x16xf32>,
      %swap3A_622 = arith.index_cast %scan3A_610 : i32 to index
      %swap3A_623 = arith.constant 32 : index
      %swap3A_624 = tpu.vector_load %arg24[%swap3A_622, %swap3A_623] {strides = array<i32>} : memref<80x128xf32, #tpu.memory_space<vmem>>, vector<1x16xf32>,
      %swap3A_625 = vector.shape_cast %swap3A_624 : vector<1x16xf32> to vector<16xf32>
      %swap3A_626 = vector.shape_cast %broadcast_in_dim3A_0 : vector<16xf32> to vector<1x16xf32>
      tpu.vector_store %arg24[%swap3A_622, %swap3A_623], %swap3A_626 {strides = array<i32>} : memref<80x128xf32, #tpu.memory_space<vmem>>, vector<1x16xf32>,
      %swap3A_627 = arith.index_cast %scan3A_610 : i32 to index
      %swap3A_628 = arith.constant 48 : index
      %swap3A_629 = tpu.vector_load %arg24[%swap3A_627, %swap3A_628] {strides = array<i32>} : memref<80x128xf32, #tpu.memory_space<vmem>>, vector<1x16xf32>,
      %swap3A_630 = vector.shape_cast %swap3A_629 : vector<1x16xf32> to vector<16xf32>
      %swap3A_631 = vector.shape_cast %broadcast_in_dim3A_0 : vector<16xf32> to vector<1x16xf32>
      tpu.vector_store %arg24[%swap3A_627, %swap3A_628], %swap3A_631 {strides = array<i32>} : memref<80x128xf32, #tpu.memory_space<vmem>>, vector<1x16xf32>,
      %swap3A_632 = arith.index_cast %scan3A_610 : i32 to index
      %swap3A_633 = arith.constant 64 : index
      %swap3A_634 = tpu.vector_load %arg24[%swap3A_632, %swap3A_633] {strides = array<i32>} : memref<80x128xf32, #tpu.memory_space<vmem>>, vector<1x16xf32>,
      %swap3A_635 = vector.shape_cast %swap3A_634 : vector<1x16xf32> to vector<16xf32>
      %swap3A_636 = vector.shape_cast %broadcast_in_dim3A_0 : vector<16xf32> to vector<1x16xf32>
      tpu.vector_store %arg24[%swap3A_632, %swap3A_633], %swap3A_636 {strides = array<i32>} : memref<80x128xf32, #tpu.memory_space<vmem>>, vector<1x16xf32>,
      %swap3A_637 = arith.index_cast %scan3A_610 : i32 to index
      %swap3A_638 = arith.constant 80 : index
      %swap3A_639 = tpu.vector_load %arg24[%swap3A_637, %swap3A_638] {strides = array<i32>} : memref<80x128xf32, #tpu.memory_space<vmem>>, vector<1x16xf32>,
      %swap3A_640 = vector.shape_cast %swap3A_639 : vector<1x16xf32> to vector<16xf32>
      %swap3A_641 = vector.shape_cast %broadcast_in_dim3A_0 : vector<16xf32> to vector<1x16xf32>
      tpu.vector_store %arg24[%swap3A_637, %swap3A_638], %swap3A_641 {strides = array<i32>} : memref<80x128xf32, #tpu.memory_space<vmem>>, vector<1x16xf32>,
      %swap3A_642 = arith.index_cast %scan3A_610 : i32 to index
      %swap3A_643 = arith.constant 96 : index
      %swap3A_644 = tpu.vector_load %arg24[%swap3A_642, %swap3A_643] {strides = array<i32>} : memref<80x128xf32, #tpu.memory_space<vmem>>, vector<1x16xf32>,
      %swap3A_645 = vector.shape_cast %swap3A_644 : vector<1x16xf32> to vector<16xf32>
      %swap3A_646 = vector.shape_cast %broadcast_in_dim3A_0 : vector<16xf32> to vector<1x16xf32>
      tpu.vector_store %arg24[%swap3A_642, %swap3A_643], %swap3A_646 {strides = array<i32>} : memref<80x128xf32, #tpu.memory_space<vmem>>, vector<1x16xf32>,
      %swap3A_647 = arith.index_cast %scan3A_610 : i32 to index
      %swap3A_648 = arith.constant 112 : index
      %swap3A_649 = tpu.vector_load %arg24[%swap3A_647, %swap3A_648] {strides = array<i32>} : memref<80x128xf32, #tpu.memory_space<vmem>>, vector<1x16xf32>,
      %swap3A_650 = vector.shape_cast %swap3A_649 : vector<1x16xf32> to vector<16xf32>
      %swap3A_651 = vector.shape_cast %broadcast_in_dim3A_0 : vector<16xf32> to vector<1x16xf32>
      tpu.vector_store %arg24[%swap3A_647, %swap3A_648], %swap3A_651 {strides = array<i32>} : memref<80x128xf32, #tpu.memory_space<vmem>>, vector<1x16xf32>,
      %scan3A_652 = arith.constant 0 : i32
      scf.yield %scan3A_652 : i32
    }
    %scan3A_569 = arith.constant 25 : i32
    %scan3A_570 = arith.constant 0 : i32
    %scan3A_571 = arith.constant 0 : i32
    %scan3A_572 = arith.constant 25 : i32
    %scan3A_573 = arith.addi %scan3A_571, %scan3A_572 : i32
    %scan3A_574 = arith.constant 1 : i32
    %scan3A_575 = scf.for %scan3A_610 = %scan3A_571 to %scan3A_573 step %scan3A_574 iter_args(%scan3A_611 = %scan3A_570) -> (i32)  : i32 {
      %mul3A_612 = arith.constant 625 : i32
      %mul3A_613 = arith.muli %arg1, %mul3A_612 : i32
      %mul3A_614 = arith.constant 25 : i32
      %mul3A_615 = arith.muli %scan3A_610, %mul3A_614 : i32
      %add3A_616 = arith.addi %mul3A_613, %mul3A_615 : i32
      "tpu.region"() ({
        %run_scoped3A = tpu.sem_alloc : memref<!tpu.dma_semaphore, #tpu.memory_space<semaphore_mem>>
        %dma_start3A = arith.constant 0 : i32
        %dma_start3A_618 = arith.constant 0 : i32
        %dma_start3A_619 = tpu.memref_slice %arg24[%dma_start3A, %dma_start3A_618] : memref<80x128xf32, #tpu.memory_space<vmem>> -> memref<25x128xf32, #tpu.memory_space<vmem>>
        %dma_start3A_620 = arith.constant 0 : i32
        %dma_start3A_621 = tpu.memref_slice %arg10[%add3A_616, %dma_start3A_620] : memref<10000x128xf32, #tpu.memory_space<vmem_shared>> -> memref<25x128xf32, #tpu.memory_space<vmem_shared>>
        %dma_start3A_622 = arith.constant 0 : i32
        %dma_start3A_623 = tpu.memref_slice %arg10[%add3A_616, %dma_start3A_622] : memref<10000x128xf32, #tpu.memory_space<vmem_shared>> -> memref<25x128xf32, #tpu.memory_space<vmem_shared>>
        %dma_start3A_624 = arith.constant 0 : i32
        %dma_start3A_625 = arith.constant 0 : i32
        %dma_start3A_626 = tpu.memref_slice %arg24[%dma_start3A_624, %dma_start3A_625] : memref<80x128xf32, #tpu.memory_space<vmem>> -> memref<25x128xf32, #tpu.memory_space<vmem>>
        tpu.enqueue_dma source(%dma_start3A_626 : memref<25x128xf32, #tpu.memory_space<vmem>>) target(%dma_start3A_623 : memref<25x128xf32, #tpu.memory_space<vmem_shared>>) target_semaphore(%run_scoped3A : memref<!tpu.dma_semaphore, #tpu.memory_space<semaphore_mem>>)
        %dma_wait3A_627 = arith.constant 0 : i32
        %dma_wait3A_628 = arith.constant 0 : i32
        %dma_wait3A_629 = tpu.memref_slice %arg24[%dma_wait3A_627, %dma_wait3A_628] : memref<80x128xf32, #tpu.memory_space<vmem>> -> memref<25x128xf32, #tpu.memory_space<vmem>>
        %dma_wait3A_630 = arith.constant 0 : i32
        %dma_wait3A_631 = tpu.memref_slice %arg10[%add3A_616, %dma_wait3A_630] : memref<10000x128xf32, #tpu.memory_space<vmem_shared>> -> memref<25x128xf32, #tpu.memory_space<vmem_shared>>
        %dma_wait3A_632 = arith.constant 0 : i32
        %dma_wait3A_633 = tpu.memref_slice %arg10[%add3A_616, %dma_wait3A_632] : memref<10000x128xf32, #tpu.memory_space<vmem_shared>> -> memref<25x128xf32, #tpu.memory_space<vmem_shared>>
        %dma_wait3A_634 = arith.constant 0 : i32
        %dma_wait3A_635 = arith.constant 0 : i32
        %dma_wait3A_636 = tpu.memref_slice %arg24[%dma_wait3A_634, %dma_wait3A_635] : memref<80x128xf32, #tpu.memory_space<vmem>> -> memref<25x128xf32, #tpu.memory_space<vmem>>
        tpu.wait_dma2 semaphore(%run_scoped3A : memref<!tpu.dma_semaphore, #tpu.memory_space<semaphore_mem>>) src(%dma_wait3A_636 : memref<25x128xf32, #tpu.memory_space<vmem>>) dst(%dma_wait3A_633 : memref<25x128xf32, #tpu.memory_space<vmem_shared>>)
        tpu.yield
      }) : () -> ()
      %scan3A_617 = arith.constant 0 : i32
      scf.yield %scan3A_617 : i32
    }
    %scan3A_576 = arith.constant 25 : i32
    %barrier3A = arith.constant 0 : index
    tpu.barrier barrier_id(%barrier3A)
    %mul3A = arith.constant 64 : i32
    %mul3A_577 = arith.muli %arg0, %mul3A : i32
    %scan3A_578 = arith.constant 0 : i32
    %scan3A_579 = arith.constant 0 : i32
    %scan3A_580 = arith.constant 250 : i32
    %scan3A_581 = arith.addi %scan3A_579, %scan3A_580 : i32
    %scan3A_582 = arith.constant 1 : i32
    %scan3A_583 = scf.for %scan3A_610 = %scan3A_579 to %scan3A_581 step %scan3A_582 iter_args(%scan3A_611 = %scan3A_578) -> (i32)  : i32 {
      %gt3A = arith.constant 0 : i32
      %gt3A_612 = arith.cmpi sgt, %scan3A_610, %gt3A : i32
      %convert_element_type3A_613 = arith.extui %gt3A_612 : i1 to i32
      %cond3A_614 = arith.constant 0 : i32
      %cond3A_615 = arith.cmpi ne, %convert_element_type3A_613, %cond3A_614 : i32
      scf.if %cond3A_615 {
        %dma_wait3A_669 = arith.constant 0 : i32
        %dma_wait3A_670 = arith.constant 0 : i32
        %dma_wait3A_671 = tpu.memref_slice %arg10[%dma_wait3A_669, %dma_wait3A_670] : memref<10000x128xf32, #tpu.memory_space<vmem_shared>> -> memref<10000x128xf32, #tpu.memory_space<vmem_shared>>
        tpu.wait_indirect_dma semaphore(%arg28 : memref<!tpu.dma_semaphore, #tpu.memory_space<semaphore_mem>>) src(%arg20 : memref<40x128xf32, #tpu.memory_space<vmem>>) dst(%dma_wait3A_671 : memref<10000x128xf32, #tpu.memory_space<vmem_shared>>)
        %dma_wait3A_672 = arith.constant 0 : i32
        %dma_wait3A_673 = arith.constant 0 : i32
        %dma_wait3A_674 = tpu.memref_slice %arg10[%dma_wait3A_672, %dma_wait3A_673] : memref<10000x128xf32, #tpu.memory_space<vmem_shared>> -> memref<10000x128xf32, #tpu.memory_space<vmem_shared>>
        tpu.wait_indirect_dma semaphore(%arg29 : memref<!tpu.dma_semaphore, #tpu.memory_space<semaphore_mem>>) src(%arg22 : memref<40x128xf32, #tpu.memory_space<vmem>>) dst(%dma_wait3A_674 : memref<10000x128xf32, #tpu.memory_space<vmem_shared>>)
      } else {
      }
      %mul3A_616 = arith.constant 20000 : i32
      %mul3A_617 = arith.muli %arg1, %mul3A_616 : i32
      %mul3A_618 = arith.constant 2 : i32
      %mul3A_619 = arith.muli %mul3A_618, %scan3A_610 : i32
      %mul3A_620 = arith.constant 40 : i32
      %mul3A_621 = arith.muli %mul3A_619, %mul3A_620 : i32
      %add3A_622 = arith.addi %mul3A_617, %mul3A_621 : i32
      "tpu.region"() ({
        %run_scoped3A = tpu.sem_alloc : memref<!tpu.dma_semaphore, #tpu.memory_space<semaphore_mem>>
        %dma_start3A_669 = tpu.memref_slice %arg3[%add3A_622] : memref<320000xi32, #tpu.memory_space<hbm>> -> memref<40xi32, #tpu.memory_space<hbm>>
        %dma_start3A_670 = tpu.memref_slice %arg3[%add3A_622] : memref<320000xi32, #tpu.memory_space<hbm>> -> memref<40xi32, #tpu.memory_space<hbm>>
        tpu.enqueue_dma source(%dma_start3A_670 : memref<40xi32, #tpu.memory_space<hbm>>) target(%arg15 : memref<40xi32, #tpu.memory_space<vmem>>) target_semaphore(%run_scoped3A : memref<!tpu.dma_semaphore, #tpu.memory_space<semaphore_mem>>)
        %dma_wait3A_671 = tpu.memref_slice %arg3[%add3A_622] : memref<320000xi32, #tpu.memory_space<hbm>> -> memref<40xi32, #tpu.memory_space<hbm>>
        %dma_wait3A_672 = tpu.memref_slice %arg3[%add3A_622] : memref<320000xi32, #tpu.memory_space<hbm>> -> memref<40xi32, #tpu.memory_space<hbm>>
        tpu.wait_dma2 semaphore(%run_scoped3A : memref<!tpu.dma_semaphore, #tpu.memory_space<semaphore_mem>>) src(%dma_wait3A_672 : memref<40xi32, #tpu.memory_space<hbm>>) dst(%arg15 : memref<40xi32, #tpu.memory_space<vmem>>)
        tpu.yield
      }) : () -> ()
      "tpu.region"() ({
        %run_scoped3A = tpu.sem_alloc : memref<!tpu.dma_semaphore, #tpu.memory_space<semaphore_mem>>
        %dma_start3A_669 = tpu.memref_slice %arg4[%add3A_622] : memref<320000xi32, #tpu.memory_space<hbm>> -> memref<40xi32, #tpu.memory_space<hbm>>
        %dma_start3A_670 = tpu.memref_slice %arg4[%add3A_622] : memref<320000xi32, #tpu.memory_space<hbm>> -> memref<40xi32, #tpu.memory_space<hbm>>
        tpu.enqueue_dma source(%dma_start3A_670 : memref<40xi32, #tpu.memory_space<hbm>>) target(%arg16 : memref<40xi32, #tpu.memory_space<vmem>>) target_semaphore(%run_scoped3A : memref<!tpu.dma_semaphore, #tpu.memory_space<semaphore_mem>>)
        %dma_wait3A_671 = tpu.memref_slice %arg4[%add3A_622] : memref<320000xi32, #tpu.memory_space<hbm>> -> memref<40xi32, #tpu.memory_space<hbm>>
        %dma_wait3A_672 = tpu.memref_slice %arg4[%add3A_622] : memref<320000xi32, #tpu.memory_space<hbm>> -> memref<40xi32, #tpu.memory_space<hbm>>
        tpu.wait_dma2 semaphore(%run_scoped3A : memref<!tpu.dma_semaphore, #tpu.memory_space<semaphore_mem>>) src(%dma_wait3A_672 : memref<40xi32, #tpu.memory_space<hbm>>) dst(%arg16 : memref<40xi32, #tpu.memory_space<vmem>>)
        tpu.yield
      }) : () -> ()
      "tpu.region"() ({
        %run_scoped3A = tpu.sem_alloc : memref<!tpu.dma_semaphore, #tpu.memory_space<semaphore_mem>>
        %dma_start3A_669 = tpu.memref_slice %arg5[%add3A_622] : memref<320000xi32, #tpu.memory_space<hbm>> -> memref<40xi32, #tpu.memory_space<hbm>>
        %dma_start3A_670 = tpu.memref_slice %arg5[%add3A_622] : memref<320000xi32, #tpu.memory_space<hbm>> -> memref<40xi32, #tpu.memory_space<hbm>>
        tpu.enqueue_dma source(%dma_start3A_670 : memref<40xi32, #tpu.memory_space<hbm>>) target(%arg17 : memref<40xi32, #tpu.memory_space<vmem>>) target_semaphore(%run_scoped3A : memref<!tpu.dma_semaphore, #tpu.memory_space<semaphore_mem>>)
        %dma_wait3A_671 = tpu.memref_slice %arg5[%add3A_622] : memref<320000xi32, #tpu.memory_space<hbm>> -> memref<40xi32, #tpu.memory_space<hbm>>
        %dma_wait3A_672 = tpu.memref_slice %arg5[%add3A_622] : memref<320000xi32, #tpu.memory_space<hbm>> -> memref<40xi32, #tpu.memory_space<hbm>>
        tpu.wait_dma2 semaphore(%run_scoped3A : memref<!tpu.dma_semaphore, #tpu.memory_space<semaphore_mem>>) src(%dma_wait3A_672 : memref<40xi32, #tpu.memory_space<hbm>>) dst(%arg17 : memref<40xi32, #tpu.memory_space<vmem>>)
        tpu.yield
      }) : () -> ()
      %dma_start3A = arith.constant 0 : i32
      %dma_start3A_623 = arith.constant 0 : i32
      %dma_start3A_624 = tpu.memref_slice %arg11[%dma_start3A, %dma_start3A_623] : memref<16x128xf32, #tpu.memory_space<vmem_shared>> -> memref<16x128xf32, #tpu.memory_space<vmem_shared>>
      tpu.enqueue_indirect_dma source(%dma_start3A_624 : memref<16x128xf32, #tpu.memory_space<vmem_shared>>) target(%arg19 : memref<40x128xf32, #tpu.memory_space<vmem>>) offsets(%arg17 : memref<40xi32, #tpu.memory_space<vmem>>) semaphore(%arg27 : memref<!tpu.dma_semaphore, #tpu.memory_space<semaphore_mem>>)
      %dma_start3A_625 = arith.constant 0 : i32
      %dma_start3A_626 = arith.constant 0 : i32
      %dma_start3A_627 = tpu.memref_slice %arg2[%dma_start3A_625, %dma_start3A_626] : memref<10000x128xf32, #tpu.memory_space<hbm>> -> memref<10000x128xf32, #tpu.memory_space<hbm>>
      tpu.enqueue_indirect_dma source(%dma_start3A_627 : memref<10000x128xf32, #tpu.memory_space<hbm>>) target(%arg18 : memref<40x128xf32, #tpu.memory_space<vmem>>) offsets(%arg15 : memref<40xi32, #tpu.memory_space<vmem>>) semaphore(%arg26 : memref<!tpu.dma_semaphore, #tpu.memory_space<semaphore_mem>>)
      %dma_wait3A_628 = arith.constant 0 : i32
      %dma_wait3A_629 = arith.constant 0 : i32
      %dma_wait3A_630 = tpu.memref_slice %arg2[%dma_wait3A_628, %dma_wait3A_629] : memref<10000x128xf32, #tpu.memory_space<hbm>> -> memref<10000x128xf32, #tpu.memory_space<hbm>>
      tpu.wait_indirect_dma semaphore(%arg26 : memref<!tpu.dma_semaphore, #tpu.memory_space<semaphore_mem>>) src(%dma_wait3A_630 : memref<10000x128xf32, #tpu.memory_space<hbm>>) dst(%arg18 : memref<40x128xf32, #tpu.memory_space<vmem>>)
      %dma_wait3A_631 = arith.constant 0 : i32
      %dma_wait3A_632 = arith.constant 0 : i32
      %dma_wait3A_633 = tpu.memref_slice %arg11[%dma_wait3A_631, %dma_wait3A_632] : memref<16x128xf32, #tpu.memory_space<vmem_shared>> -> memref<16x128xf32, #tpu.memory_space<vmem_shared>>
      tpu.wait_indirect_dma semaphore(%arg27 : memref<!tpu.dma_semaphore, #tpu.memory_space<semaphore_mem>>) src(%dma_wait3A_633 : memref<16x128xf32, #tpu.memory_space<vmem_shared>>) dst(%arg19 : memref<40x128xf32, #tpu.memory_space<vmem>>)
      %scan3A_634 = arith.constant 0 : i32
      %scan3A_635 = arith.constant 0 : i32
      %scan3A_636 = arith.constant 10 : i32
      %scan3A_637 = arith.addi %scan3A_635, %scan3A_636 : i32
      %scan3A_638 = arith.constant 1 : i32
      %scan3A_639 = scf.for %scan3A_669 = %scan3A_635 to %scan3A_637 step %scan3A_638 iter_args(%scan3A_670 = %scan3A_634) -> (i32)  : i32 {
        %mul3A_671 = arith.constant 4 : i32
        %mul3A_672 = arith.muli %scan3A_669, %mul3A_671 : i32
        %add3A_673 = arith.constant 0 : i32
        %add3A_674 = arith.addi %mul3A_672, %add3A_673 : i32
        %add3A_675 = arith.constant 0 : i32
        %add3A_676 = arith.addi %mul3A_577, %add3A_675 : i32
        %get3A_677 = arith.index_cast %add3A_674 : i32 to index
        %get3A_678 = arith.index_cast %add3A_676 : i32 to index
        %get3A_679 = tpu.vector_load %arg18[%get3A_677, %get3A_678] {strides = array<i32>} : memref<40x128xf32, #tpu.memory_space<vmem>>, vector<1x16xf32>,
        %get3A_680 = vector.shape_cast %get3A_679 : vector<1x16xf32> to vector<16xf32>
        %get3A_681 = arith.index_cast %add3A_674 : i32 to index
        %get3A_682 = arith.constant 0 : index
        %get3A_683 = tpu.vector_load %arg19[%get3A_681, %get3A_682] {strides = array<i32>} : memref<40x128xf32, #tpu.memory_space<vmem>>, vector<1x16xf32>,
        %get3A_684 = vector.shape_cast %get3A_683 : vector<1x16xf32> to vector<16xf32>
        %mul3A_685 = arith.mulf %get3A_680, %get3A_684 : vector<16xf32>
        %swap3A_686 = arith.index_cast %add3A_674 : i32 to index
        %swap3A_687 = arith.constant 0 : index
        %swap3A_688 = tpu.vector_load %arg20[%swap3A_686, %swap3A_687] {strides = array<i32>} : memref<40x128xf32, #tpu.memory_space<vmem>>, vector<1x16xf32>,
        %swap3A_689 = vector.shape_cast %swap3A_688 : vector<1x16xf32> to vector<16xf32>
        %swap3A_690 = vector.shape_cast %mul3A_685 : vector<16xf32> to vector<1x16xf32>
        tpu.vector_store %arg20[%swap3A_686, %swap3A_687], %swap3A_690 {strides = array<i32>} : memref<40x128xf32, #tpu.memory_space<vmem>>, vector<1x16xf32>,
        %add3A_691 = arith.constant 16 : i32
        %add3A_692 = arith.addi %mul3A_577, %add3A_691 : i32
        %get3A_693 = arith.index_cast %add3A_674 : i32 to index
        %get3A_694 = arith.index_cast %add3A_692 : i32 to index
        %get3A_695 = tpu.vector_load %arg18[%get3A_693, %get3A_694] {strides = array<i32>} : memref<40x128xf32, #tpu.memory_space<vmem>>, vector<1x16xf32>,
        %get3A_696 = vector.shape_cast %get3A_695 : vector<1x16xf32> to vector<16xf32>
        %get3A_697 = arith.index_cast %add3A_674 : i32 to index
        %get3A_698 = arith.constant 16 : index
        %get3A_699 = tpu.vector_load %arg19[%get3A_697, %get3A_698] {strides = array<i32>} : memref<40x128xf32, #tpu.memory_space<vmem>>, vector<1x16xf32>,
        %get3A_700 = vector.shape_cast %get3A_699 : vector<1x16xf32> to vector<16xf32>
        %mul3A_701 = arith.mulf %get3A_696, %get3A_700 : vector<16xf32>
        %swap3A_702 = arith.index_cast %add3A_674 : i32 to index
        %swap3A_703 = arith.constant 16 : index
        %swap3A_704 = tpu.vector_load %arg20[%swap3A_702, %swap3A_703] {strides = array<i32>} : memref<40x128xf32, #tpu.memory_space<vmem>>, vector<1x16xf32>,
        %swap3A_705 = vector.shape_cast %swap3A_704 : vector<1x16xf32> to vector<16xf32>
        %swap3A_706 = vector.shape_cast %mul3A_701 : vector<16xf32> to vector<1x16xf32>
        tpu.vector_store %arg20[%swap3A_702, %swap3A_703], %swap3A_706 {strides = array<i32>} : memref<40x128xf32, #tpu.memory_space<vmem>>, vector<1x16xf32>,
        %add3A_707 = arith.constant 32 : i32
        %add3A_708 = arith.addi %mul3A_577, %add3A_707 : i32
        %get3A_709 = arith.index_cast %add3A_674 : i32 to index
        %get3A_710 = arith.index_cast %add3A_708 : i32 to index
        %get3A_711 = tpu.vector_load %arg18[%get3A_709, %get3A_710] {strides = array<i32>} : memref<40x128xf32, #tpu.memory_space<vmem>>, vector<1x16xf32>,
        %get3A_712 = vector.shape_cast %get3A_711 : vector<1x16xf32> to vector<16xf32>
        %get3A_713 = arith.index_cast %add3A_674 : i32 to index
        %get3A_714 = arith.constant 32 : index
        %get3A_715 = tpu.vector_load %arg19[%get3A_713, %get3A_714] {strides = array<i32>} : memref<40x128xf32, #tpu.memory_space<vmem>>, vector<1x16xf32>,
        %get3A_716 = vector.shape_cast %get3A_715 : vector<1x16xf32> to vector<16xf32>
        %mul3A_717 = arith.mulf %get3A_712, %get3A_716 : vector<16xf32>
        %swap3A_718 = arith.index_cast %add3A_674 : i32 to index
        %swap3A_719 = arith.constant 32 : index
        %swap3A_720 = tpu.vector_load %arg20[%swap3A_718, %swap3A_719] {strides = array<i32>} : memref<40x128xf32, #tpu.memory_space<vmem>>, vector<1x16xf32>,
        %swap3A_721 = vector.shape_cast %swap3A_720 : vector<1x16xf32> to vector<16xf32>
        %swap3A_722 = vector.shape_cast %mul3A_717 : vector<16xf32> to vector<1x16xf32>
        tpu.vector_store %arg20[%swap3A_718, %swap3A_719], %swap3A_722 {strides = array<i32>} : memref<40x128xf32, #tpu.memory_space<vmem>>, vector<1x16xf32>,
        %add3A_723 = arith.constant 48 : i32
        %add3A_724 = arith.addi %mul3A_577, %add3A_723 : i32
        %get3A_725 = arith.index_cast %add3A_674 : i32 to index
        %get3A_726 = arith.index_cast %add3A_724 : i32 to index
        %get3A_727 = tpu.vector_load %arg18[%get3A_725, %get3A_726] {strides = array<i32>} : memref<40x128xf32, #tpu.memory_space<vmem>>, vector<1x16xf32>,
        %get3A_728 = vector.shape_cast %get3A_727 : vector<1x16xf32> to vector<16xf32>
        %get3A_729 = arith.index_cast %add3A_674 : i32 to index
        %get3A_730 = arith.constant 48 : index
        %get3A_731 = tpu.vector_load %arg19[%get3A_729, %get3A_730] {strides = array<i32>} : memref<40x128xf32, #tpu.memory_space<vmem>>, vector<1x16xf32>,
        %get3A_732 = vector.shape_cast %get3A_731 : vector<1x16xf32> to vector<16xf32>
        %mul3A_733 = arith.mulf %get3A_728, %get3A_732 : vector<16xf32>
        %swap3A_734 = arith.index_cast %add3A_674 : i32 to index
        %swap3A_735 = arith.constant 48 : index
        %swap3A_736 = tpu.vector_load %arg20[%swap3A_734, %swap3A_735] {strides = array<i32>} : memref<40x128xf32, #tpu.memory_space<vmem>>, vector<1x16xf32>,
        %swap3A_737 = vector.shape_cast %swap3A_736 : vector<1x16xf32> to vector<16xf32>
        %swap3A_738 = vector.shape_cast %mul3A_733 : vector<16xf32> to vector<1x16xf32>
        tpu.vector_store %arg20[%swap3A_734, %swap3A_735], %swap3A_738 {strides = array<i32>} : memref<40x128xf32, #tpu.memory_space<vmem>>, vector<1x16xf32>,
        %get3A_739 = arith.index_cast %add3A_674 : i32 to index
        %get3A_740 = arith.constant 64 : index
        %get3A_741 = tpu.vector_load %arg19[%get3A_739, %get3A_740] {strides = array<i32>} : memref<40x128xf32, #tpu.memory_space<vmem>>, vector<1x16xf32>,
        %get3A_742 = vector.shape_cast %get3A_741 : vector<1x16xf32> to vector<16xf32>
        %swap3A_743 = arith.index_cast %add3A_674 : i32 to index
        %swap3A_744 = arith.constant 64 : index
        %swap3A_745 = tpu.vector_load %arg20[%swap3A_743, %swap3A_744] {strides = array<i32>} : memref<40x128xf32, #tpu.memory_space<vmem>>, vector<1x16xf32>,
        %swap3A_746 = vector.shape_cast %swap3A_745 : vector<1x16xf32> to vector<16xf32>
        %swap3A_747 = vector.shape_cast %get3A_742 : vector<16xf32> to vector<1x16xf32>
        tpu.vector_store %arg20[%swap3A_743, %swap3A_744], %swap3A_747 {strides = array<i32>} : memref<40x128xf32, #tpu.memory_space<vmem>>, vector<1x16xf32>,
        %get3A_748 = arith.index_cast %add3A_674 : i32 to index
        %get3A_749 = arith.constant 80 : index
        %get3A_750 = tpu.vector_load %arg19[%get3A_748, %get3A_749] {strides = array<i32>} : memref<40x128xf32, #tpu.memory_space<vmem>>, vector<1x16xf32>,
        %get3A_751 = vector.shape_cast %get3A_750 : vector<1x16xf32> to vector<16xf32>
        %swap3A_752 = arith.index_cast %add3A_674 : i32 to index
        %swap3A_753 = arith.constant 80 : index
        %swap3A_754 = tpu.vector_load %arg20[%swap3A_752, %swap3A_753] {strides = array<i32>} : memref<40x128xf32, #tpu.memory_space<vmem>>, vector<1x16xf32>,
        %swap3A_755 = vector.shape_cast %swap3A_754 : vector<1x16xf32> to vector<16xf32>
        %swap3A_756 = vector.shape_cast %get3A_751 : vector<16xf32> to vector<1x16xf32>
        tpu.vector_store %arg20[%swap3A_752, %swap3A_753], %swap3A_756 {strides = array<i32>} : memref<40x128xf32, #tpu.memory_space<vmem>>, vector<1x16xf32>,
        %mul3A_757 = arith.constant 4 : i32
        %mul3A_758 = arith.muli %scan3A_669, %mul3A_757 : i32
        %add3A_759 = arith.constant 1 : i32
        %add3A_760 = arith.addi %mul3A_758, %add3A_759 : i32
        %add3A_761 = arith.constant 0 : i32
        %add3A_762 = arith.addi %mul3A_577, %add3A_761 : i32
        %get3A_763 = arith.index_cast %add3A_760 : i32 to index
        %get3A_764 = arith.index_cast %add3A_762 : i32 to index
        %get3A_765 = tpu.vector_load %arg18[%get3A_763, %get3A_764] {strides = array<i32>} : memref<40x128xf32, #tpu.memory_space<vmem>>, vector<1x16xf32>,
        %get3A_766 = vector.shape_cast %get3A_765 : vector<1x16xf32> to vector<16xf32>
        %get3A_767 = arith.index_cast %add3A_760 : i32 to index
        %get3A_768 = arith.constant 0 : index
        %get3A_769 = tpu.vector_load %arg19[%get3A_767, %get3A_768] {strides = array<i32>} : memref<40x128xf32, #tpu.memory_space<vmem>>, vector<1x16xf32>,
        %get3A_770 = vector.shape_cast %get3A_769 : vector<1x16xf32> to vector<16xf32>
        %mul3A_771 = arith.mulf %get3A_766, %get3A_770 : vector<16xf32>
        %swap3A_772 = arith.index_cast %add3A_760 : i32 to index
        %swap3A_773 = arith.constant 0 : index
        %swap3A_774 = tpu.vector_load %arg20[%swap3A_772, %swap3A_773] {strides = array<i32>} : memref<40x128xf32, #tpu.memory_space<vmem>>, vector<1x16xf32>,
        %swap3A_775 = vector.shape_cast %swap3A_774 : vector<1x16xf32> to vector<16xf32>
        %swap3A_776 = vector.shape_cast %mul3A_771 : vector<16xf32> to vector<1x16xf32>
        tpu.vector_store %arg20[%swap3A_772, %swap3A_773], %swap3A_776 {strides = array<i32>} : memref<40x128xf32, #tpu.memory_space<vmem>>, vector<1x16xf32>,
        %add3A_777 = arith.constant 16 : i32
        %add3A_778 = arith.addi %mul3A_577, %add3A_777 : i32
        %get3A_779 = arith.index_cast %add3A_760 : i32 to index
        %get3A_780 = arith.index_cast %add3A_778 : i32 to index
        %get3A_781 = tpu.vector_load %arg18[%get3A_779, %get3A_780] {strides = array<i32>} : memref<40x128xf32, #tpu.memory_space<vmem>>, vector<1x16xf32>,
        %get3A_782 = vector.shape_cast %get3A_781 : vector<1x16xf32> to vector<16xf32>
        %get3A_783 = arith.index_cast %add3A_760 : i32 to index
        %get3A_784 = arith.constant 16 : index
        %get3A_785 = tpu.vector_load %arg19[%get3A_783, %get3A_784] {strides = array<i32>} : memref<40x128xf32, #tpu.memory_space<vmem>>, vector<1x16xf32>,
        %get3A_786 = vector.shape_cast %get3A_785 : vector<1x16xf32> to vector<16xf32>
        %mul3A_787 = arith.mulf %get3A_782, %get3A_786 : vector<16xf32>
        %swap3A_788 = arith.index_cast %add3A_760 : i32 to index
        %swap3A_789 = arith.constant 16 : index
        %swap3A_790 = tpu.vector_load %arg20[%swap3A_788, %swap3A_789] {strides = array<i32>} : memref<40x128xf32, #tpu.memory_space<vmem>>, vector<1x16xf32>,
        %swap3A_791 = vector.shape_cast %swap3A_790 : vector<1x16xf32> to vector<16xf32>
        %swap3A_792 = vector.shape_cast %mul3A_787 : vector<16xf32> to vector<1x16xf32>
        tpu.vector_store %arg20[%swap3A_788, %swap3A_789], %swap3A_792 {strides = array<i32>} : memref<40x128xf32, #tpu.memory_space<vmem>>, vector<1x16xf32>,
        %add3A_793 = arith.constant 32 : i32
        %add3A_794 = arith.addi %mul3A_577, %add3A_793 : i32
        %get3A_795 = arith.index_cast %add3A_760 : i32 to index
        %get3A_796 = arith.index_cast %add3A_794 : i32 to index
        %get3A_797 = tpu.vector_load %arg18[%get3A_795, %get3A_796] {strides = array<i32>} : memref<40x128xf32, #tpu.memory_space<vmem>>, vector<1x16xf32>,
        %get3A_798 = vector.shape_cast %get3A_797 : vector<1x16xf32> to vector<16xf32>
        %get3A_799 = arith.index_cast %add3A_760 : i32 to index
        %get3A_800 = arith.constant 32 : index
        %get3A_801 = tpu.vector_load %arg19[%get3A_799, %get3A_800] {strides = array<i32>} : memref<40x128xf32, #tpu.memory_space<vmem>>, vector<1x16xf32>,
        %get3A_802 = vector.shape_cast %get3A_801 : vector<1x16xf32> to vector<16xf32>
        %mul3A_803 = arith.mulf %get3A_798, %get3A_802 : vector<16xf32>
        %swap3A_804 = arith.index_cast %add3A_760 : i32 to index
        %swap3A_805 = arith.constant 32 : index
        %swap3A_806 = tpu.vector_load %arg20[%swap3A_804, %swap3A_805] {strides = array<i32>} : memref<40x128xf32, #tpu.memory_space<vmem>>, vector<1x16xf32>,
        %swap3A_807 = vector.shape_cast %swap3A_806 : vector<1x16xf32> to vector<16xf32>
        %swap3A_808 = vector.shape_cast %mul3A_803 : vector<16xf32> to vector<1x16xf32>
        tpu.vector_store %arg20[%swap3A_804, %swap3A_805], %swap3A_808 {strides = array<i32>} : memref<40x128xf32, #tpu.memory_space<vmem>>, vector<1x16xf32>,
        %add3A_809 = arith.constant 48 : i32
        %add3A_810 = arith.addi %mul3A_577, %add3A_809 : i32
        %get3A_811 = arith.index_cast %add3A_760 : i32 to index
        %get3A_812 = arith.index_cast %add3A_810 : i32 to index
        %get3A_813 = tpu.vector_load %arg18[%get3A_811, %get3A_812] {strides = array<i32>} : memref<40x128xf32, #tpu.memory_space<vmem>>, vector<1x16xf32>,
        %get3A_814 = vector.shape_cast %get3A_813 : vector<1x16xf32> to vector<16xf32>
        %get3A_815 = arith.index_cast %add3A_760 : i32 to index
        %get3A_816 = arith.constant 48 : index
        %get3A_817 = tpu.vector_load %arg19[%get3A_815, %get3A_816] {strides = array<i32>} : memref<40x128xf32, #tpu.memory_space<vmem>>, vector<1x16xf32>,
        %get3A_818 = vector.shape_cast %get3A_817 : vector<1x16xf32> to vector<16xf32>
        %mul3A_819 = arith.mulf %get3A_814, %get3A_818 : vector<16xf32>
        %swap3A_820 = arith.index_cast %add3A_760 : i32 to index
        %swap3A_821 = arith.constant 48 : index
        %swap3A_822 = tpu.vector_load %arg20[%swap3A_820, %swap3A_821] {strides = array<i32>} : memref<40x128xf32, #tpu.memory_space<vmem>>, vector<1x16xf32>,
        %swap3A_823 = vector.shape_cast %swap3A_822 : vector<1x16xf32> to vector<16xf32>
        %swap3A_824 = vector.shape_cast %mul3A_819 : vector<16xf32> to vector<1x16xf32>
        tpu.vector_store %arg20[%swap3A_820, %swap3A_821], %swap3A_824 {strides = array<i32>} : memref<40x128xf32, #tpu.memory_space<vmem>>, vector<1x16xf32>,
        %get3A_825 = arith.index_cast %add3A_760 : i32 to index
        %get3A_826 = arith.constant 64 : index
        %get3A_827 = tpu.vector_load %arg19[%get3A_825, %get3A_826] {strides = array<i32>} : memref<40x128xf32, #tpu.memory_space<vmem>>, vector<1x16xf32>,
        %get3A_828 = vector.shape_cast %get3A_827 : vector<1x16xf32> to vector<16xf32>
        %swap3A_829 = arith.index_cast %add3A_760 : i32 to index
        %swap3A_830 = arith.constant 64 : index
        %swap3A_831 = tpu.vector_load %arg20[%swap3A_829, %swap3A_830] {strides = array<i32>} : memref<40x128xf32, #tpu.memory_space<vmem>>, vector<1x16xf32>,
        %swap3A_832 = vector.shape_cast %swap3A_831 : vector<1x16xf32> to vector<16xf32>
        %swap3A_833 = vector.shape_cast %get3A_828 : vector<16xf32> to vector<1x16xf32>
        tpu.vector_store %arg20[%swap3A_829, %swap3A_830], %swap3A_833 {strides = array<i32>} : memref<40x128xf32, #tpu.memory_space<vmem>>, vector<1x16xf32>,
        %get3A_834 = arith.index_cast %add3A_760 : i32 to index
        %get3A_835 = arith.constant 80 : index
        %get3A_836 = tpu.vector_load %arg19[%get3A_834, %get3A_835] {strides = array<i32>} : memref<40x128xf32, #tpu.memory_space<vmem>>, vector<1x16xf32>,
        %get3A_837 = vector.shape_cast %get3A_836 : vector<1x16xf32> to vector<16xf32>
        %swap3A_838 = arith.index_cast %add3A_760 : i32 to index
        %swap3A_839 = arith.constant 80 : index
        %swap3A_840 = tpu.vector_load %arg20[%swap3A_838, %swap3A_839] {strides = array<i32>} : memref<40x128xf32, #tpu.memory_space<vmem>>, vector<1x16xf32>,
        %swap3A_841 = vector.shape_cast %swap3A_840 : vector<1x16xf32> to vector<16xf32>
        %swap3A_842 = vector.shape_cast %get3A_837 : vector<16xf32> to vector<1x16xf32>
        tpu.vector_store %arg20[%swap3A_838, %swap3A_839], %swap3A_842 {strides = array<i32>} : memref<40x128xf32, #tpu.memory_space<vmem>>, vector<1x16xf32>,
        %mul3A_843 = arith.constant 4 : i32
        %mul3A_844 = arith.muli %scan3A_669, %mul3A_843 : i32
        %add3A_845 = arith.constant 2 : i32
        %add3A_846 = arith.addi %mul3A_844, %add3A_845 : i32
        %add3A_847 = arith.constant 0 : i32
        %add3A_848 = arith.addi %mul3A_577, %add3A_847 : i32
        %get3A_849 = arith.index_cast %add3A_846 : i32 to index
        %get3A_850 = arith.index_cast %add3A_848 : i32 to index
        %get3A_851 = tpu.vector_load %arg18[%get3A_849, %get3A_850] {strides = array<i32>} : memref<40x128xf32, #tpu.memory_space<vmem>>, vector<1x16xf32>,
        %get3A_852 = vector.shape_cast %get3A_851 : vector<1x16xf32> to vector<16xf32>
        %get3A_853 = arith.index_cast %add3A_846 : i32 to index
        %get3A_854 = arith.constant 0 : index
        %get3A_855 = tpu.vector_load %arg19[%get3A_853, %get3A_854] {strides = array<i32>} : memref<40x128xf32, #tpu.memory_space<vmem>>, vector<1x16xf32>,
        %get3A_856 = vector.shape_cast %get3A_855 : vector<1x16xf32> to vector<16xf32>
        %mul3A_857 = arith.mulf %get3A_852, %get3A_856 : vector<16xf32>
        %swap3A_858 = arith.index_cast %add3A_846 : i32 to index
        %swap3A_859 = arith.constant 0 : index
        %swap3A_860 = tpu.vector_load %arg20[%swap3A_858, %swap3A_859] {strides = array<i32>} : memref<40x128xf32, #tpu.memory_space<vmem>>, vector<1x16xf32>,
        %swap3A_861 = vector.shape_cast %swap3A_860 : vector<1x16xf32> to vector<16xf32>
        %swap3A_862 = vector.shape_cast %mul3A_857 : vector<16xf32> to vector<1x16xf32>
        tpu.vector_store %arg20[%swap3A_858, %swap3A_859], %swap3A_862 {strides = array<i32>} : memref<40x128xf32, #tpu.memory_space<vmem>>, vector<1x16xf32>,
        %add3A_863 = arith.constant 16 : i32
        %add3A_864 = arith.addi %mul3A_577, %add3A_863 : i32
        %get3A_865 = arith.index_cast %add3A_846 : i32 to index
        %get3A_866 = arith.index_cast %add3A_864 : i32 to index
        %get3A_867 = tpu.vector_load %arg18[%get3A_865, %get3A_866] {strides = array<i32>} : memref<40x128xf32, #tpu.memory_space<vmem>>, vector<1x16xf32>,
        %get3A_868 = vector.shape_cast %get3A_867 : vector<1x16xf32> to vector<16xf32>
        %get3A_869 = arith.index_cast %add3A_846 : i32 to index
        %get3A_870 = arith.constant 16 : index
        %get3A_871 = tpu.vector_load %arg19[%get3A_869, %get3A_870] {strides = array<i32>} : memref<40x128xf32, #tpu.memory_space<vmem>>, vector<1x16xf32>,
        %get3A_872 = vector.shape_cast %get3A_871 : vector<1x16xf32> to vector<16xf32>
        %mul3A_873 = arith.mulf %get3A_868, %get3A_872 : vector<16xf32>
        %swap3A_874 = arith.index_cast %add3A_846 : i32 to index
        %swap3A_875 = arith.constant 16 : index
        %swap3A_876 = tpu.vector_load %arg20[%swap3A_874, %swap3A_875] {strides = array<i32>} : memref<40x128xf32, #tpu.memory_space<vmem>>, vector<1x16xf32>,
        %swap3A_877 = vector.shape_cast %swap3A_876 : vector<1x16xf32> to vector<16xf32>
        %swap3A_878 = vector.shape_cast %mul3A_873 : vector<16xf32> to vector<1x16xf32>
        tpu.vector_store %arg20[%swap3A_874, %swap3A_875], %swap3A_878 {strides = array<i32>} : memref<40x128xf32, #tpu.memory_space<vmem>>, vector<1x16xf32>,
        %add3A_879 = arith.constant 32 : i32
        %add3A_880 = arith.addi %mul3A_577, %add3A_879 : i32
        %get3A_881 = arith.index_cast %add3A_846 : i32 to index
        %get3A_882 = arith.index_cast %add3A_880 : i32 to index
        %get3A_883 = tpu.vector_load %arg18[%get3A_881, %get3A_882] {strides = array<i32>} : memref<40x128xf32, #tpu.memory_space<vmem>>, vector<1x16xf32>,
        %get3A_884 = vector.shape_cast %get3A_883 : vector<1x16xf32> to vector<16xf32>
        %get3A_885 = arith.index_cast %add3A_846 : i32 to index
        %get3A_886 = arith.constant 32 : index
        %get3A_887 = tpu.vector_load %arg19[%get3A_885, %get3A_886] {strides = array<i32>} : memref<40x128xf32, #tpu.memory_space<vmem>>, vector<1x16xf32>,
        %get3A_888 = vector.shape_cast %get3A_887 : vector<1x16xf32> to vector<16xf32>
        %mul3A_889 = arith.mulf %get3A_884, %get3A_888 : vector<16xf32>
        %swap3A_890 = arith.index_cast %add3A_846 : i32 to index
        %swap3A_891 = arith.constant 32 : index
        %swap3A_892 = tpu.vector_load %arg20[%swap3A_890, %swap3A_891] {strides = array<i32>} : memref<40x128xf32, #tpu.memory_space<vmem>>, vector<1x16xf32>,
        %swap3A_893 = vector.shape_cast %swap3A_892 : vector<1x16xf32> to vector<16xf32>
        %swap3A_894 = vector.shape_cast %mul3A_889 : vector<16xf32> to vector<1x16xf32>
        tpu.vector_store %arg20[%swap3A_890, %swap3A_891], %swap3A_894 {strides = array<i32>} : memref<40x128xf32, #tpu.memory_space<vmem>>, vector<1x16xf32>,
        %add3A_895 = arith.constant 48 : i32
        %add3A_896 = arith.addi %mul3A_577, %add3A_895 : i32
        %get3A_897 = arith.index_cast %add3A_846 : i32 to index
        %get3A_898 = arith.index_cast %add3A_896 : i32 to index
        %get3A_899 = tpu.vector_load %arg18[%get3A_897, %get3A_898] {strides = array<i32>} : memref<40x128xf32, #tpu.memory_space<vmem>>, vector<1x16xf32>,
        %get3A_900 = vector.shape_cast %get3A_899 : vector<1x16xf32> to vector<16xf32>
        %get3A_901 = arith.index_cast %add3A_846 : i32 to index
        %get3A_902 = arith.constant 48 : index
        %get3A_903 = tpu.vector_load %arg19[%get3A_901, %get3A_902] {strides = array<i32>} : memref<40x128xf32, #tpu.memory_space<vmem>>, vector<1x16xf32>,
        %get3A_904 = vector.shape_cast %get3A_903 : vector<1x16xf32> to vector<16xf32>
        %mul3A_905 = arith.mulf %get3A_900, %get3A_904 : vector<16xf32>
        %swap3A_906 = arith.index_cast %add3A_846 : i32 to index
        %swap3A_907 = arith.constant 48 : index
        %swap3A_908 = tpu.vector_load %arg20[%swap3A_906, %swap3A_907] {strides = array<i32>} : memref<40x128xf32, #tpu.memory_space<vmem>>, vector<1x16xf32>,
        %swap3A_909 = vector.shape_cast %swap3A_908 : vector<1x16xf32> to vector<16xf32>
        %swap3A_910 = vector.shape_cast %mul3A_905 : vector<16xf32> to vector<1x16xf32>
        tpu.vector_store %arg20[%swap3A_906, %swap3A_907], %swap3A_910 {strides = array<i32>} : memref<40x128xf32, #tpu.memory_space<vmem>>, vector<1x16xf32>,
        %get3A_911 = arith.index_cast %add3A_846 : i32 to index
        %get3A_912 = arith.constant 64 : index
        %get3A_913 = tpu.vector_load %arg19[%get3A_911, %get3A_912] {strides = array<i32>} : memref<40x128xf32, #tpu.memory_space<vmem>>, vector<1x16xf32>,
        %get3A_914 = vector.shape_cast %get3A_913 : vector<1x16xf32> to vector<16xf32>
        %swap3A_915 = arith.index_cast %add3A_846 : i32 to index
        %swap3A_916 = arith.constant 64 : index
        %swap3A_917 = tpu.vector_load %arg20[%swap3A_915, %swap3A_916] {strides = array<i32>} : memref<40x128xf32, #tpu.memory_space<vmem>>, vector<1x16xf32>,
        %swap3A_918 = vector.shape_cast %swap3A_917 : vector<1x16xf32> to vector<16xf32>
        %swap3A_919 = vector.shape_cast %get3A_914 : vector<16xf32> to vector<1x16xf32>
        tpu.vector_store %arg20[%swap3A_915, %swap3A_916], %swap3A_919 {strides = array<i32>} : memref<40x128xf32, #tpu.memory_space<vmem>>, vector<1x16xf32>,
        %get3A_920 = arith.index_cast %add3A_846 : i32 to index
        %get3A_921 = arith.constant 80 : index
        %get3A_922 = tpu.vector_load %arg19[%get3A_920, %get3A_921] {strides = array<i32>} : memref<40x128xf32, #tpu.memory_space<vmem>>, vector<1x16xf32>,
        %get3A_923 = vector.shape_cast %get3A_922 : vector<1x16xf32> to vector<16xf32>
        %swap3A_924 = arith.index_cast %add3A_846 : i32 to index
        %swap3A_925 = arith.constant 80 : index
        %swap3A_926 = tpu.vector_load %arg20[%swap3A_924, %swap3A_925] {strides = array<i32>} : memref<40x128xf32, #tpu.memory_space<vmem>>, vector<1x16xf32>,
        %swap3A_927 = vector.shape_cast %swap3A_926 : vector<1x16xf32> to vector<16xf32>
        %swap3A_928 = vector.shape_cast %get3A_923 : vector<16xf32> to vector<1x16xf32>
        tpu.vector_store %arg20[%swap3A_924, %swap3A_925], %swap3A_928 {strides = array<i32>} : memref<40x128xf32, #tpu.memory_space<vmem>>, vector<1x16xf32>,
        %mul3A_929 = arith.constant 4 : i32
        %mul3A_930 = arith.muli %scan3A_669, %mul3A_929 : i32
        %add3A_931 = arith.constant 3 : i32
        %add3A_932 = arith.addi %mul3A_930, %add3A_931 : i32
        %add3A_933 = arith.constant 0 : i32
        %add3A_934 = arith.addi %mul3A_577, %add3A_933 : i32
        %get3A_935 = arith.index_cast %add3A_932 : i32 to index
        %get3A_936 = arith.index_cast %add3A_934 : i32 to index
        %get3A_937 = tpu.vector_load %arg18[%get3A_935, %get3A_936] {strides = array<i32>} : memref<40x128xf32, #tpu.memory_space<vmem>>, vector<1x16xf32>,
        %get3A_938 = vector.shape_cast %get3A_937 : vector<1x16xf32> to vector<16xf32>
        %get3A_939 = arith.index_cast %add3A_932 : i32 to index
        %get3A_940 = arith.constant 0 : index
        %get3A_941 = tpu.vector_load %arg19[%get3A_939, %get3A_940] {strides = array<i32>} : memref<40x128xf32, #tpu.memory_space<vmem>>, vector<1x16xf32>,
        %get3A_942 = vector.shape_cast %get3A_941 : vector<1x16xf32> to vector<16xf32>
        %mul3A_943 = arith.mulf %get3A_938, %get3A_942 : vector<16xf32>
        %swap3A_944 = arith.index_cast %add3A_932 : i32 to index
        %swap3A_945 = arith.constant 0 : index
        %swap3A_946 = tpu.vector_load %arg20[%swap3A_944, %swap3A_945] {strides = array<i32>} : memref<40x128xf32, #tpu.memory_space<vmem>>, vector<1x16xf32>,
        %swap3A_947 = vector.shape_cast %swap3A_946 : vector<1x16xf32> to vector<16xf32>
        %swap3A_948 = vector.shape_cast %mul3A_943 : vector<16xf32> to vector<1x16xf32>
        tpu.vector_store %arg20[%swap3A_944, %swap3A_945], %swap3A_948 {strides = array<i32>} : memref<40x128xf32, #tpu.memory_space<vmem>>, vector<1x16xf32>,
        %add3A_949 = arith.constant 16 : i32
        %add3A_950 = arith.addi %mul3A_577, %add3A_949 : i32
        %get3A_951 = arith.index_cast %add3A_932 : i32 to index
        %get3A_952 = arith.index_cast %add3A_950 : i32 to index
        %get3A_953 = tpu.vector_load %arg18[%get3A_951, %get3A_952] {strides = array<i32>} : memref<40x128xf32, #tpu.memory_space<vmem>>, vector<1x16xf32>,
        %get3A_954 = vector.shape_cast %get3A_953 : vector<1x16xf32> to vector<16xf32>
        %get3A_955 = arith.index_cast %add3A_932 : i32 to index
        %get3A_956 = arith.constant 16 : index
        %get3A_957 = tpu.vector_load %arg19[%get3A_955, %get3A_956] {strides = array<i32>} : memref<40x128xf32, #tpu.memory_space<vmem>>, vector<1x16xf32>,
        %get3A_958 = vector.shape_cast %get3A_957 : vector<1x16xf32> to vector<16xf32>
        %mul3A_959 = arith.mulf %get3A_954, %get3A_958 : vector<16xf32>
        %swap3A_960 = arith.index_cast %add3A_932 : i32 to index
        %swap3A_961 = arith.constant 16 : index
        %swap3A_962 = tpu.vector_load %arg20[%swap3A_960, %swap3A_961] {strides = array<i32>} : memref<40x128xf32, #tpu.memory_space<vmem>>, vector<1x16xf32>,
        %swap3A_963 = vector.shape_cast %swap3A_962 : vector<1x16xf32> to vector<16xf32>
        %swap3A_964 = vector.shape_cast %mul3A_959 : vector<16xf32> to vector<1x16xf32>
        tpu.vector_store %arg20[%swap3A_960, %swap3A_961], %swap3A_964 {strides = array<i32>} : memref<40x128xf32, #tpu.memory_space<vmem>>, vector<1x16xf32>,
        %add3A_965 = arith.constant 32 : i32
        %add3A_966 = arith.addi %mul3A_577, %add3A_965 : i32
        %get3A_967 = arith.index_cast %add3A_932 : i32 to index
        %get3A_968 = arith.index_cast %add3A_966 : i32 to index
        %get3A_969 = tpu.vector_load %arg18[%get3A_967, %get3A_968] {strides = array<i32>} : memref<40x128xf32, #tpu.memory_space<vmem>>, vector<1x16xf32>,
        %get3A_970 = vector.shape_cast %get3A_969 : vector<1x16xf32> to vector<16xf32>
        %get3A_971 = arith.index_cast %add3A_932 : i32 to index
        %get3A_972 = arith.constant 32 : index
        %get3A_973 = tpu.vector_load %arg19[%get3A_971, %get3A_972] {strides = array<i32>} : memref<40x128xf32, #tpu.memory_space<vmem>>, vector<1x16xf32>,
        %get3A_974 = vector.shape_cast %get3A_973 : vector<1x16xf32> to vector<16xf32>
        %mul3A_975 = arith.mulf %get3A_970, %get3A_974 : vector<16xf32>
        %swap3A_976 = arith.index_cast %add3A_932 : i32 to index
        %swap3A_977 = arith.constant 32 : index
        %swap3A_978 = tpu.vector_load %arg20[%swap3A_976, %swap3A_977] {strides = array<i32>} : memref<40x128xf32, #tpu.memory_space<vmem>>, vector<1x16xf32>,
        %swap3A_979 = vector.shape_cast %swap3A_978 : vector<1x16xf32> to vector<16xf32>
        %swap3A_980 = vector.shape_cast %mul3A_975 : vector<16xf32> to vector<1x16xf32>
        tpu.vector_store %arg20[%swap3A_976, %swap3A_977], %swap3A_980 {strides = array<i32>} : memref<40x128xf32, #tpu.memory_space<vmem>>, vector<1x16xf32>,
        %add3A_981 = arith.constant 48 : i32
        %add3A_982 = arith.addi %mul3A_577, %add3A_981 : i32
        %get3A_983 = arith.index_cast %add3A_932 : i32 to index
        %get3A_984 = arith.index_cast %add3A_982 : i32 to index
        %get3A_985 = tpu.vector_load %arg18[%get3A_983, %get3A_984] {strides = array<i32>} : memref<40x128xf32, #tpu.memory_space<vmem>>, vector<1x16xf32>,
        %get3A_986 = vector.shape_cast %get3A_985 : vector<1x16xf32> to vector<16xf32>
        %get3A_987 = arith.index_cast %add3A_932 : i32 to index
        %get3A_988 = arith.constant 48 : index
        %get3A_989 = tpu.vector_load %arg19[%get3A_987, %get3A_988] {strides = array<i32>} : memref<40x128xf32, #tpu.memory_space<vmem>>, vector<1x16xf32>,
        %get3A_990 = vector.shape_cast %get3A_989 : vector<1x16xf32> to vector<16xf32>
        %mul3A_991 = arith.mulf %get3A_986, %get3A_990 : vector<16xf32>
        %swap3A_992 = arith.index_cast %add3A_932 : i32 to index
        %swap3A_993 = arith.constant 48 : index
        %swap3A_994 = tpu.vector_load %arg20[%swap3A_992, %swap3A_993] {strides = array<i32>} : memref<40x128xf32, #tpu.memory_space<vmem>>, vector<1x16xf32>,
        %swap3A_995 = vector.shape_cast %swap3A_994 : vector<1x16xf32> to vector<16xf32>
        %swap3A_996 = vector.shape_cast %mul3A_991 : vector<16xf32> to vector<1x16xf32>
        tpu.vector_store %arg20[%swap3A_992, %swap3A_993], %swap3A_996 {strides = array<i32>} : memref<40x128xf32, #tpu.memory_space<vmem>>, vector<1x16xf32>,
        %get3A_997 = arith.index_cast %add3A_932 : i32 to index
        %get3A_998 = arith.constant 64 : index
        %get3A_999 = tpu.vector_load %arg19[%get3A_997, %get3A_998] {strides = array<i32>} : memref<40x128xf32, #tpu.memory_space<vmem>>, vector<1x16xf32>,
        %get3A_1000 = vector.shape_cast %get3A_999 : vector<1x16xf32> to vector<16xf32>
        %swap3A_1001 = arith.index_cast %add3A_932 : i32 to index
        %swap3A_1002 = arith.constant 64 : index
        %swap3A_1003 = tpu.vector_load %arg20[%swap3A_1001, %swap3A_1002] {strides = array<i32>} : memref<40x128xf32, #tpu.memory_space<vmem>>, vector<1x16xf32>,
        %swap3A_1004 = vector.shape_cast %swap3A_1003 : vector<1x16xf32> to vector<16xf32>
        %swap3A_1005 = vector.shape_cast %get3A_1000 : vector<16xf32> to vector<1x16xf32>
        tpu.vector_store %arg20[%swap3A_1001, %swap3A_1002], %swap3A_1005 {strides = array<i32>} : memref<40x128xf32, #tpu.memory_space<vmem>>, vector<1x16xf32>,
        %get3A_1006 = arith.index_cast %add3A_932 : i32 to index
        %get3A_1007 = arith.constant 80 : index
        %get3A_1008 = tpu.vector_load %arg19[%get3A_1006, %get3A_1007] {strides = array<i32>} : memref<40x128xf32, #tpu.memory_space<vmem>>, vector<1x16xf32>,
        %get3A_1009 = vector.shape_cast %get3A_1008 : vector<1x16xf32> to vector<16xf32>
        %swap3A_1010 = arith.index_cast %add3A_932 : i32 to index
        %swap3A_1011 = arith.constant 80 : index
        %swap3A_1012 = tpu.vector_load %arg20[%swap3A_1010, %swap3A_1011] {strides = array<i32>} : memref<40x128xf32, #tpu.memory_space<vmem>>, vector<1x16xf32>,
        %swap3A_1013 = vector.shape_cast %swap3A_1012 : vector<1x16xf32> to vector<16xf32>
        %swap3A_1014 = vector.shape_cast %get3A_1009 : vector<16xf32> to vector<1x16xf32>
        tpu.vector_store %arg20[%swap3A_1010, %swap3A_1011], %swap3A_1014 {strides = array<i32>} : memref<40x128xf32, #tpu.memory_space<vmem>>, vector<1x16xf32>,
        %scan3A_1015 = arith.constant 0 : i32
        scf.yield %scan3A_1015 : i32
      }
      %scan3A_640 = arith.constant 10 : i32
      %dma_start3A_641 = arith.constant 0 : i32
      %dma_start3A_642 = arith.constant 0 : i32
      %dma_start3A_643 = tpu.memref_slice %arg10[%dma_start3A_641, %dma_start3A_642] : memref<10000x128xf32, #tpu.memory_space<vmem_shared>> -> memref<10000x128xf32, #tpu.memory_space<vmem_shared>>
      tpu.enqueue_indirect_dma source(%arg20 : memref<40x128xf32, #tpu.memory_space<vmem>>) target(%dma_start3A_643 : memref<10000x128xf32, #tpu.memory_space<vmem_shared>>) offsets(%arg16 : memref<40xi32, #tpu.memory_space<vmem>>) semaphore(%arg28 : memref<!tpu.dma_semaphore, #tpu.memory_space<semaphore_mem>>) {add = true}
      %add3A_644 = arith.constant 40 : i32
      %add3A_645 = arith.addi %add3A_622, %add3A_644 : i32
      "tpu.region"() ({
        %run_scoped3A = tpu.sem_alloc : memref<!tpu.dma_semaphore, #tpu.memory_space<semaphore_mem>>
        %dma_start3A_669 = tpu.memref_slice %arg3[%add3A_645] : memref<320000xi32, #tpu.memory_space<hbm>> -> memref<40xi32, #tpu.memory_space<hbm>>
        %dma_start3A_670 = tpu.memref_slice %arg3[%add3A_645] : memref<320000xi32, #tpu.memory_space<hbm>> -> memref<40xi32, #tpu.memory_space<hbm>>
        tpu.enqueue_dma source(%dma_start3A_670 : memref<40xi32, #tpu.memory_space<hbm>>) target(%arg15 : memref<40xi32, #tpu.memory_space<vmem>>) target_semaphore(%run_scoped3A : memref<!tpu.dma_semaphore, #tpu.memory_space<semaphore_mem>>)
        %dma_wait3A_671 = tpu.memref_slice %arg3[%add3A_645] : memref<320000xi32, #tpu.memory_space<hbm>> -> memref<40xi32, #tpu.memory_space<hbm>>
        %dma_wait3A_672 = tpu.memref_slice %arg3[%add3A_645] : memref<320000xi32, #tpu.memory_space<hbm>> -> memref<40xi32, #tpu.memory_space<hbm>>
        tpu.wait_dma2 semaphore(%run_scoped3A : memref<!tpu.dma_semaphore, #tpu.memory_space<semaphore_mem>>) src(%dma_wait3A_672 : memref<40xi32, #tpu.memory_space<hbm>>) dst(%arg15 : memref<40xi32, #tpu.memory_space<vmem>>)
        tpu.yield
      }) : () -> ()
      "tpu.region"() ({
        %run_scoped3A = tpu.sem_alloc : memref<!tpu.dma_semaphore, #tpu.memory_space<semaphore_mem>>
        %dma_start3A_669 = tpu.memref_slice %arg4[%add3A_645] : memref<320000xi32, #tpu.memory_space<hbm>> -> memref<40xi32, #tpu.memory_space<hbm>>
        %dma_start3A_670 = tpu.memref_slice %arg4[%add3A_645] : memref<320000xi32, #tpu.memory_space<hbm>> -> memref<40xi32, #tpu.memory_space<hbm>>
        tpu.enqueue_dma source(%dma_start3A_670 : memref<40xi32, #tpu.memory_space<hbm>>) target(%arg21 : memref<40xi32, #tpu.memory_space<vmem>>) target_semaphore(%run_scoped3A : memref<!tpu.dma_semaphore, #tpu.memory_space<semaphore_mem>>)
        %dma_wait3A_671 = tpu.memref_slice %arg4[%add3A_645] : memref<320000xi32, #tpu.memory_space<hbm>> -> memref<40xi32, #tpu.memory_space<hbm>>
        %dma_wait3A_672 = tpu.memref_slice %arg4[%add3A_645] : memref<320000xi32, #tpu.memory_space<hbm>> -> memref<40xi32, #tpu.memory_space<hbm>>
        tpu.wait_dma2 semaphore(%run_scoped3A : memref<!tpu.dma_semaphore, #tpu.memory_space<semaphore_mem>>) src(%dma_wait3A_672 : memref<40xi32, #tpu.memory_space<hbm>>) dst(%arg21 : memref<40xi32, #tpu.memory_space<vmem>>)
        tpu.yield
      }) : () -> ()
      "tpu.region"() ({
        %run_scoped3A = tpu.sem_alloc : memref<!tpu.dma_semaphore, #tpu.memory_space<semaphore_mem>>
        %dma_start3A_669 = tpu.memref_slice %arg5[%add3A_645] : memref<320000xi32, #tpu.memory_space<hbm>> -> memref<40xi32, #tpu.memory_space<hbm>>
        %dma_start3A_670 = tpu.memref_slice %arg5[%add3A_645] : memref<320000xi32, #tpu.memory_space<hbm>> -> memref<40xi32, #tpu.memory_space<hbm>>
        tpu.enqueue_dma source(%dma_start3A_670 : memref<40xi32, #tpu.memory_space<hbm>>) target(%arg17 : memref<40xi32, #tpu.memory_space<vmem>>) target_semaphore(%run_scoped3A : memref<!tpu.dma_semaphore, #tpu.memory_space<semaphore_mem>>)
        %dma_wait3A_671 = tpu.memref_slice %arg5[%add3A_645] : memref<320000xi32, #tpu.memory_space<hbm>> -> memref<40xi32, #tpu.memory_space<hbm>>
        %dma_wait3A_672 = tpu.memref_slice %arg5[%add3A_645] : memref<320000xi32, #tpu.memory_space<hbm>> -> memref<40xi32, #tpu.memory_space<hbm>>
        tpu.wait_dma2 semaphore(%run_scoped3A : memref<!tpu.dma_semaphore, #tpu.memory_space<semaphore_mem>>) src(%dma_wait3A_672 : memref<40xi32, #tpu.memory_space<hbm>>) dst(%arg17 : memref<40xi32, #tpu.memory_space<vmem>>)
        tpu.yield
      }) : () -> ()
      %dma_start3A_646 = arith.constant 0 : i32
      %dma_start3A_647 = arith.constant 0 : i32
      %dma_start3A_648 = tpu.memref_slice %arg11[%dma_start3A_646, %dma_start3A_647] : memref<16x128xf32, #tpu.memory_space<vmem_shared>> -> memref<16x128xf32, #tpu.memory_space<vmem_shared>>
      tpu.enqueue_indirect_dma source(%dma_start3A_648 : memref<16x128xf32, #tpu.memory_space<vmem_shared>>) target(%arg19 : memref<40x128xf32, #tpu.memory_space<vmem>>) offsets(%arg17 : memref<40xi32, #tpu.memory_space<vmem>>) semaphore(%arg27 : memref<!tpu.dma_semaphore, #tpu.memory_space<semaphore_mem>>)
      %dma_start3A_649 = arith.constant 0 : i32
      %dma_start3A_650 = arith.constant 0 : i32
      %dma_start3A_651 = tpu.memref_slice %arg2[%dma_start3A_649, %dma_start3A_650] : memref<10000x128xf32, #tpu.memory_space<hbm>> -> memref<10000x128xf32, #tpu.memory_space<hbm>>
      tpu.enqueue_indirect_dma source(%dma_start3A_651 : memref<10000x128xf32, #tpu.memory_space<hbm>>) target(%arg18 : memref<40x128xf32, #tpu.memory_space<vmem>>) offsets(%arg15 : memref<40xi32, #tpu.memory_space<vmem>>) semaphore(%arg26 : memref<!tpu.dma_semaphore, #tpu.memory_space<semaphore_mem>>)
      %dma_wait3A_652 = arith.constant 0 : i32
      %dma_wait3A_653 = arith.constant 0 : i32
      %dma_wait3A_654 = tpu.memref_slice %arg2[%dma_wait3A_652, %dma_wait3A_653] : memref<10000x128xf32, #tpu.memory_space<hbm>> -> memref<10000x128xf32, #tpu.memory_space<hbm>>
      tpu.wait_indirect_dma semaphore(%arg26 : memref<!tpu.dma_semaphore, #tpu.memory_space<semaphore_mem>>) src(%dma_wait3A_654 : memref<10000x128xf32, #tpu.memory_space<hbm>>) dst(%arg18 : memref<40x128xf32, #tpu.memory_space<vmem>>)
      %dma_wait3A_655 = arith.constant 0 : i32
      %dma_wait3A_656 = arith.constant 0 : i32
      %dma_wait3A_657 = tpu.memref_slice %arg11[%dma_wait3A_655, %dma_wait3A_656] : memref<16x128xf32, #tpu.memory_space<vmem_shared>> -> memref<16x128xf32, #tpu.memory_space<vmem_shared>>
      tpu.wait_indirect_dma semaphore(%arg27 : memref<!tpu.dma_semaphore, #tpu.memory_space<semaphore_mem>>) src(%dma_wait3A_657 : memref<16x128xf32, #tpu.memory_space<vmem_shared>>) dst(%arg19 : memref<40x128xf32, #tpu.memory_space<vmem>>)
      %scan3A_658 = arith.constant 0 : i32
      %scan3A_659 = arith.constant 0 : i32
      %scan3A_660 = arith.constant 10 : i32
      %scan3A_661 = arith.addi %scan3A_659, %scan3A_660 : i32
      %scan3A_662 = arith.constant 1 : i32
      %scan3A_663 = scf.for %scan3A_669 = %scan3A_659 to %scan3A_661 step %scan3A_662 iter_args(%scan3A_670 = %scan3A_658) -> (i32)  : i32 {
        %mul3A_671 = arith.constant 4 : i32
        %mul3A_672 = arith.muli %scan3A_669, %mul3A_671 : i32
        %add3A_673 = arith.constant 0 : i32
        %add3A_674 = arith.addi %mul3A_672, %add3A_673 : i32
        %add3A_675 = arith.constant 0 : i32
        %add3A_676 = arith.addi %mul3A_577, %add3A_675 : i32
        %get3A_677 = arith.index_cast %add3A_674 : i32 to index
        %get3A_678 = arith.index_cast %add3A_676 : i32 to index
        %get3A_679 = tpu.vector_load %arg18[%get3A_677, %get3A_678] {strides = array<i32>} : memref<40x128xf32, #tpu.memory_space<vmem>>, vector<1x16xf32>,
        %get3A_680 = vector.shape_cast %get3A_679 : vector<1x16xf32> to vector<16xf32>
        %get3A_681 = arith.index_cast %add3A_674 : i32 to index
        %get3A_682 = arith.constant 0 : index
        %get3A_683 = tpu.vector_load %arg19[%get3A_681, %get3A_682] {strides = array<i32>} : memref<40x128xf32, #tpu.memory_space<vmem>>, vector<1x16xf32>,
        %get3A_684 = vector.shape_cast %get3A_683 : vector<1x16xf32> to vector<16xf32>
        %mul3A_685 = arith.mulf %get3A_680, %get3A_684 : vector<16xf32>
        %swap3A_686 = arith.index_cast %add3A_674 : i32 to index
        %swap3A_687 = arith.constant 0 : index
        %swap3A_688 = tpu.vector_load %arg22[%swap3A_686, %swap3A_687] {strides = array<i32>} : memref<40x128xf32, #tpu.memory_space<vmem>>, vector<1x16xf32>,
        %swap3A_689 = vector.shape_cast %swap3A_688 : vector<1x16xf32> to vector<16xf32>
        %swap3A_690 = vector.shape_cast %mul3A_685 : vector<16xf32> to vector<1x16xf32>
        tpu.vector_store %arg22[%swap3A_686, %swap3A_687], %swap3A_690 {strides = array<i32>} : memref<40x128xf32, #tpu.memory_space<vmem>>, vector<1x16xf32>,
        %add3A_691 = arith.constant 16 : i32
        %add3A_692 = arith.addi %mul3A_577, %add3A_691 : i32
        %get3A_693 = arith.index_cast %add3A_674 : i32 to index
        %get3A_694 = arith.index_cast %add3A_692 : i32 to index
        %get3A_695 = tpu.vector_load %arg18[%get3A_693, %get3A_694] {strides = array<i32>} : memref<40x128xf32, #tpu.memory_space<vmem>>, vector<1x16xf32>,
        %get3A_696 = vector.shape_cast %get3A_695 : vector<1x16xf32> to vector<16xf32>
        %get3A_697 = arith.index_cast %add3A_674 : i32 to index
        %get3A_698 = arith.constant 16 : index
        %get3A_699 = tpu.vector_load %arg19[%get3A_697, %get3A_698] {strides = array<i32>} : memref<40x128xf32, #tpu.memory_space<vmem>>, vector<1x16xf32>,
        %get3A_700 = vector.shape_cast %get3A_699 : vector<1x16xf32> to vector<16xf32>
        %mul3A_701 = arith.mulf %get3A_696, %get3A_700 : vector<16xf32>
        %swap3A_702 = arith.index_cast %add3A_674 : i32 to index
        %swap3A_703 = arith.constant 16 : index
        %swap3A_704 = tpu.vector_load %arg22[%swap3A_702, %swap3A_703] {strides = array<i32>} : memref<40x128xf32, #tpu.memory_space<vmem>>, vector<1x16xf32>,
        %swap3A_705 = vector.shape_cast %swap3A_704 : vector<1x16xf32> to vector<16xf32>
        %swap3A_706 = vector.shape_cast %mul3A_701 : vector<16xf32> to vector<1x16xf32>
        tpu.vector_store %arg22[%swap3A_702, %swap3A_703], %swap3A_706 {strides = array<i32>} : memref<40x128xf32, #tpu.memory_space<vmem>>, vector<1x16xf32>,
        %add3A_707 = arith.constant 32 : i32
        %add3A_708 = arith.addi %mul3A_577, %add3A_707 : i32
        %get3A_709 = arith.index_cast %add3A_674 : i32 to index
        %get3A_710 = arith.index_cast %add3A_708 : i32 to index
        %get3A_711 = tpu.vector_load %arg18[%get3A_709, %get3A_710] {strides = array<i32>} : memref<40x128xf32, #tpu.memory_space<vmem>>, vector<1x16xf32>,
        %get3A_712 = vector.shape_cast %get3A_711 : vector<1x16xf32> to vector<16xf32>
        %get3A_713 = arith.index_cast %add3A_674 : i32 to index
        %get3A_714 = arith.constant 32 : index
        %get3A_715 = tpu.vector_load %arg19[%get3A_713, %get3A_714] {strides = array<i32>} : memref<40x128xf32, #tpu.memory_space<vmem>>, vector<1x16xf32>,
        %get3A_716 = vector.shape_cast %get3A_715 : vector<1x16xf32> to vector<16xf32>
        %mul3A_717 = arith.mulf %get3A_712, %get3A_716 : vector<16xf32>
        %swap3A_718 = arith.index_cast %add3A_674 : i32 to index
        %swap3A_719 = arith.constant 32 : index
        %swap3A_720 = tpu.vector_load %arg22[%swap3A_718, %swap3A_719] {strides = array<i32>} : memref<40x128xf32, #tpu.memory_space<vmem>>, vector<1x16xf32>,
        %swap3A_721 = vector.shape_cast %swap3A_720 : vector<1x16xf32> to vector<16xf32>
        %swap3A_722 = vector.shape_cast %mul3A_717 : vector<16xf32> to vector<1x16xf32>
        tpu.vector_store %arg22[%swap3A_718, %swap3A_719], %swap3A_722 {strides = array<i32>} : memref<40x128xf32, #tpu.memory_space<vmem>>, vector<1x16xf32>,
        %add3A_723 = arith.constant 48 : i32
        %add3A_724 = arith.addi %mul3A_577, %add3A_723 : i32
        %get3A_725 = arith.index_cast %add3A_674 : i32 to index
        %get3A_726 = arith.index_cast %add3A_724 : i32 to index
        %get3A_727 = tpu.vector_load %arg18[%get3A_725, %get3A_726] {strides = array<i32>} : memref<40x128xf32, #tpu.memory_space<vmem>>, vector<1x16xf32>,
        %get3A_728 = vector.shape_cast %get3A_727 : vector<1x16xf32> to vector<16xf32>
        %get3A_729 = arith.index_cast %add3A_674 : i32 to index
        %get3A_730 = arith.constant 48 : index
        %get3A_731 = tpu.vector_load %arg19[%get3A_729, %get3A_730] {strides = array<i32>} : memref<40x128xf32, #tpu.memory_space<vmem>>, vector<1x16xf32>,
        %get3A_732 = vector.shape_cast %get3A_731 : vector<1x16xf32> to vector<16xf32>
        %mul3A_733 = arith.mulf %get3A_728, %get3A_732 : vector<16xf32>
        %swap3A_734 = arith.index_cast %add3A_674 : i32 to index
        %swap3A_735 = arith.constant 48 : index
        %swap3A_736 = tpu.vector_load %arg22[%swap3A_734, %swap3A_735] {strides = array<i32>} : memref<40x128xf32, #tpu.memory_space<vmem>>, vector<1x16xf32>,
        %swap3A_737 = vector.shape_cast %swap3A_736 : vector<1x16xf32> to vector<16xf32>
        %swap3A_738 = vector.shape_cast %mul3A_733 : vector<16xf32> to vector<1x16xf32>
        tpu.vector_store %arg22[%swap3A_734, %swap3A_735], %swap3A_738 {strides = array<i32>} : memref<40x128xf32, #tpu.memory_space<vmem>>, vector<1x16xf32>,
        %get3A_739 = arith.index_cast %add3A_674 : i32 to index
        %get3A_740 = arith.constant 64 : index
        %get3A_741 = tpu.vector_load %arg19[%get3A_739, %get3A_740] {strides = array<i32>} : memref<40x128xf32, #tpu.memory_space<vmem>>, vector<1x16xf32>,
        %get3A_742 = vector.shape_cast %get3A_741 : vector<1x16xf32> to vector<16xf32>
        %swap3A_743 = arith.index_cast %add3A_674 : i32 to index
        %swap3A_744 = arith.constant 64 : index
        %swap3A_745 = tpu.vector_load %arg22[%swap3A_743, %swap3A_744] {strides = array<i32>} : memref<40x128xf32, #tpu.memory_space<vmem>>, vector<1x16xf32>,
        %swap3A_746 = vector.shape_cast %swap3A_745 : vector<1x16xf32> to vector<16xf32>
        %swap3A_747 = vector.shape_cast %get3A_742 : vector<16xf32> to vector<1x16xf32>
        tpu.vector_store %arg22[%swap3A_743, %swap3A_744], %swap3A_747 {strides = array<i32>} : memref<40x128xf32, #tpu.memory_space<vmem>>, vector<1x16xf32>,
        %get3A_748 = arith.index_cast %add3A_674 : i32 to index
        %get3A_749 = arith.constant 80 : index
        %get3A_750 = tpu.vector_load %arg19[%get3A_748, %get3A_749] {strides = array<i32>} : memref<40x128xf32, #tpu.memory_space<vmem>>, vector<1x16xf32>,
        %get3A_751 = vector.shape_cast %get3A_750 : vector<1x16xf32> to vector<16xf32>
        %swap3A_752 = arith.index_cast %add3A_674 : i32 to index
        %swap3A_753 = arith.constant 80 : index
        %swap3A_754 = tpu.vector_load %arg22[%swap3A_752, %swap3A_753] {strides = array<i32>} : memref<40x128xf32, #tpu.memory_space<vmem>>, vector<1x16xf32>,
        %swap3A_755 = vector.shape_cast %swap3A_754 : vector<1x16xf32> to vector<16xf32>
        %swap3A_756 = vector.shape_cast %get3A_751 : vector<16xf32> to vector<1x16xf32>
        tpu.vector_store %arg22[%swap3A_752, %swap3A_753], %swap3A_756 {strides = array<i32>} : memref<40x128xf32, #tpu.memory_space<vmem>>, vector<1x16xf32>,
        %mul3A_757 = arith.constant 4 : i32
        %mul3A_758 = arith.muli %scan3A_669, %mul3A_757 : i32
        %add3A_759 = arith.constant 1 : i32
        %add3A_760 = arith.addi %mul3A_758, %add3A_759 : i32
        %add3A_761 = arith.constant 0 : i32
        %add3A_762 = arith.addi %mul3A_577, %add3A_761 : i32
        %get3A_763 = arith.index_cast %add3A_760 : i32 to index
        %get3A_764 = arith.index_cast %add3A_762 : i32 to index
        %get3A_765 = tpu.vector_load %arg18[%get3A_763, %get3A_764] {strides = array<i32>} : memref<40x128xf32, #tpu.memory_space<vmem>>, vector<1x16xf32>,
        %get3A_766 = vector.shape_cast %get3A_765 : vector<1x16xf32> to vector<16xf32>
        %get3A_767 = arith.index_cast %add3A_760 : i32 to index
        %get3A_768 = arith.constant 0 : index
        %get3A_769 = tpu.vector_load %arg19[%get3A_767, %get3A_768] {strides = array<i32>} : memref<40x128xf32, #tpu.memory_space<vmem>>, vector<1x16xf32>,
        %get3A_770 = vector.shape_cast %get3A_769 : vector<1x16xf32> to vector<16xf32>
        %mul3A_771 = arith.mulf %get3A_766, %get3A_770 : vector<16xf32>
        %swap3A_772 = arith.index_cast %add3A_760 : i32 to index
        %swap3A_773 = arith.constant 0 : index
        %swap3A_774 = tpu.vector_load %arg22[%swap3A_772, %swap3A_773] {strides = array<i32>} : memref<40x128xf32, #tpu.memory_space<vmem>>, vector<1x16xf32>,
        %swap3A_775 = vector.shape_cast %swap3A_774 : vector<1x16xf32> to vector<16xf32>
        %swap3A_776 = vector.shape_cast %mul3A_771 : vector<16xf32> to vector<1x16xf32>
        tpu.vector_store %arg22[%swap3A_772, %swap3A_773], %swap3A_776 {strides = array<i32>} : memref<40x128xf32, #tpu.memory_space<vmem>>, vector<1x16xf32>,
        %add3A_777 = arith.constant 16 : i32
        %add3A_778 = arith.addi %mul3A_577, %add3A_777 : i32
        %get3A_779 = arith.index_cast %add3A_760 : i32 to index
        %get3A_780 = arith.index_cast %add3A_778 : i32 to index
        %get3A_781 = tpu.vector_load %arg18[%get3A_779, %get3A_780] {strides = array<i32>} : memref<40x128xf32, #tpu.memory_space<vmem>>, vector<1x16xf32>,
        %get3A_782 = vector.shape_cast %get3A_781 : vector<1x16xf32> to vector<16xf32>
        %get3A_783 = arith.index_cast %add3A_760 : i32 to index
        %get3A_784 = arith.constant 16 : index
        %get3A_785 = tpu.vector_load %arg19[%get3A_783, %get3A_784] {strides = array<i32>} : memref<40x128xf32, #tpu.memory_space<vmem>>, vector<1x16xf32>,
        %get3A_786 = vector.shape_cast %get3A_785 : vector<1x16xf32> to vector<16xf32>
        %mul3A_787 = arith.mulf %get3A_782, %get3A_786 : vector<16xf32>
        %swap3A_788 = arith.index_cast %add3A_760 : i32 to index
        %swap3A_789 = arith.constant 16 : index
        %swap3A_790 = tpu.vector_load %arg22[%swap3A_788, %swap3A_789] {strides = array<i32>} : memref<40x128xf32, #tpu.memory_space<vmem>>, vector<1x16xf32>,
        %swap3A_791 = vector.shape_cast %swap3A_790 : vector<1x16xf32> to vector<16xf32>
        %swap3A_792 = vector.shape_cast %mul3A_787 : vector<16xf32> to vector<1x16xf32>
        tpu.vector_store %arg22[%swap3A_788, %swap3A_789], %swap3A_792 {strides = array<i32>} : memref<40x128xf32, #tpu.memory_space<vmem>>, vector<1x16xf32>,
        %add3A_793 = arith.constant 32 : i32
        %add3A_794 = arith.addi %mul3A_577, %add3A_793 : i32
        %get3A_795 = arith.index_cast %add3A_760 : i32 to index
        %get3A_796 = arith.index_cast %add3A_794 : i32 to index
        %get3A_797 = tpu.vector_load %arg18[%get3A_795, %get3A_796] {strides = array<i32>} : memref<40x128xf32, #tpu.memory_space<vmem>>, vector<1x16xf32>,
        %get3A_798 = vector.shape_cast %get3A_797 : vector<1x16xf32> to vector<16xf32>
        %get3A_799 = arith.index_cast %add3A_760 : i32 to index
        %get3A_800 = arith.constant 32 : index
        %get3A_801 = tpu.vector_load %arg19[%get3A_799, %get3A_800] {strides = array<i32>} : memref<40x128xf32, #tpu.memory_space<vmem>>, vector<1x16xf32>,
        %get3A_802 = vector.shape_cast %get3A_801 : vector<1x16xf32> to vector<16xf32>
        %mul3A_803 = arith.mulf %get3A_798, %get3A_802 : vector<16xf32>
        %swap3A_804 = arith.index_cast %add3A_760 : i32 to index
        %swap3A_805 = arith.constant 32 : index
        %swap3A_806 = tpu.vector_load %arg22[%swap3A_804, %swap3A_805] {strides = array<i32>} : memref<40x128xf32, #tpu.memory_space<vmem>>, vector<1x16xf32>,
        %swap3A_807 = vector.shape_cast %swap3A_806 : vector<1x16xf32> to vector<16xf32>
        %swap3A_808 = vector.shape_cast %mul3A_803 : vector<16xf32> to vector<1x16xf32>
        tpu.vector_store %arg22[%swap3A_804, %swap3A_805], %swap3A_808 {strides = array<i32>} : memref<40x128xf32, #tpu.memory_space<vmem>>, vector<1x16xf32>,
        %add3A_809 = arith.constant 48 : i32
        %add3A_810 = arith.addi %mul3A_577, %add3A_809 : i32
        %get3A_811 = arith.index_cast %add3A_760 : i32 to index
        %get3A_812 = arith.index_cast %add3A_810 : i32 to index
        %get3A_813 = tpu.vector_load %arg18[%get3A_811, %get3A_812] {strides = array<i32>} : memref<40x128xf32, #tpu.memory_space<vmem>>, vector<1x16xf32>,
        %get3A_814 = vector.shape_cast %get3A_813 : vector<1x16xf32> to vector<16xf32>
        %get3A_815 = arith.index_cast %add3A_760 : i32 to index
        %get3A_816 = arith.constant 48 : index
        %get3A_817 = tpu.vector_load %arg19[%get3A_815, %get3A_816] {strides = array<i32>} : memref<40x128xf32, #tpu.memory_space<vmem>>, vector<1x16xf32>,
        %get3A_818 = vector.shape_cast %get3A_817 : vector<1x16xf32> to vector<16xf32>
        %mul3A_819 = arith.mulf %get3A_814, %get3A_818 : vector<16xf32>
        %swap3A_820 = arith.index_cast %add3A_760 : i32 to index
        %swap3A_821 = arith.constant 48 : index
        %swap3A_822 = tpu.vector_load %arg22[%swap3A_820, %swap3A_821] {strides = array<i32>} : memref<40x128xf32, #tpu.memory_space<vmem>>, vector<1x16xf32>,
        %swap3A_823 = vector.shape_cast %swap3A_822 : vector<1x16xf32> to vector<16xf32>
        %swap3A_824 = vector.shape_cast %mul3A_819 : vector<16xf32> to vector<1x16xf32>
        tpu.vector_store %arg22[%swap3A_820, %swap3A_821], %swap3A_824 {strides = array<i32>} : memref<40x128xf32, #tpu.memory_space<vmem>>, vector<1x16xf32>,
        %get3A_825 = arith.index_cast %add3A_760 : i32 to index
        %get3A_826 = arith.constant 64 : index
        %get3A_827 = tpu.vector_load %arg19[%get3A_825, %get3A_826] {strides = array<i32>} : memref<40x128xf32, #tpu.memory_space<vmem>>, vector<1x16xf32>,
        %get3A_828 = vector.shape_cast %get3A_827 : vector<1x16xf32> to vector<16xf32>
        %swap3A_829 = arith.index_cast %add3A_760 : i32 to index
        %swap3A_830 = arith.constant 64 : index
        %swap3A_831 = tpu.vector_load %arg22[%swap3A_829, %swap3A_830] {strides = array<i32>} : memref<40x128xf32, #tpu.memory_space<vmem>>, vector<1x16xf32>,
        %swap3A_832 = vector.shape_cast %swap3A_831 : vector<1x16xf32> to vector<16xf32>
        %swap3A_833 = vector.shape_cast %get3A_828 : vector<16xf32> to vector<1x16xf32>
        tpu.vector_store %arg22[%swap3A_829, %swap3A_830], %swap3A_833 {strides = array<i32>} : memref<40x128xf32, #tpu.memory_space<vmem>>, vector<1x16xf32>,
        %get3A_834 = arith.index_cast %add3A_760 : i32 to index
        %get3A_835 = arith.constant 80 : index
        %get3A_836 = tpu.vector_load %arg19[%get3A_834, %get3A_835] {strides = array<i32>} : memref<40x128xf32, #tpu.memory_space<vmem>>, vector<1x16xf32>,
        %get3A_837 = vector.shape_cast %get3A_836 : vector<1x16xf32> to vector<16xf32>
        %swap3A_838 = arith.index_cast %add3A_760 : i32 to index
        %swap3A_839 = arith.constant 80 : index
        %swap3A_840 = tpu.vector_load %arg22[%swap3A_838, %swap3A_839] {strides = array<i32>} : memref<40x128xf32, #tpu.memory_space<vmem>>, vector<1x16xf32>,
        %swap3A_841 = vector.shape_cast %swap3A_840 : vector<1x16xf32> to vector<16xf32>
        %swap3A_842 = vector.shape_cast %get3A_837 : vector<16xf32> to vector<1x16xf32>
        tpu.vector_store %arg22[%swap3A_838, %swap3A_839], %swap3A_842 {strides = array<i32>} : memref<40x128xf32, #tpu.memory_space<vmem>>, vector<1x16xf32>,
        %mul3A_843 = arith.constant 4 : i32
        %mul3A_844 = arith.muli %scan3A_669, %mul3A_843 : i32
        %add3A_845 = arith.constant 2 : i32
        %add3A_846 = arith.addi %mul3A_844, %add3A_845 : i32
        %add3A_847 = arith.constant 0 : i32
        %add3A_848 = arith.addi %mul3A_577, %add3A_847 : i32
        %get3A_849 = arith.index_cast %add3A_846 : i32 to index
        %get3A_850 = arith.index_cast %add3A_848 : i32 to index
        %get3A_851 = tpu.vector_load %arg18[%get3A_849, %get3A_850] {strides = array<i32>} : memref<40x128xf32, #tpu.memory_space<vmem>>, vector<1x16xf32>,
        %get3A_852 = vector.shape_cast %get3A_851 : vector<1x16xf32> to vector<16xf32>
        %get3A_853 = arith.index_cast %add3A_846 : i32 to index
        %get3A_854 = arith.constant 0 : index
        %get3A_855 = tpu.vector_load %arg19[%get3A_853, %get3A_854] {strides = array<i32>} : memref<40x128xf32, #tpu.memory_space<vmem>>, vector<1x16xf32>,
        %get3A_856 = vector.shape_cast %get3A_855 : vector<1x16xf32> to vector<16xf32>
        %mul3A_857 = arith.mulf %get3A_852, %get3A_856 : vector<16xf32>
        %swap3A_858 = arith.index_cast %add3A_846 : i32 to index
        %swap3A_859 = arith.constant 0 : index
        %swap3A_860 = tpu.vector_load %arg22[%swap3A_858, %swap3A_859] {strides = array<i32>} : memref<40x128xf32, #tpu.memory_space<vmem>>, vector<1x16xf32>,
        %swap3A_861 = vector.shape_cast %swap3A_860 : vector<1x16xf32> to vector<16xf32>
        %swap3A_862 = vector.shape_cast %mul3A_857 : vector<16xf32> to vector<1x16xf32>
        tpu.vector_store %arg22[%swap3A_858, %swap3A_859], %swap3A_862 {strides = array<i32>} : memref<40x128xf32, #tpu.memory_space<vmem>>, vector<1x16xf32>,
        %add3A_863 = arith.constant 16 : i32
        %add3A_864 = arith.addi %mul3A_577, %add3A_863 : i32
        %get3A_865 = arith.index_cast %add3A_846 : i32 to index
        %get3A_866 = arith.index_cast %add3A_864 : i32 to index
        %get3A_867 = tpu.vector_load %arg18[%get3A_865, %get3A_866] {strides = array<i32>} : memref<40x128xf32, #tpu.memory_space<vmem>>, vector<1x16xf32>,
        %get3A_868 = vector.shape_cast %get3A_867 : vector<1x16xf32> to vector<16xf32>
        %get3A_869 = arith.index_cast %add3A_846 : i32 to index
        %get3A_870 = arith.constant 16 : index
        %get3A_871 = tpu.vector_load %arg19[%get3A_869, %get3A_870] {strides = array<i32>} : memref<40x128xf32, #tpu.memory_space<vmem>>, vector<1x16xf32>,
        %get3A_872 = vector.shape_cast %get3A_871 : vector<1x16xf32> to vector<16xf32>
        %mul3A_873 = arith.mulf %get3A_868, %get3A_872 : vector<16xf32>
        %swap3A_874 = arith.index_cast %add3A_846 : i32 to index
        %swap3A_875 = arith.constant 16 : index
        %swap3A_876 = tpu.vector_load %arg22[%swap3A_874, %swap3A_875] {strides = array<i32>} : memref<40x128xf32, #tpu.memory_space<vmem>>, vector<1x16xf32>,
        %swap3A_877 = vector.shape_cast %swap3A_876 : vector<1x16xf32> to vector<16xf32>
        %swap3A_878 = vector.shape_cast %mul3A_873 : vector<16xf32> to vector<1x16xf32>
        tpu.vector_store %arg22[%swap3A_874, %swap3A_875], %swap3A_878 {strides = array<i32>} : memref<40x128xf32, #tpu.memory_space<vmem>>, vector<1x16xf32>,
        %add3A_879 = arith.constant 32 : i32
        %add3A_880 = arith.addi %mul3A_577, %add3A_879 : i32
        %get3A_881 = arith.index_cast %add3A_846 : i32 to index
        %get3A_882 = arith.index_cast %add3A_880 : i32 to index
        %get3A_883 = tpu.vector_load %arg18[%get3A_881, %get3A_882] {strides = array<i32>} : memref<40x128xf32, #tpu.memory_space<vmem>>, vector<1x16xf32>,
        %get3A_884 = vector.shape_cast %get3A_883 : vector<1x16xf32> to vector<16xf32>
        %get3A_885 = arith.index_cast %add3A_846 : i32 to index
        %get3A_886 = arith.constant 32 : index
        %get3A_887 = tpu.vector_load %arg19[%get3A_885, %get3A_886] {strides = array<i32>} : memref<40x128xf32, #tpu.memory_space<vmem>>, vector<1x16xf32>,
        %get3A_888 = vector.shape_cast %get3A_887 : vector<1x16xf32> to vector<16xf32>
        %mul3A_889 = arith.mulf %get3A_884, %get3A_888 : vector<16xf32>
        %swap3A_890 = arith.index_cast %add3A_846 : i32 to index
        %swap3A_891 = arith.constant 32 : index
        %swap3A_892 = tpu.vector_load %arg22[%swap3A_890, %swap3A_891] {strides = array<i32>} : memref<40x128xf32, #tpu.memory_space<vmem>>, vector<1x16xf32>,
        %swap3A_893 = vector.shape_cast %swap3A_892 : vector<1x16xf32> to vector<16xf32>
        %swap3A_894 = vector.shape_cast %mul3A_889 : vector<16xf32> to vector<1x16xf32>
        tpu.vector_store %arg22[%swap3A_890, %swap3A_891], %swap3A_894 {strides = array<i32>} : memref<40x128xf32, #tpu.memory_space<vmem>>, vector<1x16xf32>,
        %add3A_895 = arith.constant 48 : i32
        %add3A_896 = arith.addi %mul3A_577, %add3A_895 : i32
        %get3A_897 = arith.index_cast %add3A_846 : i32 to index
        %get3A_898 = arith.index_cast %add3A_896 : i32 to index
        %get3A_899 = tpu.vector_load %arg18[%get3A_897, %get3A_898] {strides = array<i32>} : memref<40x128xf32, #tpu.memory_space<vmem>>, vector<1x16xf32>,
        %get3A_900 = vector.shape_cast %get3A_899 : vector<1x16xf32> to vector<16xf32>
        %get3A_901 = arith.index_cast %add3A_846 : i32 to index
        %get3A_902 = arith.constant 48 : index
        %get3A_903 = tpu.vector_load %arg19[%get3A_901, %get3A_902] {strides = array<i32>} : memref<40x128xf32, #tpu.memory_space<vmem>>, vector<1x16xf32>,
        %get3A_904 = vector.shape_cast %get3A_903 : vector<1x16xf32> to vector<16xf32>
        %mul3A_905 = arith.mulf %get3A_900, %get3A_904 : vector<16xf32>
        %swap3A_906 = arith.index_cast %add3A_846 : i32 to index
        %swap3A_907 = arith.constant 48 : index
        %swap3A_908 = tpu.vector_load %arg22[%swap3A_906, %swap3A_907] {strides = array<i32>} : memref<40x128xf32, #tpu.memory_space<vmem>>, vector<1x16xf32>,
        %swap3A_909 = vector.shape_cast %swap3A_908 : vector<1x16xf32> to vector<16xf32>
        %swap3A_910 = vector.shape_cast %mul3A_905 : vector<16xf32> to vector<1x16xf32>
        tpu.vector_store %arg22[%swap3A_906, %swap3A_907], %swap3A_910 {strides = array<i32>} : memref<40x128xf32, #tpu.memory_space<vmem>>, vector<1x16xf32>,
        %get3A_911 = arith.index_cast %add3A_846 : i32 to index
        %get3A_912 = arith.constant 64 : index
        %get3A_913 = tpu.vector_load %arg19[%get3A_911, %get3A_912] {strides = array<i32>} : memref<40x128xf32, #tpu.memory_space<vmem>>, vector<1x16xf32>,
        %get3A_914 = vector.shape_cast %get3A_913 : vector<1x16xf32> to vector<16xf32>
        %swap3A_915 = arith.index_cast %add3A_846 : i32 to index
        %swap3A_916 = arith.constant 64 : index
        %swap3A_917 = tpu.vector_load %arg22[%swap3A_915, %swap3A_916] {strides = array<i32>} : memref<40x128xf32, #tpu.memory_space<vmem>>, vector<1x16xf32>,
        %swap3A_918 = vector.shape_cast %swap3A_917 : vector<1x16xf32> to vector<16xf32>
        %swap3A_919 = vector.shape_cast %get3A_914 : vector<16xf32> to vector<1x16xf32>
        tpu.vector_store %arg22[%swap3A_915, %swap3A_916], %swap3A_919 {strides = array<i32>} : memref<40x128xf32, #tpu.memory_space<vmem>>, vector<1x16xf32>,
        %get3A_920 = arith.index_cast %add3A_846 : i32 to index
        %get3A_921 = arith.constant 80 : index
        %get3A_922 = tpu.vector_load %arg19[%get3A_920, %get3A_921] {strides = array<i32>} : memref<40x128xf32, #tpu.memory_space<vmem>>, vector<1x16xf32>,
        %get3A_923 = vector.shape_cast %get3A_922 : vector<1x16xf32> to vector<16xf32>
        %swap3A_924 = arith.index_cast %add3A_846 : i32 to index
        %swap3A_925 = arith.constant 80 : index
        %swap3A_926 = tpu.vector_load %arg22[%swap3A_924, %swap3A_925] {strides = array<i32>} : memref<40x128xf32, #tpu.memory_space<vmem>>, vector<1x16xf32>,
        %swap3A_927 = vector.shape_cast %swap3A_926 : vector<1x16xf32> to vector<16xf32>
        %swap3A_928 = vector.shape_cast %get3A_923 : vector<16xf32> to vector<1x16xf32>
        tpu.vector_store %arg22[%swap3A_924, %swap3A_925], %swap3A_928 {strides = array<i32>} : memref<40x128xf32, #tpu.memory_space<vmem>>, vector<1x16xf32>,
        %mul3A_929 = arith.constant 4 : i32
        %mul3A_930 = arith.muli %scan3A_669, %mul3A_929 : i32
        %add3A_931 = arith.constant 3 : i32
        %add3A_932 = arith.addi %mul3A_930, %add3A_931 : i32
        %add3A_933 = arith.constant 0 : i32
        %add3A_934 = arith.addi %mul3A_577, %add3A_933 : i32
        %get3A_935 = arith.index_cast %add3A_932 : i32 to index
        %get3A_936 = arith.index_cast %add3A_934 : i32 to index
        %get3A_937 = tpu.vector_load %arg18[%get3A_935, %get3A_936] {strides = array<i32>} : memref<40x128xf32, #tpu.memory_space<vmem>>, vector<1x16xf32>,
        %get3A_938 = vector.shape_cast %get3A_937 : vector<1x16xf32> to vector<16xf32>
        %get3A_939 = arith.index_cast %add3A_932 : i32 to index
        %get3A_940 = arith.constant 0 : index
        %get3A_941 = tpu.vector_load %arg19[%get3A_939, %get3A_940] {strides = array<i32>} : memref<40x128xf32, #tpu.memory_space<vmem>>, vector<1x16xf32>,
        %get3A_942 = vector.shape_cast %get3A_941 : vector<1x16xf32> to vector<16xf32>
        %mul3A_943 = arith.mulf %get3A_938, %get3A_942 : vector<16xf32>
        %swap3A_944 = arith.index_cast %add3A_932 : i32 to index
        %swap3A_945 = arith.constant 0 : index
        %swap3A_946 = tpu.vector_load %arg22[%swap3A_944, %swap3A_945] {strides = array<i32>} : memref<40x128xf32, #tpu.memory_space<vmem>>, vector<1x16xf32>,
        %swap3A_947 = vector.shape_cast %swap3A_946 : vector<1x16xf32> to vector<16xf32>
        %swap3A_948 = vector.shape_cast %mul3A_943 : vector<16xf32> to vector<1x16xf32>
        tpu.vector_store %arg22[%swap3A_944, %swap3A_945], %swap3A_948 {strides = array<i32>} : memref<40x128xf32, #tpu.memory_space<vmem>>, vector<1x16xf32>,
        %add3A_949 = arith.constant 16 : i32
        %add3A_950 = arith.addi %mul3A_577, %add3A_949 : i32
        %get3A_951 = arith.index_cast %add3A_932 : i32 to index
        %get3A_952 = arith.index_cast %add3A_950 : i32 to index
        %get3A_953 = tpu.vector_load %arg18[%get3A_951, %get3A_952] {strides = array<i32>} : memref<40x128xf32, #tpu.memory_space<vmem>>, vector<1x16xf32>,
        %get3A_954 = vector.shape_cast %get3A_953 : vector<1x16xf32> to vector<16xf32>
        %get3A_955 = arith.index_cast %add3A_932 : i32 to index
        %get3A_956 = arith.constant 16 : index
        %get3A_957 = tpu.vector_load %arg19[%get3A_955, %get3A_956] {strides = array<i32>} : memref<40x128xf32, #tpu.memory_space<vmem>>, vector<1x16xf32>,
        %get3A_958 = vector.shape_cast %get3A_957 : vector<1x16xf32> to vector<16xf32>
        %mul3A_959 = arith.mulf %get3A_954, %get3A_958 : vector<16xf32>
        %swap3A_960 = arith.index_cast %add3A_932 : i32 to index
        %swap3A_961 = arith.constant 16 : index
        %swap3A_962 = tpu.vector_load %arg22[%swap3A_960, %swap3A_961] {strides = array<i32>} : memref<40x128xf32, #tpu.memory_space<vmem>>, vector<1x16xf32>,
        %swap3A_963 = vector.shape_cast %swap3A_962 : vector<1x16xf32> to vector<16xf32>
        %swap3A_964 = vector.shape_cast %mul3A_959 : vector<16xf32> to vector<1x16xf32>
        tpu.vector_store %arg22[%swap3A_960, %swap3A_961], %swap3A_964 {strides = array<i32>} : memref<40x128xf32, #tpu.memory_space<vmem>>, vector<1x16xf32>,
        %add3A_965 = arith.constant 32 : i32
        %add3A_966 = arith.addi %mul3A_577, %add3A_965 : i32
        %get3A_967 = arith.index_cast %add3A_932 : i32 to index
        %get3A_968 = arith.index_cast %add3A_966 : i32 to index
        %get3A_969 = tpu.vector_load %arg18[%get3A_967, %get3A_968] {strides = array<i32>} : memref<40x128xf32, #tpu.memory_space<vmem>>, vector<1x16xf32>,
        %get3A_970 = vector.shape_cast %get3A_969 : vector<1x16xf32> to vector<16xf32>
        %get3A_971 = arith.index_cast %add3A_932 : i32 to index
        %get3A_972 = arith.constant 32 : index
        %get3A_973 = tpu.vector_load %arg19[%get3A_971, %get3A_972] {strides = array<i32>} : memref<40x128xf32, #tpu.memory_space<vmem>>, vector<1x16xf32>,
        %get3A_974 = vector.shape_cast %get3A_973 : vector<1x16xf32> to vector<16xf32>
        %mul3A_975 = arith.mulf %get3A_970, %get3A_974 : vector<16xf32>
        %swap3A_976 = arith.index_cast %add3A_932 : i32 to index
        %swap3A_977 = arith.constant 32 : index
        %swap3A_978 = tpu.vector_load %arg22[%swap3A_976, %swap3A_977] {strides = array<i32>} : memref<40x128xf32, #tpu.memory_space<vmem>>, vector<1x16xf32>,
        %swap3A_979 = vector.shape_cast %swap3A_978 : vector<1x16xf32> to vector<16xf32>
        %swap3A_980 = vector.shape_cast %mul3A_975 : vector<16xf32> to vector<1x16xf32>
        tpu.vector_store %arg22[%swap3A_976, %swap3A_977], %swap3A_980 {strides = array<i32>} : memref<40x128xf32, #tpu.memory_space<vmem>>, vector<1x16xf32>,
        %add3A_981 = arith.constant 48 : i32
        %add3A_982 = arith.addi %mul3A_577, %add3A_981 : i32
        %get3A_983 = arith.index_cast %add3A_932 : i32 to index
        %get3A_984 = arith.index_cast %add3A_982 : i32 to index
        %get3A_985 = tpu.vector_load %arg18[%get3A_983, %get3A_984] {strides = array<i32>} : memref<40x128xf32, #tpu.memory_space<vmem>>, vector<1x16xf32>,
        %get3A_986 = vector.shape_cast %get3A_985 : vector<1x16xf32> to vector<16xf32>
        %get3A_987 = arith.index_cast %add3A_932 : i32 to index
        %get3A_988 = arith.constant 48 : index
        %get3A_989 = tpu.vector_load %arg19[%get3A_987, %get3A_988] {strides = array<i32>} : memref<40x128xf32, #tpu.memory_space<vmem>>, vector<1x16xf32>,
        %get3A_990 = vector.shape_cast %get3A_989 : vector<1x16xf32> to vector<16xf32>
        %mul3A_991 = arith.mulf %get3A_986, %get3A_990 : vector<16xf32>
        %swap3A_992 = arith.index_cast %add3A_932 : i32 to index
        %swap3A_993 = arith.constant 48 : index
        %swap3A_994 = tpu.vector_load %arg22[%swap3A_992, %swap3A_993] {strides = array<i32>} : memref<40x128xf32, #tpu.memory_space<vmem>>, vector<1x16xf32>,
        %swap3A_995 = vector.shape_cast %swap3A_994 : vector<1x16xf32> to vector<16xf32>
        %swap3A_996 = vector.shape_cast %mul3A_991 : vector<16xf32> to vector<1x16xf32>
        tpu.vector_store %arg22[%swap3A_992, %swap3A_993], %swap3A_996 {strides = array<i32>} : memref<40x128xf32, #tpu.memory_space<vmem>>, vector<1x16xf32>,
        %get3A_997 = arith.index_cast %add3A_932 : i32 to index
        %get3A_998 = arith.constant 64 : index
        %get3A_999 = tpu.vector_load %arg19[%get3A_997, %get3A_998] {strides = array<i32>} : memref<40x128xf32, #tpu.memory_space<vmem>>, vector<1x16xf32>,
        %get3A_1000 = vector.shape_cast %get3A_999 : vector<1x16xf32> to vector<16xf32>
        %swap3A_1001 = arith.index_cast %add3A_932 : i32 to index
        %swap3A_1002 = arith.constant 64 : index
        %swap3A_1003 = tpu.vector_load %arg22[%swap3A_1001, %swap3A_1002] {strides = array<i32>} : memref<40x128xf32, #tpu.memory_space<vmem>>, vector<1x16xf32>,
        %swap3A_1004 = vector.shape_cast %swap3A_1003 : vector<1x16xf32> to vector<16xf32>
        %swap3A_1005 = vector.shape_cast %get3A_1000 : vector<16xf32> to vector<1x16xf32>
        tpu.vector_store %arg22[%swap3A_1001, %swap3A_1002], %swap3A_1005 {strides = array<i32>} : memref<40x128xf32, #tpu.memory_space<vmem>>, vector<1x16xf32>,
        %get3A_1006 = arith.index_cast %add3A_932 : i32 to index
        %get3A_1007 = arith.constant 80 : index
        %get3A_1008 = tpu.vector_load %arg19[%get3A_1006, %get3A_1007] {strides = array<i32>} : memref<40x128xf32, #tpu.memory_space<vmem>>, vector<1x16xf32>,
        %get3A_1009 = vector.shape_cast %get3A_1008 : vector<1x16xf32> to vector<16xf32>
        %swap3A_1010 = arith.index_cast %add3A_932 : i32 to index
        %swap3A_1011 = arith.constant 80 : index
        %swap3A_1012 = tpu.vector_load %arg22[%swap3A_1010, %swap3A_1011] {strides = array<i32>} : memref<40x128xf32, #tpu.memory_space<vmem>>, vector<1x16xf32>,
        %swap3A_1013 = vector.shape_cast %swap3A_1012 : vector<1x16xf32> to vector<16xf32>
        %swap3A_1014 = vector.shape_cast %get3A_1009 : vector<16xf32> to vector<1x16xf32>
        tpu.vector_store %arg22[%swap3A_1010, %swap3A_1011], %swap3A_1014 {strides = array<i32>} : memref<40x128xf32, #tpu.memory_space<vmem>>, vector<1x16xf32>,
        %scan3A_1015 = arith.constant 0 : i32
        scf.yield %scan3A_1015 : i32
      }
      %scan3A_664 = arith.constant 10 : i32
      %dma_start3A_665 = arith.constant 0 : i32
      %dma_start3A_666 = arith.constant 0 : i32
      %dma_start3A_667 = tpu.memref_slice %arg10[%dma_start3A_665, %dma_start3A_666] : memref<10000x128xf32, #tpu.memory_space<vmem_shared>> -> memref<10000x128xf32, #tpu.memory_space<vmem_shared>>
      tpu.enqueue_indirect_dma source(%arg22 : memref<40x128xf32, #tpu.memory_space<vmem>>) target(%dma_start3A_667 : memref<10000x128xf32, #tpu.memory_space<vmem_shared>>) offsets(%arg21 : memref<40xi32, #tpu.memory_space<vmem>>) semaphore(%arg29 : memref<!tpu.dma_semaphore, #tpu.memory_space<semaphore_mem>>) {add = true}
      %scan3A_668 = arith.constant 0 : i32
      scf.yield %scan3A_668 : i32
    }
    %scan3A_584 = arith.constant 250 : i32
    %dma_wait3A = arith.constant 0 : i32
    %dma_wait3A_585 = arith.constant 0 : i32
    %dma_wait3A_586 = tpu.memref_slice %arg10[%dma_wait3A, %dma_wait3A_585] : memref<10000x128xf32, #tpu.memory_space<vmem_shared>> -> memref<10000x128xf32, #tpu.memory_space<vmem_shared>>
    tpu.wait_indirect_dma semaphore(%arg28 : memref<!tpu.dma_semaphore, #tpu.memory_space<semaphore_mem>>) src(%arg20 : memref<40x128xf32, #tpu.memory_space<vmem>>) dst(%dma_wait3A_586 : memref<10000x128xf32, #tpu.memory_space<vmem_shared>>)
    %dma_wait3A_587 = arith.constant 0 : i32
    %dma_wait3A_588 = arith.constant 0 : i32
    %dma_wait3A_589 = tpu.memref_slice %arg10[%dma_wait3A_587, %dma_wait3A_588] : memref<10000x128xf32, #tpu.memory_space<vmem_shared>> -> memref<10000x128xf32, #tpu.memory_space<vmem_shared>>
    tpu.wait_indirect_dma semaphore(%arg29 : memref<!tpu.dma_semaphore, #tpu.memory_space<semaphore_mem>>) src(%arg22 : memref<40x128xf32, #tpu.memory_space<vmem>>) dst(%dma_wait3A_589 : memref<10000x128xf32, #tpu.memory_space<vmem_shared>>)
    %barrier3A_590 = arith.constant 0 : index
    tpu.barrier barrier_id(%barrier3A_590)
    %mul3A_591 = arith.constant 16 : i32
    %mul3A_592 = arith.muli %arg0, %mul3A_591 : i32
    %add3A_593 = arith.constant 64 : i32
    %add3A_594 = arith.addi %add3A_593, %mul3A_592 : i32
    %scan3A_595 = arith.constant 0 : i32
    %scan3A_596 = arith.constant 0 : i32
    %scan3A_597 = arith.constant 125 : i32
    %scan3A_598 = arith.addi %scan3A_596, %scan3A_597 : i32
    %scan3A_599 = arith.constant 1 : i32
    %scan3A_600 = scf.for %scan3A_610 = %scan3A_596 to %scan3A_598 step %scan3A_599 iter_args(%scan3A_611 = %scan3A_595) -> (i32)  : i32 {
      %jit3A = arith.constant 16 : i32
      %eq3A_612 = arith.constant 0 : i32
      %eq3A_613 = arith.cmpi eq, %jit3A, %eq3A_612 : i32
      %jit3A_614 = arith.constant 1 : i32
      %select_n3A_615 = arith.select %eq3A_613, %jit3A_614, %jit3A : i32
      %rem3A = arith.remsi %scan3A_610, %select_n3A_615 : i32
      %ne3A = arith.constant 0 : i32
      %ne3A_616 = arith.cmpi ne, %rem3A, %ne3A : i32
      %lt3A_617 = arith.constant 0 : i32
      %lt3A_618 = arith.cmpi slt, %rem3A, %lt3A_617 : i32
      %lt3A_619 = arith.constant 0 : i32
      %lt3A_620 = arith.cmpi slt, %select_n3A_615, %lt3A_619 : i32
      %ne3A_621 = arith.xori %lt3A_618, %lt3A_620 : i1
      %and3A = arith.andi %ne3A_621, %ne3A_616 : i1
      %add3A_622 = arith.addi %rem3A, %select_n3A_615 : i32
      %select_n3A_623 = arith.select %and3A, %add3A_622, %rem3A : i32
      %eq3A_624 = arith.cmpi eq, %select_n3A_623, %arg1 : i32
      %convert_element_type3A_625 = arith.extui %eq3A_624 : i1 to i32
      %cond3A_626 = arith.constant 0 : i32
      %cond3A_627 = arith.cmpi ne, %convert_element_type3A_625, %cond3A_626 : i32
      scf.if %cond3A_627 {
        %mul3A_629 = arith.constant 80 : i32
        %mul3A_630 = arith.muli %scan3A_610, %mul3A_629 : i32
        "tpu.region"() ({
          %run_scoped3A = tpu.sem_alloc : memref<!tpu.dma_semaphore, #tpu.memory_space<semaphore_mem>>
          %dma_start3A = arith.constant 0 : i32
          %dma_start3A_667 = tpu.memref_slice %arg10[%mul3A_630, %dma_start3A] : memref<10000x128xf32, #tpu.memory_space<vmem_shared>> -> memref<80x128xf32, #tpu.memory_space<vmem_shared>>
          %dma_start3A_668 = arith.constant 0 : i32
          %dma_start3A_669 = tpu.memref_slice %arg10[%mul3A_630, %dma_start3A_668] : memref<10000x128xf32, #tpu.memory_space<vmem_shared>> -> memref<80x128xf32, #tpu.memory_space<vmem_shared>>
          tpu.enqueue_dma source(%dma_start3A_669 : memref<80x128xf32, #tpu.memory_space<vmem_shared>>) target(%arg24 : memref<80x128xf32, #tpu.memory_space<vmem>>) target_semaphore(%run_scoped3A : memref<!tpu.dma_semaphore, #tpu.memory_space<semaphore_mem>>)
          %dma_wait3A_670 = arith.constant 0 : i32
          %dma_wait3A_671 = tpu.memref_slice %arg10[%mul3A_630, %dma_wait3A_670] : memref<10000x128xf32, #tpu.memory_space<vmem_shared>> -> memref<80x128xf32, #tpu.memory_space<vmem_shared>>
          %dma_wait3A_672 = arith.constant 0 : i32
          %dma_wait3A_673 = tpu.memref_slice %arg10[%mul3A_630, %dma_wait3A_672] : memref<10000x128xf32, #tpu.memory_space<vmem_shared>> -> memref<80x128xf32, #tpu.memory_space<vmem_shared>>
          tpu.wait_dma2 semaphore(%run_scoped3A : memref<!tpu.dma_semaphore, #tpu.memory_space<semaphore_mem>>) src(%dma_wait3A_673 : memref<80x128xf32, #tpu.memory_space<vmem_shared>>) dst(%arg24 : memref<80x128xf32, #tpu.memory_space<vmem>>)
          tpu.yield
        }) : () -> ()
        %scan3A_631 = arith.constant 0 : i32
        %scan3A_632 = arith.constant 0 : i32
        %scan3A_633 = arith.constant 80 : i32
        %scan3A_634 = arith.addi %scan3A_632, %scan3A_633 : i32
        %scan3A_635 = arith.constant 1 : i32
        %scan3A_636 = scf.for %scan3A_667 = %scan3A_632 to %scan3A_634 step %scan3A_635 iter_args(%scan3A_668 = %scan3A_631) -> (i32)  : i32 {
          %get3A_669 = arith.index_cast %scan3A_667 : i32 to index
          %get3A_670 = arith.index_cast %add3A_594 : i32 to index
          %get3A_671 = tpu.vector_load %arg24[%get3A_669, %get3A_670] {strides = array<i32>} : memref<80x128xf32, #tpu.memory_space<vmem>>, vector<1x16xf32>,
          %get3A_672 = vector.shape_cast %get3A_671 : vector<1x16xf32> to vector<16xf32>
          %broadcast_in_dim3A_673 = arith.constant 0 : i32
          %broadcast_in_dim3A_674 = vector.broadcast %broadcast_in_dim3A_673 : i32 to vector<16xi32>
          %lt3A_675 = arith.constant 0 : i32
          %lt3A_676 = vector.broadcast %lt3A_675 : i32 to vector<16xi32>
          %lt3A_677 = arith.cmpi slt, %broadcast_in_dim3A_674, %lt3A_676 : vector<16xi32>
          %add3A_678 = arith.constant 16 : i32
          %add3A_679 = vector.broadcast %add3A_678 : i32 to vector<16xi32>
          %add3A_680 = arith.addi %broadcast_in_dim3A_674, %add3A_679 : vector<16xi32>
          %select_n3A_681 = arith.select %lt3A_677, %add3A_680, %broadcast_in_dim3A_674 : vector<16xi1>, vector<16xi32>
          %broadcast_in_dim3A_682 = vector.shape_cast %select_n3A_681 : vector<16xi32> to vector<16x1xi32>
          %gather3A_683 = vector.shape_cast %broadcast_in_dim3A_682 : vector<16x1xi32> to vector<16xi32>
          %gather3A_684 = tpu.dynamic_gather %get3A_672[%gather3A_683] in [0] : vector<16xf32>, vector<16xi32> -> vector<16xf32>
          %get3A_685 = arith.index_cast %scan3A_667 : i32 to index
          %get3A_686 = arith.constant 0 : index
          %get3A_687 = tpu.vector_load %arg24[%get3A_685, %get3A_686] {strides = array<i32>} : memref<80x128xf32, #tpu.memory_space<vmem>>, vector<1x16xf32>,
          %get3A_688 = vector.shape_cast %get3A_687 : vector<1x16xf32> to vector<16xf32>
          %max3A_689 = arith.constant 1.000000e-30 : f32
          %max3A_690 = vector.broadcast %max3A_689 : f32 to vector<16xf32>
          %max3A_691 = arith.maximumf %gather3A_684, %max3A_690 : vector<16xf32>
          %div3A = arith.divf %get3A_688, %max3A_691 : vector<16xf32>
          %mul3A_692 = arith.constant 64 : i32
          %mul3A_693 = arith.muli %scan3A_667, %mul3A_692 : i32
          %add3A_694 = arith.constant 0 : i32
          %add3A_695 = arith.addi %mul3A_693, %add3A_694 : i32
          %swap3A_696 = arith.index_cast %add3A_695 : i32 to index
          %swap3A_697 = tpu.vector_load %arg25[%swap3A_696] {strides = array<i32>} : memref<5120xf32, #tpu.memory_space<vmem>>, vector<16xf32>,
          %swap3A_698 = vector.shape_cast %swap3A_697 : vector<16xf32> to vector<16xf32>
          %swap3A_699 = vector.shape_cast %div3A : vector<16xf32> to vector<16xf32>
          tpu.vector_store %arg25[%swap3A_696], %swap3A_699 {strides = array<i32>} : memref<5120xf32, #tpu.memory_space<vmem>>, vector<16xf32>,
          %broadcast_in_dim3A_700 = arith.constant 4 : i32
          %broadcast_in_dim3A_701 = vector.broadcast %broadcast_in_dim3A_700 : i32 to vector<16xi32>
          %lt3A_702 = arith.constant 0 : i32
          %lt3A_703 = vector.broadcast %lt3A_702 : i32 to vector<16xi32>
          %lt3A_704 = arith.cmpi slt, %broadcast_in_dim3A_701, %lt3A_703 : vector<16xi32>
          %add3A_705 = arith.constant 16 : i32
          %add3A_706 = vector.broadcast %add3A_705 : i32 to vector<16xi32>
          %add3A_707 = arith.addi %broadcast_in_dim3A_701, %add3A_706 : vector<16xi32>
          %select_n3A_708 = arith.select %lt3A_704, %add3A_707, %broadcast_in_dim3A_701 : vector<16xi1>, vector<16xi32>
          %broadcast_in_dim3A_709 = vector.shape_cast %select_n3A_708 : vector<16xi32> to vector<16x1xi32>
          %gather3A_710 = vector.shape_cast %broadcast_in_dim3A_709 : vector<16x1xi32> to vector<16xi32>
          %gather3A_711 = tpu.dynamic_gather %get3A_672[%gather3A_710] in [0] : vector<16xf32>, vector<16xi32> -> vector<16xf32>
          %get3A_712 = arith.index_cast %scan3A_667 : i32 to index
          %get3A_713 = arith.constant 16 : index
          %get3A_714 = tpu.vector_load %arg24[%get3A_712, %get3A_713] {strides = array<i32>} : memref<80x128xf32, #tpu.memory_space<vmem>>, vector<1x16xf32>,
          %get3A_715 = vector.shape_cast %get3A_714 : vector<1x16xf32> to vector<16xf32>
          %max3A_716 = arith.constant 1.000000e-30 : f32
          %max3A_717 = vector.broadcast %max3A_716 : f32 to vector<16xf32>
          %max3A_718 = arith.maximumf %gather3A_711, %max3A_717 : vector<16xf32>
          %div3A_719 = arith.divf %get3A_715, %max3A_718 : vector<16xf32>
          %mul3A_720 = arith.constant 64 : i32
          %mul3A_721 = arith.muli %scan3A_667, %mul3A_720 : i32
          %add3A_722 = arith.constant 16 : i32
          %add3A_723 = arith.addi %mul3A_721, %add3A_722 : i32
          %swap3A_724 = arith.index_cast %add3A_723 : i32 to index
          %swap3A_725 = tpu.vector_load %arg25[%swap3A_724] {strides = array<i32>} : memref<5120xf32, #tpu.memory_space<vmem>>, vector<16xf32>,
          %swap3A_726 = vector.shape_cast %swap3A_725 : vector<16xf32> to vector<16xf32>
          %swap3A_727 = vector.shape_cast %div3A_719 : vector<16xf32> to vector<16xf32>
          tpu.vector_store %arg25[%swap3A_724], %swap3A_727 {strides = array<i32>} : memref<5120xf32, #tpu.memory_space<vmem>>, vector<16xf32>,
          %broadcast_in_dim3A_728 = arith.constant 8 : i32
          %broadcast_in_dim3A_729 = vector.broadcast %broadcast_in_dim3A_728 : i32 to vector<16xi32>
          %lt3A_730 = arith.constant 0 : i32
          %lt3A_731 = vector.broadcast %lt3A_730 : i32 to vector<16xi32>
          %lt3A_732 = arith.cmpi slt, %broadcast_in_dim3A_729, %lt3A_731 : vector<16xi32>
          %add3A_733 = arith.constant 16 : i32
          %add3A_734 = vector.broadcast %add3A_733 : i32 to vector<16xi32>
          %add3A_735 = arith.addi %broadcast_in_dim3A_729, %add3A_734 : vector<16xi32>
          %select_n3A_736 = arith.select %lt3A_732, %add3A_735, %broadcast_in_dim3A_729 : vector<16xi1>, vector<16xi32>
          %broadcast_in_dim3A_737 = vector.shape_cast %select_n3A_736 : vector<16xi32> to vector<16x1xi32>
          %gather3A_738 = vector.shape_cast %broadcast_in_dim3A_737 : vector<16x1xi32> to vector<16xi32>
          %gather3A_739 = tpu.dynamic_gather %get3A_672[%gather3A_738] in [0] : vector<16xf32>, vector<16xi32> -> vector<16xf32>
          %get3A_740 = arith.index_cast %scan3A_667 : i32 to index
          %get3A_741 = arith.constant 32 : index
          %get3A_742 = tpu.vector_load %arg24[%get3A_740, %get3A_741] {strides = array<i32>} : memref<80x128xf32, #tpu.memory_space<vmem>>, vector<1x16xf32>,
          %get3A_743 = vector.shape_cast %get3A_742 : vector<1x16xf32> to vector<16xf32>
          %max3A_744 = arith.constant 1.000000e-30 : f32
          %max3A_745 = vector.broadcast %max3A_744 : f32 to vector<16xf32>
          %max3A_746 = arith.maximumf %gather3A_739, %max3A_745 : vector<16xf32>
          %div3A_747 = arith.divf %get3A_743, %max3A_746 : vector<16xf32>
          %mul3A_748 = arith.constant 64 : i32
          %mul3A_749 = arith.muli %scan3A_667, %mul3A_748 : i32
          %add3A_750 = arith.constant 32 : i32
          %add3A_751 = arith.addi %mul3A_749, %add3A_750 : i32
          %swap3A_752 = arith.index_cast %add3A_751 : i32 to index
          %swap3A_753 = tpu.vector_load %arg25[%swap3A_752] {strides = array<i32>} : memref<5120xf32, #tpu.memory_space<vmem>>, vector<16xf32>,
          %swap3A_754 = vector.shape_cast %swap3A_753 : vector<16xf32> to vector<16xf32>
          %swap3A_755 = vector.shape_cast %div3A_747 : vector<16xf32> to vector<16xf32>
          tpu.vector_store %arg25[%swap3A_752], %swap3A_755 {strides = array<i32>} : memref<5120xf32, #tpu.memory_space<vmem>>, vector<16xf32>,
          %broadcast_in_dim3A_756 = arith.constant 12 : i32
          %broadcast_in_dim3A_757 = vector.broadcast %broadcast_in_dim3A_756 : i32 to vector<16xi32>
          %lt3A_758 = arith.constant 0 : i32
          %lt3A_759 = vector.broadcast %lt3A_758 : i32 to vector<16xi32>
          %lt3A_760 = arith.cmpi slt, %broadcast_in_dim3A_757, %lt3A_759 : vector<16xi32>
          %add3A_761 = arith.constant 16 : i32
          %add3A_762 = vector.broadcast %add3A_761 : i32 to vector<16xi32>
          %add3A_763 = arith.addi %broadcast_in_dim3A_757, %add3A_762 : vector<16xi32>
          %select_n3A_764 = arith.select %lt3A_760, %add3A_763, %broadcast_in_dim3A_757 : vector<16xi1>, vector<16xi32>
          %broadcast_in_dim3A_765 = vector.shape_cast %select_n3A_764 : vector<16xi32> to vector<16x1xi32>
          %gather3A_766 = vector.shape_cast %broadcast_in_dim3A_765 : vector<16x1xi32> to vector<16xi32>
          %gather3A_767 = tpu.dynamic_gather %get3A_672[%gather3A_766] in [0] : vector<16xf32>, vector<16xi32> -> vector<16xf32>
          %get3A_768 = arith.index_cast %scan3A_667 : i32 to index
          %get3A_769 = arith.constant 48 : index
          %get3A_770 = tpu.vector_load %arg24[%get3A_768, %get3A_769] {strides = array<i32>} : memref<80x128xf32, #tpu.memory_space<vmem>>, vector<1x16xf32>,
          %get3A_771 = vector.shape_cast %get3A_770 : vector<1x16xf32> to vector<16xf32>
          %max3A_772 = arith.constant 1.000000e-30 : f32
          %max3A_773 = vector.broadcast %max3A_772 : f32 to vector<16xf32>
          %max3A_774 = arith.maximumf %gather3A_767, %max3A_773 : vector<16xf32>
          %div3A_775 = arith.divf %get3A_771, %max3A_774 : vector<16xf32>
          %mul3A_776 = arith.constant 64 : i32
          %mul3A_777 = arith.muli %scan3A_667, %mul3A_776 : i32
          %add3A_778 = arith.constant 48 : i32
          %add3A_779 = arith.addi %mul3A_777, %add3A_778 : i32
          %swap3A_780 = arith.index_cast %add3A_779 : i32 to index
          %swap3A_781 = tpu.vector_load %arg25[%swap3A_780] {strides = array<i32>} : memref<5120xf32, #tpu.memory_space<vmem>>, vector<16xf32>,
          %swap3A_782 = vector.shape_cast %swap3A_781 : vector<16xf32> to vector<16xf32>
          %swap3A_783 = vector.shape_cast %div3A_775 : vector<16xf32> to vector<16xf32>
          tpu.vector_store %arg25[%swap3A_780], %swap3A_783 {strides = array<i32>} : memref<5120xf32, #tpu.memory_space<vmem>>, vector<16xf32>,
          %scan3A_784 = arith.constant 0 : i32
          scf.yield %scan3A_784 : i32
        }
        %scan3A_637 = arith.constant 80 : i32
        %mul3A_638 = arith.constant 10000 : i32
        %mul3A_639 = arith.muli %arg0, %mul3A_638 : i32
        %mul3A_640 = arith.constant 80 : i32
        %mul3A_641 = arith.muli %scan3A_610, %mul3A_640 : i32
        %add3A_642 = arith.addi %mul3A_639, %mul3A_641 : i32
        %mul3A_643 = arith.constant 64 : i32
        %mul3A_644 = arith.muli %add3A_642, %mul3A_643 : i32
        "tpu.region"() ({
          %run_scoped3A = tpu.sem_alloc : memref<!tpu.dma_semaphore, #tpu.memory_space<semaphore_mem>>
          %dma_start3A = tpu.memref_slice %arg7[%mul3A_644] : memref<1280000xf32, #tpu.memory_space<hbm>> -> memref<5120xf32, #tpu.memory_space<hbm>>
          %dma_start3A_667 = tpu.memref_slice %arg7[%mul3A_644] : memref<1280000xf32, #tpu.memory_space<hbm>> -> memref<5120xf32, #tpu.memory_space<hbm>>
          tpu.enqueue_dma source(%arg25 : memref<5120xf32, #tpu.memory_space<vmem>>) target(%dma_start3A_667 : memref<5120xf32, #tpu.memory_space<hbm>>) target_semaphore(%run_scoped3A : memref<!tpu.dma_semaphore, #tpu.memory_space<semaphore_mem>>)
          %dma_wait3A_668 = tpu.memref_slice %arg7[%mul3A_644] : memref<1280000xf32, #tpu.memory_space<hbm>> -> memref<5120xf32, #tpu.memory_space<hbm>>
          %dma_wait3A_669 = tpu.memref_slice %arg7[%mul3A_644] : memref<1280000xf32, #tpu.memory_space<hbm>> -> memref<5120xf32, #tpu.memory_space<hbm>>
          tpu.wait_dma2 semaphore(%run_scoped3A : memref<!tpu.dma_semaphore, #tpu.memory_space<semaphore_mem>>) src(%arg25 : memref<5120xf32, #tpu.memory_space<vmem>>) dst(%dma_wait3A_669 : memref<5120xf32, #tpu.memory_space<hbm>>)
          tpu.yield
        }) : () -> ()
        %scan3A_645 = arith.constant 0 : i32
        %scan3A_646 = arith.constant 0 : i32
        %scan3A_647 = arith.constant 40 : i32
        %scan3A_648 = arith.addi %scan3A_646, %scan3A_647 : i32
        %scan3A_649 = arith.constant 1 : i32
        %scan3A_650 = scf.for %scan3A_667 = %scan3A_646 to %scan3A_648 step %scan3A_649 iter_args(%scan3A_668 = %scan3A_645) -> (i32)  : i32 {
          %add3A_669 = arith.constant 0 : i32
          %add3A_670 = arith.addi %add3A_669, %scan3A_667 : i32
          %get3A_671 = arith.index_cast %add3A_670 : i32 to index
          %get3A_672 = arith.constant 64 : index
          %get3A_673 = tpu.vector_load %arg24[%get3A_671, %get3A_672] {strides = array<i32>} : memref<80x128xf32, #tpu.memory_space<vmem>>, vector<1x16xf32>,
          %get3A_674 = vector.shape_cast %get3A_673 : vector<1x16xf32> to vector<16xf32>
          %swap3A_675 = arith.index_cast %scan3A_667 : i32 to index
          %swap3A_676 = arith.constant 64 : index
          %swap3A_677 = tpu.vector_load %arg18[%swap3A_675, %swap3A_676] {strides = array<i32>} : memref<40x128xf32, #tpu.memory_space<vmem>>, vector<1x16xf32>,
          %swap3A_678 = vector.shape_cast %swap3A_677 : vector<1x16xf32> to vector<16xf32>
          %swap3A_679 = vector.shape_cast %get3A_674 : vector<16xf32> to vector<1x16xf32>
          tpu.vector_store %arg18[%swap3A_675, %swap3A_676], %swap3A_679 {strides = array<i32>} : memref<40x128xf32, #tpu.memory_space<vmem>>, vector<1x16xf32>,
          %add3A_680 = arith.constant 0 : i32
          %add3A_681 = arith.addi %add3A_680, %scan3A_667 : i32
          %get3A_682 = arith.index_cast %add3A_681 : i32 to index
          %get3A_683 = arith.constant 80 : index
          %get3A_684 = tpu.vector_load %arg24[%get3A_682, %get3A_683] {strides = array<i32>} : memref<80x128xf32, #tpu.memory_space<vmem>>, vector<1x16xf32>,
          %get3A_685 = vector.shape_cast %get3A_684 : vector<1x16xf32> to vector<16xf32>
          %swap3A_686 = arith.index_cast %scan3A_667 : i32 to index
          %swap3A_687 = arith.constant 80 : index
          %swap3A_688 = tpu.vector_load %arg18[%swap3A_686, %swap3A_687] {strides = array<i32>} : memref<40x128xf32, #tpu.memory_space<vmem>>, vector<1x16xf32>,
          %swap3A_689 = vector.shape_cast %swap3A_688 : vector<1x16xf32> to vector<16xf32>
          %swap3A_690 = vector.shape_cast %get3A_685 : vector<16xf32> to vector<1x16xf32>
          tpu.vector_store %arg18[%swap3A_686, %swap3A_687], %swap3A_690 {strides = array<i32>} : memref<40x128xf32, #tpu.memory_space<vmem>>, vector<1x16xf32>,
          %scan3A_691 = arith.constant 0 : i32
          scf.yield %scan3A_691 : i32
        }
        %scan3A_651 = arith.constant 40 : i32
        %mul3A_652 = arith.constant 80 : i32
        %mul3A_653 = arith.muli %scan3A_610, %mul3A_652 : i32
        %add3A_654 = arith.constant 0 : i32
        %add3A_655 = arith.addi %mul3A_653, %add3A_654 : i32
        "tpu.region"() ({
          %run_scoped3A = tpu.sem_alloc : memref<!tpu.dma_semaphore, #tpu.memory_space<semaphore_mem>>
          %dma_start3A = arith.constant 0 : i32
          %dma_start3A_667 = tpu.memref_slice %arg9[%add3A_655, %dma_start3A] : memref<10000x128xf32, #tpu.memory_space<hbm>> -> memref<40x128xf32, #tpu.memory_space<hbm>>
          %dma_start3A_668 = arith.constant 0 : i32
          %dma_start3A_669 = tpu.memref_slice %arg9[%add3A_655, %dma_start3A_668] : memref<10000x128xf32, #tpu.memory_space<hbm>> -> memref<40x128xf32, #tpu.memory_space<hbm>>
          tpu.enqueue_dma source(%arg18 : memref<40x128xf32, #tpu.memory_space<vmem>>) target(%dma_start3A_669 : memref<40x128xf32, #tpu.memory_space<hbm>>) target_semaphore(%run_scoped3A : memref<!tpu.dma_semaphore, #tpu.memory_space<semaphore_mem>>)
          %dma_wait3A_670 = arith.constant 0 : i32
          %dma_wait3A_671 = tpu.memref_slice %arg9[%add3A_655, %dma_wait3A_670] : memref<10000x128xf32, #tpu.memory_space<hbm>> -> memref<40x128xf32, #tpu.memory_space<hbm>>
          %dma_wait3A_672 = arith.constant 0 : i32
          %dma_wait3A_673 = tpu.memref_slice %arg9[%add3A_655, %dma_wait3A_672] : memref<10000x128xf32, #tpu.memory_space<hbm>> -> memref<40x128xf32, #tpu.memory_space<hbm>>
          tpu.wait_dma2 semaphore(%run_scoped3A : memref<!tpu.dma_semaphore, #tpu.memory_space<semaphore_mem>>) src(%arg18 : memref<40x128xf32, #tpu.memory_space<vmem>>) dst(%dma_wait3A_673 : memref<40x128xf32, #tpu.memory_space<hbm>>)
          tpu.yield
        }) : () -> ()
        %scan3A_656 = arith.constant 0 : i32
        %scan3A_657 = arith.constant 0 : i32
        %scan3A_658 = arith.constant 40 : i32
        %scan3A_659 = arith.addi %scan3A_657, %scan3A_658 : i32
        %scan3A_660 = arith.constant 1 : i32
        %scan3A_661 = scf.for %scan3A_667 = %scan3A_657 to %scan3A_659 step %scan3A_660 iter_args(%scan3A_668 = %scan3A_656) -> (i32)  : i32 {
          %add3A_669 = arith.constant 40 : i32
          %add3A_670 = arith.addi %add3A_669, %scan3A_667 : i32
          %get3A_671 = arith.index_cast %add3A_670 : i32 to index
          %get3A_672 = arith.constant 64 : index
          %get3A_673 = tpu.vector_load %arg24[%get3A_671, %get3A_672] {strides = array<i32>} : memref<80x128xf32, #tpu.memory_space<vmem>>, vector<1x16xf32>,
          %get3A_674 = vector.shape_cast %get3A_673 : vector<1x16xf32> to vector<16xf32>
          %swap3A_675 = arith.index_cast %scan3A_667 : i32 to index
          %swap3A_676 = arith.constant 64 : index
          %swap3A_677 = tpu.vector_load %arg18[%swap3A_675, %swap3A_676] {strides = array<i32>} : memref<40x128xf32, #tpu.memory_space<vmem>>, vector<1x16xf32>,
          %swap3A_678 = vector.shape_cast %swap3A_677 : vector<1x16xf32> to vector<16xf32>
          %swap3A_679 = vector.shape_cast %get3A_674 : vector<16xf32> to vector<1x16xf32>
          tpu.vector_store %arg18[%swap3A_675, %swap3A_676], %swap3A_679 {strides = array<i32>} : memref<40x128xf32, #tpu.memory_space<vmem>>, vector<1x16xf32>,
          %add3A_680 = arith.constant 40 : i32
          %add3A_681 = arith.addi %add3A_680, %scan3A_667 : i32
          %get3A_682 = arith.index_cast %add3A_681 : i32 to index
          %get3A_683 = arith.constant 80 : index
          %get3A_684 = tpu.vector_load %arg24[%get3A_682, %get3A_683] {strides = array<i32>} : memref<80x128xf32, #tpu.memory_space<vmem>>, vector<1x16xf32>,
          %get3A_685 = vector.shape_cast %get3A_684 : vector<1x16xf32> to vector<16xf32>
          %swap3A_686 = arith.index_cast %scan3A_667 : i32 to index
          %swap3A_687 = arith.constant 80 : index
          %swap3A_688 = tpu.vector_load %arg18[%swap3A_686, %swap3A_687] {strides = array<i32>} : memref<40x128xf32, #tpu.memory_space<vmem>>, vector<1x16xf32>,
          %swap3A_689 = vector.shape_cast %swap3A_688 : vector<1x16xf32> to vector<16xf32>
          %swap3A_690 = vector.shape_cast %get3A_685 : vector<16xf32> to vector<1x16xf32>
          tpu.vector_store %arg18[%swap3A_686, %swap3A_687], %swap3A_690 {strides = array<i32>} : memref<40x128xf32, #tpu.memory_space<vmem>>, vector<1x16xf32>,
          %scan3A_691 = arith.constant 0 : i32
          scf.yield %scan3A_691 : i32
        }
        %scan3A_662 = arith.constant 40 : i32
        %mul3A_663 = arith.constant 80 : i32
        %mul3A_664 = arith.muli %scan3A_610, %mul3A_663 : i32
        %add3A_665 = arith.constant 40 : i32
        %add3A_666 = arith.addi %mul3A_664, %add3A_665 : i32
        "tpu.region"() ({
          %run_scoped3A = tpu.sem_alloc : memref<!tpu.dma_semaphore, #tpu.memory_space<semaphore_mem>>
          %dma_start3A = arith.constant 0 : i32
          %dma_start3A_667 = tpu.memref_slice %arg9[%add3A_666, %dma_start3A] : memref<10000x128xf32, #tpu.memory_space<hbm>> -> memref<40x128xf32, #tpu.memory_space<hbm>>
          %dma_start3A_668 = arith.constant 0 : i32
          %dma_start3A_669 = tpu.memref_slice %arg9[%add3A_666, %dma_start3A_668] : memref<10000x128xf32, #tpu.memory_space<hbm>> -> memref<40x128xf32, #tpu.memory_space<hbm>>
          tpu.enqueue_dma source(%arg18 : memref<40x128xf32, #tpu.memory_space<vmem>>) target(%dma_start3A_669 : memref<40x128xf32, #tpu.memory_space<hbm>>) target_semaphore(%run_scoped3A : memref<!tpu.dma_semaphore, #tpu.memory_space<semaphore_mem>>)
          %dma_wait3A_670 = arith.constant 0 : i32
          %dma_wait3A_671 = tpu.memref_slice %arg9[%add3A_666, %dma_wait3A_670] : memref<10000x128xf32, #tpu.memory_space<hbm>> -> memref<40x128xf32, #tpu.memory_space<hbm>>
          %dma_wait3A_672 = arith.constant 0 : i32
          %dma_wait3A_673 = tpu.memref_slice %arg9[%add3A_666, %dma_wait3A_672] : memref<10000x128xf32, #tpu.memory_space<hbm>> -> memref<40x128xf32, #tpu.memory_space<hbm>>
          tpu.wait_dma2 semaphore(%run_scoped3A : memref<!tpu.dma_semaphore, #tpu.memory_space<semaphore_mem>>) src(%arg18 : memref<40x128xf32, #tpu.memory_space<vmem>>) dst(%dma_wait3A_673 : memref<40x128xf32, #tpu.memory_space<hbm>>)
          tpu.yield
        }) : () -> ()
      } else {
      }
      %scan3A_628 = arith.constant 0 : i32
      scf.yield %scan3A_628 : i32
    }
    %scan3A_601 = arith.constant 125 : i32
    %barrier3A_602 = arith.constant 0 : index
    tpu.barrier barrier_id(%barrier3A_602)
    %scan3A_603 = arith.constant 0 : i32
    %scan3A_604 = arith.constant 0 : i32
    %scan3A_605 = arith.constant 250 : i32
    %scan3A_606 = arith.addi %scan3A_604, %scan3A_605 : i32
    %scan3A_607 = arith.constant 1 : i32
    %scan3A_608 = scf.for %scan3A_610 = %scan3A_604 to %scan3A_606 step %scan3A_607 iter_args(%scan3A_611 = %scan3A_603) -> (i32)  : i32 {
      %mul3A_612 = arith.constant 160000 : i32
      %mul3A_613 = arith.muli %arg0, %mul3A_612 : i32
      %mul3A_614 = arith.constant 10000 : i32
      %mul3A_615 = arith.muli %arg1, %mul3A_614 : i32
      %add3A_616 = arith.addi %mul3A_613, %mul3A_615 : i32
      %mul3A_617 = arith.constant 40 : i32
      %mul3A_618 = arith.muli %scan3A_610, %mul3A_617 : i32
      %add3A_619 = arith.addi %add3A_616, %mul3A_618 : i32
      "tpu.region"() ({
        %run_scoped3A = tpu.sem_alloc : memref<!tpu.dma_semaphore, #tpu.memory_space<semaphore_mem>>
        %dma_start3A_641 = tpu.memref_slice %arg4[%add3A_619] : memref<320000xi32, #tpu.memory_space<hbm>> -> memref<40xi32, #tpu.memory_space<hbm>>
        %dma_start3A_642 = tpu.memref_slice %arg4[%add3A_619] : memref<320000xi32, #tpu.memory_space<hbm>> -> memref<40xi32, #tpu.memory_space<hbm>>
        tpu.enqueue_dma source(%dma_start3A_642 : memref<40xi32, #tpu.memory_space<hbm>>) target(%arg16 : memref<40xi32, #tpu.memory_space<vmem>>) target_semaphore(%run_scoped3A : memref<!tpu.dma_semaphore, #tpu.memory_space<semaphore_mem>>)
        %dma_wait3A_643 = tpu.memref_slice %arg4[%add3A_619] : memref<320000xi32, #tpu.memory_space<hbm>> -> memref<40xi32, #tpu.memory_space<hbm>>
        %dma_wait3A_644 = tpu.memref_slice %arg4[%add3A_619] : memref<320000xi32, #tpu.memory_space<hbm>> -> memref<40xi32, #tpu.memory_space<hbm>>
        tpu.wait_dma2 semaphore(%run_scoped3A : memref<!tpu.dma_semaphore, #tpu.memory_space<semaphore_mem>>) src(%dma_wait3A_644 : memref<40xi32, #tpu.memory_space<hbm>>) dst(%arg16 : memref<40xi32, #tpu.memory_space<vmem>>)
        tpu.yield
      }) : () -> ()
      "tpu.region"() ({
        %run_scoped3A = tpu.sem_alloc : memref<!tpu.dma_semaphore, #tpu.memory_space<semaphore_mem>>
        %dma_start3A_641 = tpu.memref_slice %arg5[%add3A_619] : memref<320000xi32, #tpu.memory_space<hbm>> -> memref<40xi32, #tpu.memory_space<hbm>>
        %dma_start3A_642 = tpu.memref_slice %arg5[%add3A_619] : memref<320000xi32, #tpu.memory_space<hbm>> -> memref<40xi32, #tpu.memory_space<hbm>>
        tpu.enqueue_dma source(%dma_start3A_642 : memref<40xi32, #tpu.memory_space<hbm>>) target(%arg17 : memref<40xi32, #tpu.memory_space<vmem>>) target_semaphore(%run_scoped3A : memref<!tpu.dma_semaphore, #tpu.memory_space<semaphore_mem>>)
        %dma_wait3A_643 = tpu.memref_slice %arg5[%add3A_619] : memref<320000xi32, #tpu.memory_space<hbm>> -> memref<40xi32, #tpu.memory_space<hbm>>
        %dma_wait3A_644 = tpu.memref_slice %arg5[%add3A_619] : memref<320000xi32, #tpu.memory_space<hbm>> -> memref<40xi32, #tpu.memory_space<hbm>>
        tpu.wait_dma2 semaphore(%run_scoped3A : memref<!tpu.dma_semaphore, #tpu.memory_space<semaphore_mem>>) src(%dma_wait3A_644 : memref<40xi32, #tpu.memory_space<hbm>>) dst(%arg17 : memref<40xi32, #tpu.memory_space<vmem>>)
        tpu.yield
      }) : () -> ()
      %dma_start3A = arith.constant 0 : i32
      %dma_start3A_620 = arith.constant 0 : i32
      %dma_start3A_621 = tpu.memref_slice %arg11[%dma_start3A, %dma_start3A_620] : memref<16x128xf32, #tpu.memory_space<vmem_shared>> -> memref<16x128xf32, #tpu.memory_space<vmem_shared>>
      tpu.enqueue_indirect_dma source(%dma_start3A_621 : memref<16x128xf32, #tpu.memory_space<vmem_shared>>) target(%arg19 : memref<40x128xf32, #tpu.memory_space<vmem>>) offsets(%arg17 : memref<40xi32, #tpu.memory_space<vmem>>) semaphore(%arg27 : memref<!tpu.dma_semaphore, #tpu.memory_space<semaphore_mem>>)
      %dma_start3A_622 = arith.constant 0 : i32
      %dma_start3A_623 = arith.constant 0 : i32
      %dma_start3A_624 = tpu.memref_slice %arg9[%dma_start3A_622, %dma_start3A_623] : memref<10000x128xf32, #tpu.memory_space<hbm>> -> memref<10000x128xf32, #tpu.memory_space<hbm>>
      tpu.enqueue_indirect_dma source(%dma_start3A_624 : memref<10000x128xf32, #tpu.memory_space<hbm>>) target(%arg20 : memref<40x128xf32, #tpu.memory_space<vmem>>) offsets(%arg16 : memref<40xi32, #tpu.memory_space<vmem>>) semaphore(%arg26 : memref<!tpu.dma_semaphore, #tpu.memory_space<semaphore_mem>>)
      %dma_wait3A_625 = arith.constant 0 : i32
      %dma_wait3A_626 = arith.constant 0 : i32
      %dma_wait3A_627 = tpu.memref_slice %arg9[%dma_wait3A_625, %dma_wait3A_626] : memref<10000x128xf32, #tpu.memory_space<hbm>> -> memref<10000x128xf32, #tpu.memory_space<hbm>>
      tpu.wait_indirect_dma semaphore(%arg26 : memref<!tpu.dma_semaphore, #tpu.memory_space<semaphore_mem>>) src(%dma_wait3A_627 : memref<10000x128xf32, #tpu.memory_space<hbm>>) dst(%arg20 : memref<40x128xf32, #tpu.memory_space<vmem>>)
      %dma_wait3A_628 = arith.constant 0 : i32
      %dma_wait3A_629 = arith.constant 0 : i32
      %dma_wait3A_630 = tpu.memref_slice %arg11[%dma_wait3A_628, %dma_wait3A_629] : memref<16x128xf32, #tpu.memory_space<vmem_shared>> -> memref<16x128xf32, #tpu.memory_space<vmem_shared>>
      tpu.wait_indirect_dma semaphore(%arg27 : memref<!tpu.dma_semaphore, #tpu.memory_space<semaphore_mem>>) src(%dma_wait3A_630 : memref<16x128xf32, #tpu.memory_space<vmem_shared>>) dst(%arg19 : memref<40x128xf32, #tpu.memory_space<vmem>>)
      %scan3A_631 = arith.constant 0 : i32
      %scan3A_632 = arith.constant 0 : i32
      %scan3A_633 = arith.constant 10 : i32
      %scan3A_634 = arith.addi %scan3A_632, %scan3A_633 : i32
      %scan3A_635 = arith.constant 1 : i32
      %scan3A_636 = scf.for %scan3A_641 = %scan3A_632 to %scan3A_634 step %scan3A_635 iter_args(%scan3A_642 = %scan3A_631) -> (i32)  : i32 {
        %mul3A_643 = arith.constant 4 : i32
        %mul3A_644 = arith.muli %scan3A_641, %mul3A_643 : i32
        %add3A_645 = arith.constant 0 : i32
        %add3A_646 = arith.addi %mul3A_644, %add3A_645 : i32
        %get3A_647 = arith.index_cast %add3A_646 : i32 to index
        %get3A_648 = arith.constant 64 : index
        %get3A_649 = tpu.vector_load %arg19[%get3A_647, %get3A_648] {strides = array<i32>} : memref<40x128xf32, #tpu.memory_space<vmem>>, vector<1x16xf32>,
        %get3A_650 = vector.shape_cast %get3A_649 : vector<1x16xf32> to vector<16xf32>
        %get3A_651 = arith.index_cast %add3A_646 : i32 to index
        %get3A_652 = arith.constant 64 : index
        %get3A_653 = tpu.vector_load %arg20[%get3A_651, %get3A_652] {strides = array<i32>} : memref<40x128xf32, #tpu.memory_space<vmem>>, vector<1x16xf32>,
        %get3A_654 = vector.shape_cast %get3A_653 : vector<1x16xf32> to vector<16xf32>
        %div3A = arith.divf %get3A_650, %get3A_654 : vector<16xf32>
        %mul3A_655 = arith.constant 32 : i32
        %mul3A_656 = arith.muli %add3A_646, %mul3A_655 : i32
        %swap3A_657 = arith.index_cast %mul3A_656 : i32 to index
        %swap3A_658 = tpu.vector_load %arg23[%swap3A_657] {strides = array<i32>} : memref<1280xf32, #tpu.memory_space<vmem>>, vector<16xf32>,
        %swap3A_659 = vector.shape_cast %swap3A_658 : vector<16xf32> to vector<16xf32>
        %swap3A_660 = vector.shape_cast %div3A : vector<16xf32> to vector<16xf32>
        tpu.vector_store %arg23[%swap3A_657], %swap3A_660 {strides = array<i32>} : memref<1280xf32, #tpu.memory_space<vmem>>, vector<16xf32>,
        %get3A_661 = arith.index_cast %add3A_646 : i32 to index
        %get3A_662 = arith.constant 80 : index
        %get3A_663 = tpu.vector_load %arg19[%get3A_661, %get3A_662] {strides = array<i32>} : memref<40x128xf32, #tpu.memory_space<vmem>>, vector<1x16xf32>,
        %get3A_664 = vector.shape_cast %get3A_663 : vector<1x16xf32> to vector<16xf32>
        %get3A_665 = arith.index_cast %add3A_646 : i32 to index
        %get3A_666 = arith.constant 80 : index
        %get3A_667 = tpu.vector_load %arg20[%get3A_665, %get3A_666] {strides = array<i32>} : memref<40x128xf32, #tpu.memory_space<vmem>>, vector<1x16xf32>,
        %get3A_668 = vector.shape_cast %get3A_667 : vector<1x16xf32> to vector<16xf32>
        %div3A_669 = arith.divf %get3A_664, %get3A_668 : vector<16xf32>
        %mul3A_670 = arith.constant 32 : i32
        %mul3A_671 = arith.muli %add3A_646, %mul3A_670 : i32
        %add3A_672 = arith.constant 16 : i32
        %add3A_673 = arith.addi %mul3A_671, %add3A_672 : i32
        %swap3A_674 = arith.index_cast %add3A_673 : i32 to index
        %swap3A_675 = tpu.vector_load %arg23[%swap3A_674] {strides = array<i32>} : memref<1280xf32, #tpu.memory_space<vmem>>, vector<16xf32>,
        %swap3A_676 = vector.shape_cast %swap3A_675 : vector<16xf32> to vector<16xf32>
        %swap3A_677 = vector.shape_cast %div3A_669 : vector<16xf32> to vector<16xf32>
        tpu.vector_store %arg23[%swap3A_674], %swap3A_677 {strides = array<i32>} : memref<1280xf32, #tpu.memory_space<vmem>>, vector<16xf32>,
        %mul3A_678 = arith.constant 4 : i32
        %mul3A_679 = arith.muli %scan3A_641, %mul3A_678 : i32
        %add3A_680 = arith.constant 1 : i32
        %add3A_681 = arith.addi %mul3A_679, %add3A_680 : i32
        %get3A_682 = arith.index_cast %add3A_681 : i32 to index
        %get3A_683 = arith.constant 64 : index
        %get3A_684 = tpu.vector_load %arg19[%get3A_682, %get3A_683] {strides = array<i32>} : memref<40x128xf32, #tpu.memory_space<vmem>>, vector<1x16xf32>,
        %get3A_685 = vector.shape_cast %get3A_684 : vector<1x16xf32> to vector<16xf32>
        %get3A_686 = arith.index_cast %add3A_681 : i32 to index
        %get3A_687 = arith.constant 64 : index
        %get3A_688 = tpu.vector_load %arg20[%get3A_686, %get3A_687] {strides = array<i32>} : memref<40x128xf32, #tpu.memory_space<vmem>>, vector<1x16xf32>,
        %get3A_689 = vector.shape_cast %get3A_688 : vector<1x16xf32> to vector<16xf32>
        %div3A_690 = arith.divf %get3A_685, %get3A_689 : vector<16xf32>
        %mul3A_691 = arith.constant 32 : i32
        %mul3A_692 = arith.muli %add3A_681, %mul3A_691 : i32
        %swap3A_693 = arith.index_cast %mul3A_692 : i32 to index
        %swap3A_694 = tpu.vector_load %arg23[%swap3A_693] {strides = array<i32>} : memref<1280xf32, #tpu.memory_space<vmem>>, vector<16xf32>,
        %swap3A_695 = vector.shape_cast %swap3A_694 : vector<16xf32> to vector<16xf32>
        %swap3A_696 = vector.shape_cast %div3A_690 : vector<16xf32> to vector<16xf32>
        tpu.vector_store %arg23[%swap3A_693], %swap3A_696 {strides = array<i32>} : memref<1280xf32, #tpu.memory_space<vmem>>, vector<16xf32>,
        %get3A_697 = arith.index_cast %add3A_681 : i32 to index
        %get3A_698 = arith.constant 80 : index
        %get3A_699 = tpu.vector_load %arg19[%get3A_697, %get3A_698] {strides = array<i32>} : memref<40x128xf32, #tpu.memory_space<vmem>>, vector<1x16xf32>,
        %get3A_700 = vector.shape_cast %get3A_699 : vector<1x16xf32> to vector<16xf32>
        %get3A_701 = arith.index_cast %add3A_681 : i32 to index
        %get3A_702 = arith.constant 80 : index
        %get3A_703 = tpu.vector_load %arg20[%get3A_701, %get3A_702] {strides = array<i32>} : memref<40x128xf32, #tpu.memory_space<vmem>>, vector<1x16xf32>,
        %get3A_704 = vector.shape_cast %get3A_703 : vector<1x16xf32> to vector<16xf32>
        %div3A_705 = arith.divf %get3A_700, %get3A_704 : vector<16xf32>
        %mul3A_706 = arith.constant 32 : i32
        %mul3A_707 = arith.muli %add3A_681, %mul3A_706 : i32
        %add3A_708 = arith.constant 16 : i32
        %add3A_709 = arith.addi %mul3A_707, %add3A_708 : i32
        %swap3A_710 = arith.index_cast %add3A_709 : i32 to index
        %swap3A_711 = tpu.vector_load %arg23[%swap3A_710] {strides = array<i32>} : memref<1280xf32, #tpu.memory_space<vmem>>, vector<16xf32>,
        %swap3A_712 = vector.shape_cast %swap3A_711 : vector<16xf32> to vector<16xf32>
        %swap3A_713 = vector.shape_cast %div3A_705 : vector<16xf32> to vector<16xf32>
        tpu.vector_store %arg23[%swap3A_710], %swap3A_713 {strides = array<i32>} : memref<1280xf32, #tpu.memory_space<vmem>>, vector<16xf32>,
        %mul3A_714 = arith.constant 4 : i32
        %mul3A_715 = arith.muli %scan3A_641, %mul3A_714 : i32
        %add3A_716 = arith.constant 2 : i32
        %add3A_717 = arith.addi %mul3A_715, %add3A_716 : i32
        %get3A_718 = arith.index_cast %add3A_717 : i32 to index
        %get3A_719 = arith.constant 64 : index
        %get3A_720 = tpu.vector_load %arg19[%get3A_718, %get3A_719] {strides = array<i32>} : memref<40x128xf32, #tpu.memory_space<vmem>>, vector<1x16xf32>,
        %get3A_721 = vector.shape_cast %get3A_720 : vector<1x16xf32> to vector<16xf32>
        %get3A_722 = arith.index_cast %add3A_717 : i32 to index
        %get3A_723 = arith.constant 64 : index
        %get3A_724 = tpu.vector_load %arg20[%get3A_722, %get3A_723] {strides = array<i32>} : memref<40x128xf32, #tpu.memory_space<vmem>>, vector<1x16xf32>,
        %get3A_725 = vector.shape_cast %get3A_724 : vector<1x16xf32> to vector<16xf32>
        %div3A_726 = arith.divf %get3A_721, %get3A_725 : vector<16xf32>
        %mul3A_727 = arith.constant 32 : i32
        %mul3A_728 = arith.muli %add3A_717, %mul3A_727 : i32
        %swap3A_729 = arith.index_cast %mul3A_728 : i32 to index
        %swap3A_730 = tpu.vector_load %arg23[%swap3A_729] {strides = array<i32>} : memref<1280xf32, #tpu.memory_space<vmem>>, vector<16xf32>,
        %swap3A_731 = vector.shape_cast %swap3A_730 : vector<16xf32> to vector<16xf32>
        %swap3A_732 = vector.shape_cast %div3A_726 : vector<16xf32> to vector<16xf32>
        tpu.vector_store %arg23[%swap3A_729], %swap3A_732 {strides = array<i32>} : memref<1280xf32, #tpu.memory_space<vmem>>, vector<16xf32>,
        %get3A_733 = arith.index_cast %add3A_717 : i32 to index
        %get3A_734 = arith.constant 80 : index
        %get3A_735 = tpu.vector_load %arg19[%get3A_733, %get3A_734] {strides = array<i32>} : memref<40x128xf32, #tpu.memory_space<vmem>>, vector<1x16xf32>,
        %get3A_736 = vector.shape_cast %get3A_735 : vector<1x16xf32> to vector<16xf32>
        %get3A_737 = arith.index_cast %add3A_717 : i32 to index
        %get3A_738 = arith.constant 80 : index
        %get3A_739 = tpu.vector_load %arg20[%get3A_737, %get3A_738] {strides = array<i32>} : memref<40x128xf32, #tpu.memory_space<vmem>>, vector<1x16xf32>,
        %get3A_740 = vector.shape_cast %get3A_739 : vector<1x16xf32> to vector<16xf32>
        %div3A_741 = arith.divf %get3A_736, %get3A_740 : vector<16xf32>
        %mul3A_742 = arith.constant 32 : i32
        %mul3A_743 = arith.muli %add3A_717, %mul3A_742 : i32
        %add3A_744 = arith.constant 16 : i32
        %add3A_745 = arith.addi %mul3A_743, %add3A_744 : i32
        %swap3A_746 = arith.index_cast %add3A_745 : i32 to index
        %swap3A_747 = tpu.vector_load %arg23[%swap3A_746] {strides = array<i32>} : memref<1280xf32, #tpu.memory_space<vmem>>, vector<16xf32>,
        %swap3A_748 = vector.shape_cast %swap3A_747 : vector<16xf32> to vector<16xf32>
        %swap3A_749 = vector.shape_cast %div3A_741 : vector<16xf32> to vector<16xf32>
        tpu.vector_store %arg23[%swap3A_746], %swap3A_749 {strides = array<i32>} : memref<1280xf32, #tpu.memory_space<vmem>>, vector<16xf32>,
        %mul3A_750 = arith.constant 4 : i32
        %mul3A_751 = arith.muli %scan3A_641, %mul3A_750 : i32
        %add3A_752 = arith.constant 3 : i32
        %add3A_753 = arith.addi %mul3A_751, %add3A_752 : i32
        %get3A_754 = arith.index_cast %add3A_753 : i32 to index
        %get3A_755 = arith.constant 64 : index
        %get3A_756 = tpu.vector_load %arg19[%get3A_754, %get3A_755] {strides = array<i32>} : memref<40x128xf32, #tpu.memory_space<vmem>>, vector<1x16xf32>,
        %get3A_757 = vector.shape_cast %get3A_756 : vector<1x16xf32> to vector<16xf32>
        %get3A_758 = arith.index_cast %add3A_753 : i32 to index
        %get3A_759 = arith.constant 64 : index
        %get3A_760 = tpu.vector_load %arg20[%get3A_758, %get3A_759] {strides = array<i32>} : memref<40x128xf32, #tpu.memory_space<vmem>>, vector<1x16xf32>,
        %get3A_761 = vector.shape_cast %get3A_760 : vector<1x16xf32> to vector<16xf32>
        %div3A_762 = arith.divf %get3A_757, %get3A_761 : vector<16xf32>
        %mul3A_763 = arith.constant 32 : i32
        %mul3A_764 = arith.muli %add3A_753, %mul3A_763 : i32
        %swap3A_765 = arith.index_cast %mul3A_764 : i32 to index
        %swap3A_766 = tpu.vector_load %arg23[%swap3A_765] {strides = array<i32>} : memref<1280xf32, #tpu.memory_space<vmem>>, vector<16xf32>,
        %swap3A_767 = vector.shape_cast %swap3A_766 : vector<16xf32> to vector<16xf32>
        %swap3A_768 = vector.shape_cast %div3A_762 : vector<16xf32> to vector<16xf32>
        tpu.vector_store %arg23[%swap3A_765], %swap3A_768 {strides = array<i32>} : memref<1280xf32, #tpu.memory_space<vmem>>, vector<16xf32>,
        %get3A_769 = arith.index_cast %add3A_753 : i32 to index
        %get3A_770 = arith.constant 80 : index
        %get3A_771 = tpu.vector_load %arg19[%get3A_769, %get3A_770] {strides = array<i32>} : memref<40x128xf32, #tpu.memory_space<vmem>>, vector<1x16xf32>,
        %get3A_772 = vector.shape_cast %get3A_771 : vector<1x16xf32> to vector<16xf32>
        %get3A_773 = arith.index_cast %add3A_753 : i32 to index
        %get3A_774 = arith.constant 80 : index
        %get3A_775 = tpu.vector_load %arg20[%get3A_773, %get3A_774] {strides = array<i32>} : memref<40x128xf32, #tpu.memory_space<vmem>>, vector<1x16xf32>,
        %get3A_776 = vector.shape_cast %get3A_775 : vector<1x16xf32> to vector<16xf32>
        %div3A_777 = arith.divf %get3A_772, %get3A_776 : vector<16xf32>
        %mul3A_778 = arith.constant 32 : i32
        %mul3A_779 = arith.muli %add3A_753, %mul3A_778 : i32
        %add3A_780 = arith.constant 16 : i32
        %add3A_781 = arith.addi %mul3A_779, %add3A_780 : i32
        %swap3A_782 = arith.index_cast %add3A_781 : i32 to index
        %swap3A_783 = tpu.vector_load %arg23[%swap3A_782] {strides = array<i32>} : memref<1280xf32, #tpu.memory_space<vmem>>, vector<16xf32>,
        %swap3A_784 = vector.shape_cast %swap3A_783 : vector<16xf32> to vector<16xf32>
        %swap3A_785 = vector.shape_cast %div3A_777 : vector<16xf32> to vector<16xf32>
        tpu.vector_store %arg23[%swap3A_782], %swap3A_785 {strides = array<i32>} : memref<1280xf32, #tpu.memory_space<vmem>>, vector<16xf32>,
        %scan3A_786 = arith.constant 0 : i32
        scf.yield %scan3A_786 : i32
      }
      %scan3A_637 = arith.constant 10 : i32
      %mul3A_638 = arith.constant 32 : i32
      %mul3A_639 = arith.muli %add3A_619, %mul3A_638 : i32
      "tpu.region"() ({
        %run_scoped3A = tpu.sem_alloc : memref<!tpu.dma_semaphore, #tpu.memory_space<semaphore_mem>>
        %dma_start3A_641 = tpu.memref_slice %arg8[%mul3A_639] : memref<10240000xf32, #tpu.memory_space<hbm>> -> memref<1280xf32, #tpu.memory_space<hbm>>
        %dma_start3A_642 = tpu.memref_slice %arg8[%mul3A_639] : memref<10240000xf32, #tpu.memory_space<hbm>> -> memref<1280xf32, #tpu.memory_space<hbm>>
        tpu.enqueue_dma source(%arg23 : memref<1280xf32, #tpu.memory_space<vmem>>) target(%dma_start3A_642 : memref<1280xf32, #tpu.memory_space<hbm>>) target_semaphore(%run_scoped3A : memref<!tpu.dma_semaphore, #tpu.memory_space<semaphore_mem>>)
        %dma_wait3A_643 = tpu.memref_slice %arg8[%mul3A_639] : memref<10240000xf32, #tpu.memory_space<hbm>> -> memref<1280xf32, #tpu.memory_space<hbm>>
        %dma_wait3A_644 = tpu.memref_slice %arg8[%mul3A_639] : memref<10240000xf32, #tpu.memory_space<hbm>> -> memref<1280xf32, #tpu.memory_space<hbm>>
        tpu.wait_dma2 semaphore(%run_scoped3A : memref<!tpu.dma_semaphore, #tpu.memory_space<semaphore_mem>>) src(%arg23 : memref<1280xf32, #tpu.memory_space<vmem>>) dst(%dma_wait3A_644 : memref<1280xf32, #tpu.memory_space<hbm>>)
        tpu.yield
      }) : () -> ()
      %scan3A_640 = arith.constant 0 : i32
      scf.yield %scan3A_640 : i32
    }
    %scan3A_609 = arith.constant 250 : i32
    return
  }
}

module attributes {stable_mosaic.version = 14 : i64} {
  func.func @_mm_body(%arg0: i32, %arg1: memref<80x128xf32, #tpu.memory_space<vmem>>, %arg2: memref<128x128xf32, #tpu.memory_space<vmem>>, %arg3: memref<80x128xf32, #tpu.memory_space<vmem>>) attributes {dimension_semantics = [#tpu.dimension_semantics<arbitrary>], iteration_bounds = array<i64: 125>, scalar_prefetch = 0 : i64, scratch_operands = 0 : i64, tpu.core_type = #tpu.core_type<tc>, window_params = [{transform_indices = @transform_0, window_bounds = array<i64: 80, 128>}, {pipeline_mode = #tpu.pipeline_mode<synchronous>, transform_indices = @transform_1, window_bounds = array<i64: 128, 128>}, {transform_indices = @transform_2, window_bounds = array<i64: 80, 128>}]} {
    %get3A = arith.constant 0 : index
    %get3A_0 = arith.constant 0 : index
    %get3A_1 = vector.load %arg1[%get3A, %get3A_0] : memref<80x128xf32, #tpu.memory_space<vmem>>, vector<80x128xf32>
    %get3A_2 = arith.constant 0 : index
    %get3A_3 = arith.constant 0 : index
    %get3A_4 = vector.load %arg2[%get3A_2, %get3A_3] : memref<128x128xf32, #tpu.memory_space<vmem>>, vector<128x128xf32>
    %dot_general3A = arith.constant dense<0.000000e+00> : vector<80x128xf32>
    %dot_general3A_5 = tpu.matmul %get3A_1, %get3A_4, %dot_general3A {dimension_numbers = #tpu.dot_dimension_numbers<[1], [0], [0], [1], [0, 0, 1, 1], [], []>, transpose_lhs_hint = false} : vector<80x128xf32>, vector<128x128xf32>, vector<80x128xf32> -> vector<80x128xf32>
    %swap3A = arith.constant 0 : index
    %swap3A_6 = arith.constant 0 : index
    %swap3A_7 = vector.load %arg3[%swap3A, %swap3A_6] : memref<80x128xf32, #tpu.memory_space<vmem>>, vector<80x128xf32>
    tpu.vector_store %arg3[%swap3A, %swap3A_6], %dot_general3A_5 {strides = array<i32>} : memref<80x128xf32, #tpu.memory_space<vmem>>, vector<80x128xf32>,
    return
  }
  func.func @transform_0(%arg0: i32) -> (i32, i32) {
    %c0_i32 = arith.constant 0 : i32
    %c0_i32_0 = arith.constant 0 : i32
    return %arg0, %c0_i32 : i32, i32
  }
  func.func @transform_1(%arg0: i32) -> (i32, i32) {
    %c0_i32 = arith.constant 0 : i32
    %c0_i32_0 = arith.constant 0 : i32
    %c0_i32_1 = arith.constant 0 : i32
    return %c0_i32, %c0_i32_0 : i32, i32
  }
  func.func @transform_2(%arg0: i32) -> (i32, i32) {
    %c0_i32 = arith.constant 0 : i32
    %c0_i32_0 = arith.constant 0 : i32
    return %arg0, %c0_i32 : i32, i32
  }
}

module attributes {stable_mosaic.version = 14 : i64} {
  func.func @_tr_body(%arg0: i32, %arg1: memref<2560x32xf32, #tpu.memory_space<vmem>>, %arg2: memref<32x2560xf32, #tpu.memory_space<vmem>>) attributes {dimension_semantics = [#tpu.dimension_semantics<arbitrary>], iteration_bounds = array<i64: 125>, scalar_prefetch = 0 : i64, scratch_operands = 0 : i64, tpu.core_type = #tpu.core_type<tc>, window_params = [{transform_indices = @transform_0, window_bounds = array<i64: 2560, 32>}, {transform_indices = @transform_1, window_bounds = array<i64: 32, 2560>}]} {
    %get3A = arith.constant 0 : index
    %get3A_0 = arith.constant 0 : index
    %get3A_1 = vector.load %arg1[%get3A, %get3A_0] : memref<2560x32xf32, #tpu.memory_space<vmem>>, vector<2560x32xf32>
    %transpose3A = tpu.transpose %get3A_1, [1, 0] : vector<2560x32xf32> -> vector<32x2560xf32>
    %swap3A = arith.constant 0 : index
    %swap3A_2 = arith.constant 0 : index
    %swap3A_3 = vector.load %arg2[%swap3A, %swap3A_2] : memref<32x2560xf32, #tpu.memory_space<vmem>>, vector<32x2560xf32>
    tpu.vector_store %arg2[%swap3A, %swap3A_2], %transpose3A {strides = array<i32>} : memref<32x2560xf32, #tpu.memory_space<vmem>>, vector<32x2560xf32>,
    return
  }
  func.func @transform_0(%arg0: i32) -> (i32, i32) {
    %c0_i32 = arith.constant 0 : i32
    %c0_i32_0 = arith.constant 0 : i32
    return %arg0, %c0_i32 : i32, i32
  }
  func.func @transform_1(%arg0: i32) -> (i32, i32) {
    %c0_i32 = arith.constant 0 : i32
    %c0_i32_0 = arith.constant 0 : i32
    return %c0_i32, %arg0 : i32, i32
  }
}

</mosaic_0001>

<sc_bundles>
// kernel: kernel.5.cloned.1.call-start
scs
__scs_entry_jumppad:
0x0: {  	(pc) =	sbr.rel $0x88, $3  }
0x1: {  	(tag) =	ssettag $0x0;
	lr =	simm.s32 $0x1  }
0x2: {  	[smem:$0x3F9C] =	sst lr;
	_ =	strace $0xD0000000  }
0x3: {  	_ = 	snop  }
0x4: {  	_ = 	snop  }
0x5: {  	_ = 	snop  }
0x6: {  	_ = 	snop  }
0x7: {  	_ = 	snop  }
__scs_overlays_trampoline_lowered:
0x8: {  	[smem:$0x3FAB] =	sst s0  }
0x9: {  	[smem:$0x3FAC] =	sst s1  }
0xa: {  	[smem:$0x3FAD] =	sst s2  }
0xb: {  	[smem:$0x3FAE] =	sst s3  }
0xc: {  	[smem:$0x3FAF] =	sst s4  }
0xd: {  	[smem:$0x3FB0] =	sst s5  }
0xe: {  	[smem:$0x3FB1] =	sst s6  }
0xf: {  	[smem:$0x3FB2] =	sst s7  }
0x10: {  	[smem:$0x3FB3] =	sst s8  }
0x11: {  	[smem:$0x3FB4] =	sst s9;
	s0 =	simm.s32 @!p0 $0x0  }
0x12: {  	s1 =	sld [smem:$0x3F9A];
	s0 =	simm.s32 @p0 $0x1  }
0x13: {  	[smem:$0x3FB5] =	sst s0;
	s0 =	simm.s32 @!p1 $0x0  }
0x14: {  	s2 =	sld [smem:$0x3F99];
	s0 =	simm.s32 @p1 $0x1  }
0x15: {  	[smem:$0x3FB6] =	sst s0;
	s0 =	simm.s32 @!p2 $0x0  }
0x16: {  	s3 =	sld [smem:$0x3FDB];
	s0 =	simm.s32 @p2 $0x1  }
0x17: {  	s4 =	simm.s32 $0x1BF5;
	[smem:$0x3FB8] =	sst s0  }
0x18: {  	s0 =	sld [smem:$0x3F9B];
	_ =	swait.ge [sflag:s4], $0x0  }
0x19: {  	s7 =	sld [smem:$0x3F9C]  }
0x1a: {  	s8 =	sadd.s32 $0xFFFFE003, lr  }
0x1b: {  	s9 =	sadd.s32 $0xFFFFFEF7, lr;
	s5 =	simm.s32 $0xFFFFFFFF;
	p2 =	slt.u32 s8, $0xFFFFF086  }
0x1c: {  	p1 =	slt.u32 s9, $0xF7A;
	s5 =	simm.s32 @!p2 $0x0  }
0x1d: {  	s5 =	simm.s32 @p1 $0x1;
	p0 =	seq.s32 s7, s2  }
0x1e: {  	s7 =	smul.u32 @!p0 $0xF7A, s2;
	p2 =	seq.s32 @!p0 s5, $0x0  }
0x1f: {  	s9 =	smul.u32 $0xF7A, s1;
	s8 =	simm.s32 @!p0 $0x1BF5;
	p2 =	por !p2, p0  }
0x20: {  	[sflag:s8] =	ssyncset.s32 @!p0 $0xFFFFF086;
	s6 =	sadd.s32 @!p0 s3, s7;
	s7 =	simm.s32 @!p0 $0x108  }
0x21: {  	s3 =	sadd.s32 s3, s9;
	s6 =	sadd.s32 @!p0 $0x88, s6;
	s7 =	simm.s32 @p2 $0x1082  }
0x22: {  	[simem:s7], [sflag:s8] =	dma.local @!p0 [hbm:s6], $0xF7A  }
0x23: {  	s9 =	sor.u32 $0xD0000000, s2;
	s6 =	simm.s32 $0x108;
	_ =	swait.ge @!p0 [sflag:s8], $0x0  }
0x24: {  	s3 =	sadd.s32 $0x88, s3;
	s6 =	simm.s32 @!p1 $0x1082;
	[sflag:s4] =	ssyncset.s32 $0xFFFFF086  }
0x25: {  	[simem:s6], [sflag:s4] =	dma.local [hbm:s3], $0xF7A  }
0x26: {  	[smem:$0x3F9C] =	sst s1;
	(tag) =	ssettag s2;
	_ =	strace s9  }
0x27: {  	s1 =	sld [smem:$0x3FAC]  }
0x28: {  	s2 =	sld [smem:$0x3FAD]  }
0x29: {  	s4 =	sld [smem:$0x3FAF]  }
0x2a: {  	p0 =	seq.s32 s5, $0x0;
	s5 =	sld [smem:$0x3FB0]  }
0x2b: {  	s6 =	sld [smem:$0x3FB1]  }
0x2c: {  	s7 =	sld [smem:$0x3FB2]  }
0x2d: {  	s3 =	simm.s32 $0x108;
	s8 =	sld [smem:$0x3FB3]  }
0x2e: {  	s3 =	simm.s32 @!p0 $0x1082;
	s9 =	sld [smem:$0x3FB4]  }
0x2f: {  	lr =	sadd.s32 s0, s3;
	s0 =	sld [smem:$0x3FAB]  }
0x30: {  	s3 =	sld [smem:$0x3FAE]  }
0x31: {  	[smem:$0x3FB7] =	sst s10  }
0x32: {  	s10 =	sld [smem:$0x3FB5];
	_ =	sdelay $0x3  }
0x33: {  	p0 =	seq.s32 s10, $0x1;
	s10 =	sld [smem:$0x3FB7];
	_ =	sdelay $0x3  }
0x34: {  	[smem:$0x3FB7] =	sst s10  }
0x35: {  	s10 =	sld [smem:$0x3FB6];
	_ =	sdelay $0x3  }
0x36: {  	p1 =	seq.s32 s10, $0x1;
	s10 =	sld [smem:$0x3FB7];
	_ =	sdelay $0x3  }
0x37: {  	[smem:$0x3FB7] =	sst s10  }
0x38: {  	s10 =	sld [smem:$0x3FB8]  }
0x39: {  	_ = 	snop;
	(pc) =	sbr.ind lr, $3  }
0x3a: {  	_ = 	snop  }
0x3b: {  	_ = 	snop  }
0x3c: {  	p2 =	seq.s32 s10, $0x1;
	s10 =	sld [smem:$0x3FB7]  }
0x3d: {  	_ =	shalt  }
0x3e: {  	_ =	shalt  }
0x3f: {  	_ =	shalt  }
0x40: {  	_ =	shalt  }
0x41: {  	_ =	shalt  }
0x42: {  	_ =	shalt  }
0x43: {  	_ =	shalt  }
0x44: {  	_ =	shalt  }
0x45: {  	_ =	shalt  }
0x46: {  	_ =	shalt  }
0x47: {  	_ =	shalt  }
0x48: {  	_ =	shalt  }
0x49: {  	_ =	shalt  }
0x4a: {  	_ =	shalt  }
0x4b: {  	_ =	shalt  }
0x4c: {  	_ =	shalt  }
0x4d: {  	_ =	shalt  }
0x4e: {  	_ =	shalt  }
0x4f: {  	_ =	shalt  }
0x50: {  	_ =	shalt  }
0x51: {  	_ =	shalt  }
0x52: {  	_ =	shalt  }
0x53: {  	_ =	shalt  }
0x54: {  	_ =	shalt  }
0x55: {  	_ =	shalt  }
0x56: {  	_ =	shalt  }
0x57: {  	_ =	shalt  }
0x58: {  	_ =	shalt  }
0x59: {  	_ =	shalt  }
0x5a: {  	_ =	shalt  }
0x5b: {  	_ =	shalt  }
0x5c: {  	_ =	shalt  }
0x5d: {  	_ =	shalt  }
0x5e: {  	_ =	shalt  }
0x5f: {  	_ =	shalt  }
0x60: {  	_ =	shalt  }
0x61: {  	_ =	shalt  }
0x62: {  	_ =	shalt  }
0x63: {  	_ =	shalt  }
0x64: {  	_ =	shalt  }
0x65: {  	_ =	shalt  }
0x66: {  	_ =	shalt  }
0x67: {  	_ =	shalt  }
0x68: {  	_ =	shalt  }
0x69: {  	_ =	shalt  }
0x6a: {  	_ =	shalt  }
0x6b: {  	_ =	shalt  }
0x6c: {  	_ =	shalt  }
0x6d: {  	_ =	shalt  }
0x6e: {  	_ =	shalt  }
0x6f: {  	_ =	shalt  }
0x70: {  	_ =	shalt  }
0x71: {  	_ =	shalt  }
0x72: {  	_ =	shalt  }
0x73: {  	_ =	shalt  }
0x74: {  	_ =	shalt  }
0x75: {  	_ =	shalt  }
0x76: {  	_ =	shalt  }
0x77: {  	_ =	shalt  }
0x78: {  	_ =	shalt  }
0x79: {  	_ =	shalt  }
0x7a: {  	_ =	shalt  }
0x7b: {  	_ =	shalt  }
0x7c: {  	_ =	shalt  }
0x7d: {  	_ =	shalt  }
0x7e: {  	_ =	shalt  }
0x7f: {  	_ =	shalt  }
0x80: {  	_ =	shalt  }
0x81: {  	_ =	shalt  }
0x82: {  	_ =	shalt  }
0x83: {  	_ =	shalt  }
0x84: {  	_ =	shalt  }
0x85: {  	_ =	shalt  }
0x86: {  	_ =	shalt  }
0x87: {  	_ =	shalt  }
.Lfunc_end0:
.L_simem_size_0:
called_computation_lowered:
.L_overlay_start_0:
0x88: {  	s2 =	sld [smem:$0x3FD9]  }
0x89: {  	s3 =	sld [smem:$0x3FFE];
	_ =	sdelay $0x1  }
0x8a: {  	s1 =	srdreg.scid  }
0x8b: {  	s0 =	sand.u32 $0x1, s1  }
0x8c: {  	s14 =	sshll.u32 s0, $0xA;
	s2 =	sadd.s32 s3, s2  }
0x8d: {  	s2 =	sadd.s32 s2, s14  }
0x8e: {  	[smem:$0x3FC3] =	sst s2  }
0x8f: {  	_ = 	snop  }
0x90: {  	s2 =	sld [smem:$0x3FD0];
	_ =	sdelay $0x1  }
0x91: {  	s15 =	sld [smem:$0x3FC7]  }
0x92: {  	s5 =	simm.s32 $0xA;
	s6 =	simm.s32 $0x10;
	s4 =	sld [smem:$0x3FC5]  }
0x93: {  	[smem:s6], [sflag:s5] =	dma.local [hbm:s2], $0x1  }
0x94: {  	_ =	swait.eq [sflag:s5], $0x1  }
0x95: {  	[sflag:s5] =	ssyncset.done $0x0  }
0x96: {  	s16 =	sld [smem:$0x10];
	[sflag:s5] =	ssyncadd.s32 $0xFFFFFFFF  }
0x97: {  	s17 =	sld [smem:$0x11];
	(tm) =	ssettm $0x1  }
0x98: {  	s18 =	sld [smem:$0x3FFB];
	_ =	sdelay $0x3  }
0x99: {  	_ =	strace s18  }
0x9a: {  	s6 =	sld [smem:$0x3FFC];
	_ =	sdelay $0x3  }
0x9b: {  	_ =	strace s6  }
0x9c: {  	s6 =	sld [smem:$0x3FFD];
	_ =	sdelay $0x3  }
0x9d: {  	_ =	strace s6  }
0x9e: {  	_ =	strace $0x8FFFFFFF  }
0x9f: {  	s19 =	sld [smem:$0x3FDB];
	_ =	sdelay $0x1  }
0xa0: {  	s7 =	simm.s32 $_scs_section_size  }
0xa1: {  	s8 =	simm.s32 $_size__tile_overlayer_lowered;
	s9 =	simm.s32 $_tile_overlayer_lowered  }
0xa2: {  	s22 =	simm.s32 $0x1BFF;
	s21 =	sshll.u32 s9, $0x1;
	s6 =	sadd.s32 s7, s19  }
0xa3: {  	s10 =	simm.s32 $0x0;
	s20 =	sshll.u32 s8, $0x1;
	s8 =	sadd.s32 s21, s6  }
0xa4: {  	[timem:s10], [sflag:s22] =	dma.local [hbm:s8], s20  }
0xa5: {  	_ =	swait.ge [sflag:s22], s20  }
0xa6: {  	s7 =	ssub.s32 $0x0, s20;
	[sflag:s22] =	ssyncset.done $0x0  }
0xa7: {  	[sflag:s22] =	ssyncadd.s32 s7;
	_ =	sdelay $0x1  }
0xa8: {  	s23 =	simm.s32 $0x1B8B  }
0xa9: {  	_ =	swait.ge [sflag:s23], $0x1  }
0xaa: {  	[sflag:s23] =	ssyncset.done $0x0  }
0xab: {  	s25 =	simm.s32 $0x1B8E;
	s24 =	sld [smem:$0x3FFE];
	[sflag:s23] =	ssyncadd.s32 $0xFFFFFFFF  }
0xac: {  	s26 =	simm.s32 $execute0_lowered;
	[smem:$0x3FD2] =	sst s25  }
0xad: {  	s8 =	sshll.u32 s26, $0x1;
	_ =	strace $0x80000046;
	[dreg:$0x1] =	wrdreg $0xFFFFFFFF  }
0xae: {  	s28 =	simm.s32 $_size_execute0_lowered;
	s6 =	sadd.s32 s6, s8;
	[dreg:$0x0] =	wrdreg $0x0  }
0xaf: {  	s8 =	sshll.u32 s28, $0x1;
	[dreg:$0x2] =	wrdreg s6  }
0xb0: {  	[dreg:$0x3] =	wrdreg s8  }
0xb1: {  	[dreg:$0x4] =	wrdreg $0xC0  }
0xb2: {  	_ =	task [dreg:s10], $0x5FFFF  }
0xb3: {  	[dreg:$0x1] =	wrdreg $0xFFFFFFFF  }
0xb4: {  	[dreg:$0x0] =	wrdreg $0x60  }
0xb5: {  	[dreg:$0x2] =	wrdreg s16  }
0xb6: {  	[dreg:$0x3] =	wrdreg s24  }
0xb7: {  	[dreg:$0x4] =	wrdreg s15  }
0xb8: {  	[dreg:$0x5] =	wrdreg s4  }
0xb9: {  	[dreg:$0x6] =	wrdreg s17  }
0xba: {  	[dreg:$0x7] =	wrdreg $0x0  }
0xbb: {  	[dreg:$0x8] =	wrdreg $0x138800  }
0xbc: {  	[dreg:$0x9] =	wrdreg $0x9  }
0xbd: {  	_ =	task.clear_ibuf [dreg:s10], $0xAFFFF;
	_ =	strace $0x90000046  }
0xbe: {  	s29 =	simm.s32 $0x9;
	_ =	strace $0x80000048  }
0xbf: {  	_ =	swait.ge [sflag:s29], $0x1  }
0xc0: {  	[sflag:s29] =	ssyncadd.s32 $0xFFFFFFFF  }
0xc1: {  	_ =	strace $0x90000048  }
0xc2: {  	_ =	sfence  }
0xc3: {  	s30 =	sld [smem:$0x0];
	_ =	sdelay $0x2  }
0xc4: {  	s31 =	sshll.u32 s1, $0xD;
	s1 =	sshrl.u32 s1, $0x2  }
0xc5: {  	s3 =	sand.u32 $0x4000, s31;
	s1 =	sadd.s32 s1, s30  }
0xc6: {  	s0 =	sor.u32 s3, s0;
	s1 =	sshll.u32 s1, $0x11  }
0xc7: {  	s0 =	sor.u32 s1, s0  }
0xc8: {  	s0 =	sadd.s32 $0x8F2B, s0  }
0xc9: {  	[sflag:s0] =	ssyncadd.remote.s32 $0x1  }
0xca: {  	_ =	sfence.sel $0xFFFF  }
0xcb: {  	[dreg:$0x0] =	wrdreg $0xFFFFFFFF;
	(pc) =	sbr.abs _section_cstart, $3  }
0xcc: {  	[dreg:$0x1] =	wrdreg $0xFFFFFFFF  }
0xcd: {  	_ =	task.clear_ibuf [dreg:s10], $0x2FFFF;
	_ =	strace $0x9FFFFFFF  }
0xce: {  	(tm) =	ssettm $0x7FFFFFFF  }
0xcf: {  	_ =	shalt  }
tec
execute0_lowered:
.L_overlay_start_1:
0x0: {  	(tag) =	ssettag $0x1  }
0x1: {  	s0 =	rddreg [dreg:$0x0]  }
0x2: {  	s1 =	rddreg [dreg:$0x1]  }
0x3: {  	s2 =	rddreg [dreg:$0x2]  }
0x4: {  	s5 =	rddreg [dreg:$0x5]  }
0x5: {  	s6 =	rddreg [dreg:$0x6]  }
0x6: {  	s7 =	simm.s32 $0x0;
	s3 =	srdreg.scid;
	s15 =	stileid.u32  }
0x7: {  	s28 =	simm.s32 $0x2;
	s29 =	simm.s32 $0x16F00;
	s30 =	simm.s32 $0x18300  }
0x8: {  	[smem:$0x7FF] =	sst s7;
	s3 =	sand.u32 $0x1, s3;
	s8 =	sadd.s32 $0xA600, s1  }
0x9: {  	s9 =	sadd.s32 $0x800, s1;
	s14 =	smul.u32 $0x2710, s15;
	s11 =	sadd.s32 $0x14400, s1  }
0xa: {  	s22 =	sadd.s32 $0x80, s6;
	s23 =	smul.u32 $0x4E200, s15;
	s24 =	sadd.s32 $0x100, s6  }
0xb: {  	s25 =	sadd.s32 $0x180, s6;
	_ =	strace $0x80000047;
	[dreg:$0xa] =	wrdreg s22  }
0xc: {  	s26 =	sadd.s32 $0x200, s6;
	s31 =	sadd.s32 $0x280, s6;
	[dreg:$0xb] =	wrdreg s24  }
0xd: {  	s16 =	sadd.s32 $0x300, s6;
	p0 =	sne.s32 s15, $0x0;
	[dreg:$0xc] =	wrdreg s25  }
0xe: {  	s18 =	sadd.s32 $0x380, s6;
	s4 =	smul.u32 $0x13880, s3;
	[dreg:$0xd] =	wrdreg s26  }
0xf: {  	s19 =	sadd.s32 $0x400, s6;
	s13 =	smul.u32 $0x27100, s3;
	[dreg:$0xe] =	wrdreg s31  }
0x10: {  	v0 =	vimm.s32 $0xEFCDAB89;
	v3 =	vimm.s32 $0x67452301;
	s10 =	ssub.s32 $0x2, s3;
	s21 =	scvt.s32.f32 s3;
	[dreg:$0xf] =	wrdreg s16  }
0x11: {  	v5 =	vimm.s32 $0x54761032;
	v6 =	vimm.s32 $0xBA98FEDC;
	v7 =	vimm.s32 $0x32107654;
	s17 =	sshll.u32 s3, $0x6;
	s3 =	sshll.u32 s3, $0x4;
	[dreg:$0x10] =	wrdreg s18  }
0x12: {  	v10 =	vimm.s32 $0x76543210;
	vm0 =	vmmov $0xf;
	vm1 =	vmmov $0xff;
	[dreg:$0x11] =	wrdreg s19;
	s24 =	sadd.s32 $0x600, s6;
	s25 =	sadd.s32 $0x680, s6  }
0x13: {  	vm2 =	vmmov $0xfff;
	v11 =	vimm.s32 $0x8;
	v2 =	vunpack.c.l.s4.s8 v0;
	s26 =	sadd.s32 $0x700, s6;
	s31 =	sadd.s32 $0x780, s6;
	[dreg:$0x15] =	wrdreg s24  }
0x14: {  	v12 =	vimm.s32 $0xC;
	v5 =	vunpack.c.l.s4.s8 v5;
	v6 =	vunpack.c.l.s4.s8 v6;
	s18 =	simm.s32 $0x19C80;
	s19 =	simm.s32 $0x14580;
	[dreg:$0x16] =	wrdreg s25  }
0x15: {  	s16 =	simm.s32 $0x6;
	s12 =	sshrl.u32 s10, $0x1;
	v4 =	vunpack.c.0.s8.s32 v2;
	v2 =	vunpack.c.l.s4.s8 v3;
	v3 =	vimm.s32 $0xDCFE98BA;
	[dreg:$0x17] =	wrdreg s26  }
0x16: {  	s3 =	sor.u32 $0x19CC0, s3;
	[dreg:$0x18] =	wrdreg s31;
	v5 =	vunpack.c.0.s8.s32 v5;
	v6 =	vunpack.c.0.s8.s32 v6;
	s20 =	ssub.s32 s10, s12;
	v3 =	vunpack.c.l.s4.s8 v3  }
0x17: {  	s24 =	simm.s32 $0x15B00;
	s4 =	sadd.s32 s4, s1;
	s1 =	smax.u32 s20, $0x1;
	v8 =	vunpack.c.0.s8.s32 v2;
	v2 =	vunpack.c.l.s4.s8 v7;
	v7 =	vimm.s32 $0xFEDCBA98  }
0x18: {  	s25 =	simm.s32 $0x14700;
	v0 =	vmov s21;
	[dreg:$0x9] =	wrdreg s1;
	s1 =	sshrl.u32 s23, $0x2;
	v3 =	vunpack.c.0.s8.s32 v3;
	v7 =	vunpack.c.l.s4.s8 v7  }
0x19: {  	s21 =	sadd.s32 $0x500, s6;
	s22 =	sadd.s32 s1, s5;
	s1 =	sor.u32 $0x14800, s17;
	v9 =	vunpack.c.0.s8.s32 v2;
	v2 =	vmov s3;
	v4 =	vcombine.low v8, v4  }
0x1a: {  	s26 =	simm.s32 $0x1;
	s20 =	sadd.s32 $0x480, s6;
	[dreg:$0x13] =	wrdreg s21;
	v8 =	vunpack.c.l.s4.s8 v10;
	v10 =	vimm.s32 $0x4;
	v1 =	vmov s1  }
0x1b: {  	s12 =	smul.u32 $0x4E20, s15;
	s4 =	sadd.s32 $0x3B600, s4;
	[dreg:$0x12] =	wrdreg s20;
	v5 =	vcombine.low v5, v3;
	v7 =	vunpack.c.0.s8.s32 v7;
	v3 =	vsub.f32 $1.000000000e+00, v0  }
0x1c: {  	s14 =	sadd.s32 s14, s13;
	s23 =	sadd.s32 $0x580, s6;
	[dreg:$0x8] =	wrdreg s4;
	v6 =	vcombine.low v9, v6;
	v4 =	vand.u32 $0xF, v4;
	v8 =	vunpack.c.0.s8.s32 v8  }
0x1d: {  	s21 =	simm.s32 $0x14680;
	s20 =	simm.s32 $0x14600;
	[dreg:$0x14] =	wrdreg s23;
	v9 =	vimm.s32 $0x0;
	v5 =	vand.u32 $0xF, v5;
	v7 =	vand.u32 $0xF, v7  }
0x1e: {  	s17 =	simm.s32 $0x5;
	s23 =	simm.s32 $0x28;
	s1 =	simm.s32 $0x0;
	v6 =	vand.u32 $0xF, v6;
	v7 =	vcombine.low v7, v8;
	v8 =	vimm.f32 $0.0e+00  }
.LBB2_1:
0x1f: {  	[dreg:$0x19] =	wrdreg s1  }
0x20: {  	s15 =	rddreg [dreg:$0x3];
	s3 =	simm.s32 $0x13900  }
0x21: {  	[tilespmem:s3], [sflag:$0x5] =	stream.linear.gather [hbm4b:s15+s7], $0x400, $0x38;
	[tilespmem:$0x1D880] =	vst v63  }
0x22: {  	_ =	swait.ge [sflag:s17], $0x400  }
0x23: {  	[sflag:s17] =	ssyncset.done $0x0  }
0x24: {  	[sflag:s17] =	ssyncadd.s32 $0xFFFFFC00  }
0x25: {  	v13 =	vld [tilespmem:$0x13900];
	_ =	sdelay $0x1  }
0x26: {  	v14 =	vld [tilespmem:$0x13980];
	_ =	sdelay $0x1  }
0x27: {  	v15 =	vld [tilespmem:$0x13A00]  }
0x28: {  	v16 =	vperm.xlane v13, v4;
	_ =	sdelay $0x1  }
0x29: {  	v17 =	vperm.xlane v14, v4;
	v16 =	vmax.f32 v13, v16  }
0x2a: {  	v18 =	vperm.xlane v16, v5  }
0x2b: {  	v19 =	vperm.xlane v15, v4;
	v17 =	vmax.f32 v14, v17  }
0x2c: {  	v16 =	vmax.f32 v16, v18;
	v18 =	vperm.xlane v17, v5  }
0x2d: {  	v19 =	vmax.f32 v15, v19;
	v20 =	vperm.xlane v16, v6  }
0x2e: {  	v17 =	vmax.f32 v17, v18;
	v18 =	vperm.xlane v19, v5  }
0x2f: {  	v21 =	vld [tilespmem:$0x13A80];
	v16 =	vmax.f32 v16, v20;
	v20 =	vperm.xlane v17, v6  }
0x30: {  	v22 =	vperm.xlane v16, v7;
	v18 =	vmax.f32 v19, v18  }
0x31: {  	v17 =	vmax.f32 v17, v20;
	v19 =	vperm.xlane v18, v6  }
0x32: {  	v16 =	vmax.f32 v16, v22;
	v20 =	vperm.xlane v17, v7  }
0x33: {  	v13 =	vsub.f32 v13, v16;
	v16 =	vmax.f32 v18, v19  }
0x34: {  	v19 =	vperm.xlane v21, v4;
	v17 =	vmax.f32 v17, v20;
	v18 =	vperm.xlane v16, v7  }
0x35: {  	v14 =	vsub.f32 v14, v17;
	v17 =	vld [tilespmem:$0x13B00]  }
0x36: {  	v13 =	vmul.f32 $1.442695020e+00, v13;
	v16 =	vmax.f32 v16, v18;
	v18 =	vmax.f32 v21, v19;
	v19 =	vld [tilespmem:$0x13B80]  }
0x37: {  	v20 =	vld [tilespmem:$0x13C00];
	v14 =	vmul.f32 $1.442695020e+00, v14;
	v15 =	vsub.f32 v15, v16;
	v16 =	vperm.xlane v18, v5  }
0x38: {  	(erf) = vpow2.f32 v13;
	v13 =	vld [tilespmem:$0x13C80]  }
0x39: {  	(erf) = vpow2.f32 v14;
	v14 =	vmul.f32 $1.442695020e+00, v15;
	v15 =	vmax.f32 v18, v16  }
0x3a: {  	v16 =	vperm.xlane v15, v6;
	v18 =	vperm.xlane v17, v4  }
0x3b: {  	(erf) = vpow2.f32 v14;
	v14 =	vperm.xlane v19, v4  }
0x3c: {  	v15 =	vmax.f32 v15, v16;
	v16 =	vmax.f32 v17, v18;
	v18 =	vperm.xlane v20, v4  }
0x3d: {  	v23 =	vperm.xlane v13, v4;
	v22 =	vperm.xlane v16, v5;
	v14 =	vmax.f32 v19, v14  }
0x3e: {  	v24 =	vperm.xlane v15, v7;
	v25 =	vperm.xlane v14, v5;
	v18 =	vmax.f32 v20, v18  }
0x3f: {  	v23 =	vmax.f32 v13, v23;
	v16 =	vmax.f32 v16, v22;
	v22 =	vperm.xlane v18, v5  }
0x40: {  	v26 =	vperm.xlane v16, v6;
	v14 =	vmax.f32 v14, v25;
	v25 =	vperm.xlane v23, v5  }
0x41: {  	v15 =	vmax.f32 v15, v24;
	v24 =	vperm.xlane v14, v6;
	v18 =	vmax.f32 v18, v22  }
0x42: {  	v16 =	vmax.f32 v16, v26;
	v22 =	vperm.xlane v18, v6;
	v23 =	vmax.f32 v23, v25  }
0x43: {  	v25 =	vperm.xlane v16, v7;
	v14 =	vmax.f32 v14, v24;
	v24 =	vperm.xlane v23, v6  }
0x44: {  	v15 =	vsub.f32 v21, v15;
	v21 =	vperm.xlane v14, v7;
	v18 =	vmax.f32 v18, v22  }
0x45: {  	v16 =	vmax.f32 v16, v25;
	v22 =	vperm.xlane v18, v7;
	v23 =	vmax.f32 v23, v24  }
0x46: {  	v16 =	vsub.f32 v17, v16;
	v14 =	vmax.f32 v14, v21;
	v17 =	vperm.xlane v23, v7  }
0x47: {  	v15 =	vmul.f32 $1.442695020e+00, v15;
	v14 =	vsub.f32 v19, v14;
	v18 =	vmax.f32 v18, v22  }
0x48: {  	v16 =	vmul.f32 $1.442695020e+00, v16;
	v18 =	vsub.f32 v20, v18;
	v17 =	vmax.f32 v23, v17  }
0x49: {  	(erf) = vpow2.f32 v15;
	v14 =	vmul.f32 $1.442695020e+00, v14;
	v13 =	vsub.f32 v13, v17  }
0x4a: {  	(erf) = vpow2.f32 v16;
	v15 =	vmul.f32 $1.442695020e+00, v18  }
0x4b: {  	(erf) = vpow2.f32 v14;
	v13 =	vmul.f32 $1.442695020e+00, v13  }
0x4c: {  	(erf) = vpow2.f32 v15  }
0x4d: {  	(erf) = vpow2.f32 v13;
	_ =	sdelay $0x1  }
0x4e: {  	v17 =	vpop (erf)  }
0x4f: {  	v18 =	vpop (erf)  }
0x50: {  	v13 =	vpop (erf)  }
0x51: {  	v16 =	vmov s7;
	v19 =	vpop (erf)  }
0x52: {  	v15 =	vpop (erf)  }
0x53: {  	v20 =	vand.u32 $0xF, v16;
	v14 =	vpop (erf)  }
0x54: {  	[tilespmem:$0x13D00] =	vst v17;
	v23 =	vbroadcast v20, $0x0;
	v16 =	vpop (erf)  }
0x55: {  	[tilespmem:$0x13D10] =	vst v18;
	v22 =	vpop (erf)  }
0x56: {  	[tilespmem:$0x13D20] =	vst v13;
	v20 =	vperm.xlane v19, v23;
	v21 =	vperm.xlane v22, v23  }
0x57: {  	v25 =	vperm.xlane v17, v23;
	v30 =	vperm.xlane v18, v23;
	[tilespmem:$0x13D30] =	vst v19  }
0x58: {  	v28 =	vmul.f32 v20, v3;
	[tilespmem:$0x13D40] =	vst v15;
	v29 =	vmul.f32 v21, v0  }
0x59: {  	v26 =	vperm.xlane v13, v23;
	v31 =	vsel vm0, v25, v30;
	v30 =	vmul.f32 v30, v3;
	[tilespmem:$0x13D50] =	vst v14  }
0x5a: {  	s31 =	simm.s32 $0x1;
	v24 =	vperm.xlane v15, v23;
	v27 =	vperm.xlane v14, v23;
	[tilespmem:$0x13D60] =	vst v16;
	v33 =	vadd.f32 v29, v28  }
0x5b: {  	s1 =	simm.s32 $0x13DB0;
	v32 =	vmov s31;
	v23 =	vperm.xlane v16, v23;
	[tilespmem:$0x13D70] =	vst v22;
	v28 =	vmul.f32 v25, v3  }
0x5c: {  	s3 =	simm.s32 $0x2;
	v29 =	vmul.f32 v24, v0;
	v25 =	vsel vm1, v31, v26;
	v31 =	vmul.f32 v27, v0;
	[tilespmem:s1+$0x0] =	vst v33  }
.LBB2_2:
0x5d: {  	p1 =	sne.s32 s3, $0xF;
	v32 =	vand.u32 $0xF, v32;
	v26 =	vmul.f32 v26, v3;
	v33 =	vmul.f32 v23, v0  }
0x5e: {  	v28 =	vadd.f32 v29, v28;
	v24 =	vsel vm0, v24, v27;
	v32 =	vbroadcast v32, $0x0  }
0x5f: {  	v27 =	vadd.f32 v31, v30;
	v23 =	vsel vm1, v24, v23;
	v26 =	vadd.f32 v33, v26  }
0x60: {  	v25 =	vsel vm2, v25, v20;
	v24 =	vperm.xlane v22, v32;
	[tilespmem:s1+$0xFFFFFFD0] =	vst v28;
	v20 =	vperm.xlane v19, v32  }
0x61: {  	v29 =	vsel vm2, v23, v21;
	v28 =	vperm.xlane v17, v32;
	v30 =	vperm.xlane v18, v32;
	[tilespmem:s1+$0xFFFFFFE0] =	vst v27  }
.Ltmp0:
0x62: {  	v31 =	vmul.f32 v20, v3;
	v33 =	vmul.f32 v24, v0;
	[tilespmem:s1+$0xFFFFFFF0] =	vst v26;
	v21 =	vmov v24;
	(pc) =	sbr.rel @p1 .LBB2_2-.Ltmp0, $4  }
0x63: {  	v26 =	vperm.xlane v13, v32;
	v24 =	vperm.xlane v15, v32;
	v34 =	vsel vm0, v28, v30;
	[tilespmem:s1+$0x10] =	vst v25  }
0x64: {  	v23 =	vperm.xlane v16, v32;
	v27 =	vperm.xlane v14, v32;
	v33 =	vadd.f32 v33, v31;
	[tilespmem:s1+$0x20] =	vst v29  }
0x65: {  	v28 =	vmul.f32 v28, v3;
	v29 =	vmul.f32 v24, v0;
	v25 =	vsel vm1, v34, v26;
	s1 =	sadd.s32 $0x80, s1  }
0x66: {  	v32 =	vmov s3;
	s3 =	sadd.s32 $0x1, s3;
	v30 =	vmul.f32 v30, v3;
	v31 =	vmul.f32 v27, v0;
	[tilespmem:s1+$0x0] =	vst v33  }
0x67: {  	v32 =	vand.u32 $0xF, v32  }
0x68: {  	v26 =	vmul.f32 v26, v3;
	v32 =	vbroadcast v32, $0x0  }
0x69: {  	v33 =	vmul.f32 v23, v0;
	v28 =	vadd.f32 v29, v28;
	v24 =	vsel vm0, v24, v27  }
0x6a: {  	v20 =	vsel vm2, v25, v20;
	v19 =	vperm.xlane v19, v32;
	v22 =	vperm.xlane v22, v32  }
0x6b: {  	v51 =	vadd.f32 v31, v30;
	v17 =	vperm.xlane v17, v32;
	v18 =	vperm.xlane v18, v32  }
0x6c: {  	v54 =	vsel vm1, v24, v23;
	v13 =	vperm.xlane v13, v32;
	v15 =	vperm.xlane v15, v32  }
0x6d: {  	[tilespmem:s1+$0x10] =	vst v20;
	v26 =	vadd.f32 v33, v26;
	v14 =	vperm.xlane v14, v32;
	v16 =	vperm.xlane v16, v32  }
0x6e: {  	[tilespmem:s1+$0xFFFFFFD0] =	vst v28;
	v21 =	vsel vm2, v54, v21;
	v52 =	vmul.f32 v19, v3;
	v53 =	vmul.f32 v22, v0  }
0x6f: {  	[tilespmem:s1+$0xFFFFFFE0] =	vst v51;
	v55 =	vmul.f32 v17, v3;
	v59 =	vmul.f32 v14, v0;
	v17 =	vsel vm0, v17, v18  }
0x70: {  	[tilespmem:s1+$0x20] =	vst v21;
	v60 =	vmul.f32 v13, v3;
	v14 =	vsel vm0, v15, v14;
	v13 =	vsel vm1, v17, v13  }
0x71: {  	s31 =	sadd.s32 $0x80, s1;
	[tilespmem:s1+$0xFFFFFFF0] =	vst v26;
	v56 =	vmul.f32 v15, v0;
	v14 =	vsel vm1, v14, v16;
	v13 =	vsel vm2, v13, v19  }
0x72: {  	v58 =	vmul.f32 v18, v3;
	v57 =	vadd.f32 v53, v52;
	v14 =	vsel vm2, v14, v22;
	[tilespmem:s31+$0x10] =	vst v13  }
.Ltmp1:
0x73: {  	v61 =	vmul.f32 v16, v0;
	v23 =	vadd.f32 v56, v55;
	[tilespmem:s31+$0x20] =	vst v14;
	(pc) =	sbr.rel @p0 .LBB2_5-.Ltmp1, $4  }
0x74: {  	v62 =	vadd.f32 v59, v58;
	[tilespmem:s31+$0x0] =	vst v57  }
0x75: {  	v63 =	vadd.f32 v61, v60;
	[tilespmem:s31+$0xFFFFFFD0] =	vst v23  }
0x76: {  	[tilespmem:s31+$0xFFFFFFE0] =	vst v62  }
0x77: {  	[tilespmem:s31+$0xFFFFFFF0] =	vst v63  }
0x78: {  	s1 =	simm.s32 $0x13D80  }
0x79: {  	[spmem:s6] =	stream.linear.scatter [tilespmem:s1], [sflag:$0x5], $0x80, $0x38;
	[tilespmem:$0x1D880] =	vst v63  }
0x7a: {  	_ =	swait.ge [sflag:s17], $0x80  }
0x7b: {  	[sflag:s17] =	ssyncset.done $0x0  }
0x7c: {  	s3 =	simm.s32 $0x13E00;
	s4 =	rddreg [dreg:$0xa];
	[sflag:s17] =	ssyncadd.s32 $0xFFFFFF80  }
0x7d: {  	[spmem:s4] =	stream.linear.scatter [tilespmem:s3], [sflag:$0x5], $0x80, $0x38;
	[tilespmem:$0x1D880] =	vst v63  }
0x7e: {  	_ =	swait.ge [sflag:s17], $0x80  }
0x7f: {  	[sflag:s17] =	ssyncset.done $0x0  }
0x80: {  	s13 =	simm.s32 $0x13E80;
	s10 =	rddreg [dreg:$0xb];
	[sflag:s17] =	ssyncadd.s32 $0xFFFFFF80  }
0x81: {  	[spmem:s10] =	stream.linear.scatter [tilespmem:s13], [sflag:$0x5], $0x80, $0x38;
	[tilespmem:$0x1D880] =	vst v63  }
0x82: {  	_ =	swait.ge [sflag:s17], $0x80  }
0x83: {  	[sflag:s17] =	ssyncset.done $0x0  }
0x84: {  	s31 =	simm.s32 $0x13F00;
	s15 =	rddreg [dreg:$0xc];
	[sflag:s17] =	ssyncadd.s32 $0xFFFFFF80  }
0x85: {  	[spmem:s15] =	stream.linear.scatter [tilespmem:s31], [sflag:$0x5], $0x80, $0x38;
	[tilespmem:$0x1D880] =	vst v63  }
0x86: {  	_ =	swait.ge [sflag:s17], $0x80  }
0x87: {  	[sflag:s17] =	ssyncset.done $0x0  }
0x88: {  	s4 =	simm.s32 $0x13F80;
	s3 =	rddreg [dreg:$0xd];
	[sflag:s17] =	ssyncadd.s32 $0xFFFFFF80  }
0x89: {  	[spmem:s3] =	stream.linear.scatter [tilespmem:s4], [sflag:$0x5], $0x80, $0x38;
	[tilespmem:$0x1D880] =	vst v63  }
0x8a: {  	_ =	swait.ge [sflag:s17], $0x80  }
0x8b: {  	[sflag:s17] =	ssyncset.done $0x0  }
0x8c: {  	s13 =	simm.s32 $0x14000;
	s10 =	rddreg [dreg:$0xe];
	[sflag:s17] =	ssyncadd.s32 $0xFFFFFF80  }
0x8d: {  	[spmem:s10] =	stream.linear.scatter [tilespmem:s13], [sflag:$0x5], $0x80, $0x38;
	[tilespmem:$0x1D880] =	vst v63  }
0x8e: {  	_ =	swait.ge [sflag:s17], $0x80  }
0x8f: {  	[sflag:s17] =	ssyncset.done $0x0  }
0x90: {  	s31 =	simm.s32 $0x14080;
	s15 =	rddreg [dreg:$0xf];
	[sflag:s17] =	ssyncadd.s32 $0xFFFFFF80  }
0x91: {  	[spmem:s15] =	stream.linear.scatter [tilespmem:s31], [sflag:$0x5], $0x80, $0x38;
	[tilespmem:$0x1D880] =	vst v63  }
0x92: {  	_ =	swait.ge [sflag:s17], $0x80  }
0x93: {  	[sflag:s17] =	ssyncset.done $0x0  }
0x94: {  	s4 =	simm.s32 $0x14100;
	s3 =	rddreg [dreg:$0x10];
	[sflag:s17] =	ssyncadd.s32 $0xFFFFFF80  }
0x95: {  	[spmem:s3] =	stream.linear.scatter [tilespmem:s4], [sflag:$0x5], $0x80, $0x38;
	[tilespmem:$0x1D880] =	vst v63  }
0x96: {  	_ =	swait.ge [sflag:s17], $0x80  }
0x97: {  	[sflag:s17] =	ssyncset.done $0x0  }
0x98: {  	s13 =	simm.s32 $0x14180;
	s10 =	rddreg [dreg:$0x11];
	[sflag:s17] =	ssyncadd.s32 $0xFFFFFF80  }
0x99: {  	[spmem:s10] =	stream.linear.scatter [tilespmem:s13], [sflag:$0x5], $0x80, $0x38;
	[tilespmem:$0x1D880] =	vst v63  }
0x9a: {  	_ =	swait.ge [sflag:s17], $0x80  }
0x9b: {  	[sflag:s17] =	ssyncset.done $0x0  }
0x9c: {  	s31 =	simm.s32 $0x14200;
	s15 =	rddreg [dreg:$0x12];
	[sflag:s17] =	ssyncadd.s32 $0xFFFFFF80  }
0x9d: {  	[spmem:s15] =	stream.linear.scatter [tilespmem:s31], [sflag:$0x5], $0x80, $0x38;
	[tilespmem:$0x1D880] =	vst v63  }
0x9e: {  	_ =	swait.ge [sflag:s17], $0x80  }
0x9f: {  	[sflag:s17] =	ssyncset.done $0x0  }
0xa0: {  	s4 =	simm.s32 $0x14280;
	s3 =	rddreg [dreg:$0x13];
	[sflag:s17] =	ssyncadd.s32 $0xFFFFFF80  }
0xa1: {  	[spmem:s3] =	stream.linear.scatter [tilespmem:s4], [sflag:$0x5], $0x80, $0x38;
	[tilespmem:$0x1D880] =	vst v63  }
0xa2: {  	_ =	swait.ge [sflag:s17], $0x80  }
0xa3: {  	[sflag:s17] =	ssyncset.done $0x0  }
0xa4: {  	s13 =	simm.s32 $0x14300;
	s10 =	rddreg [dreg:$0x14];
	[sflag:s17] =	ssyncadd.s32 $0xFFFFFF80  }
0xa5: {  	[spmem:s10] =	stream.linear.scatter [tilespmem:s13], [sflag:$0x5], $0x80, $0x38;
	[tilespmem:$0x1D880] =	vst v63  }
0xa6: {  	_ =	swait.ge [sflag:s17], $0x80  }
0xa7: {  	[sflag:s17] =	ssyncset.done $0x0  }
0xa8: {  	s31 =	simm.s32 $0x14380;
	s15 =	rddreg [dreg:$0x15];
	[sflag:s17] =	ssyncadd.s32 $0xFFFFFF80  }
0xa9: {  	[spmem:s15] =	stream.linear.scatter [tilespmem:s31], [sflag:$0x5], $0x80, $0x38;
	[tilespmem:$0x1D880] =	vst v63  }
0xaa: {  	_ =	swait.ge [sflag:s17], $0x80  }
0xab: {  	[sflag:s17] =	ssyncset.done $0x0  }
0xac: {  	s4 =	simm.s32 $0x14400;
	s3 =	rddreg [dreg:$0x16];
	[sflag:s17] =	ssyncadd.s32 $0xFFFFFF80  }
0xad: {  	[spmem:s3] =	stream.linear.scatter [tilespmem:s4], [sflag:$0x5], $0x80, $0x38;
	[tilespmem:$0x1D880] =	vst v63  }
0xae: {  	_ =	swait.ge [sflag:s17], $0x80  }
0xaf: {  	[sflag:s17] =	ssyncset.done $0x0  }
0xb0: {  	s13 =	simm.s32 $0x14480;
	s10 =	rddreg [dreg:$0x17];
	[sflag:s17] =	ssyncadd.s32 $0xFFFFFF80  }
0xb1: {  	[spmem:s10] =	stream.linear.scatter [tilespmem:s13], [sflag:$0x5], $0x80, $0x38;
	[tilespmem:$0x1D880] =	vst v63  }
0xb2: {  	_ =	swait.ge [sflag:s17], $0x80  }
0xb3: {  	[sflag:s17] =	ssyncset.done $0x0  }
0xb4: {  	s31 =	simm.s32 $0x14500;
	s15 =	rddreg [dreg:$0x18];
	[sflag:s17] =	ssyncadd.s32 $0xFFFFFF80  }
0xb5: {  	[spmem:s15] =	stream.linear.scatter [tilespmem:s31], [sflag:$0x5], $0x80, $0x38;
	[tilespmem:$0x1D880] =	vst v63  }
0xb6: {  	_ =	swait.ge [sflag:s17], $0x80  }
0xb7: {  	[sflag:s17] =	ssyncset.done $0x0  }
0xb8: {  	[sflag:s17] =	ssyncadd.s32 $0xFFFFFF80  }
.LBB2_5:
0xb9: {  	s1 =	simm.s32 $0x0;
	s3 =	simm.s32 $0x200  }
.LBB2_6:
0xba: {  	p1 =	sne.s32 s3, $0x3000;
	[tilespmem:s1+$0x19CF0] =	vst v8  }
0xbb: {  	[tilespmem:s1+$0x19C80] =	vst v8  }
0xbc: {  	[tilespmem:s1+$0x19C90] =	vst v8  }
.Ltmp2:
0xbd: {  	[tilespmem:s1+$0x19CA0] =	vst v8;
	(pc) =	sbr.rel @p1 .LBB2_6-.Ltmp2, $4  }
0xbe: {  	[tilespmem:s1+$0x19CB0] =	vst v8  }
0xbf: {  	[tilespmem:s1+$0x19CC0] =	vst v8  }
0xc0: {  	[tilespmem:s1+$0x19CD0] =	vst v8  }
0xc1: {  	[tilespmem:s1+$0x19CE0] =	vst v8;
	s1 =	sshra.s32 s3, $0x2;
	s3 =	sadd.s32 $0x200, s3  }
0xc2: {  	[tilespmem:s1+$0x19CF0] =	vst v8  }
0xc3: {  	[tilespmem:s1+$0x19C80] =	vst v8  }
0xc4: {  	[tilespmem:s1+$0x19C90] =	vst v8  }
0xc5: {  	[tilespmem:s1+$0x19CA0] =	vst v8  }
0xc6: {  	[tilespmem:s1+$0x19CB0] =	vst v8  }
0xc7: {  	[tilespmem:s1+$0x19CC0] =	vst v8  }
0xc8: {  	[tilespmem:s1+$0x19CD0] =	vst v8  }
0xc9: {  	[tilespmem:s1+$0x19CE0] =	vst v8;
	s31 =	sadd.s32 $0x0, s22  }
0xca: {  	[spmem:s31] =	stream.linear.scatter [tilespmem:s18], [sflag:$0x5], $0xC80, $0x38;
	[tilespmem:$0x1D880] =	vst v63  }
0xcb: {  	s1 =	simm.s32 $0x3200;
	_ =	swait.ge [sflag:s17], $0xC80  }
.LBB2_8:
0xcc: {  	s3 =	sshra.s32 s1, $0x2;
	[sflag:s17] =	ssyncset.done $0x0;
	p1 =	sne.s32 s1, $0x4B000  }
.Ltmp3:
0xcd: {  	s3 =	sadd.s32 s3, s22;
	[sflag:s17] =	ssyncadd.s32 $0xFFFFF380;
	(pc) =	sbr.rel @p1 .LBB2_8-.Ltmp3, $3  }
0xce: {  	[spmem:s3] =	stream.linear.scatter [tilespmem:s18], [sflag:$0x5], $0xC80, $0x38;
	[tilespmem:$0x1D880] =	vst v63  }
0xcf: {  	s1 =	sadd.s32 $0x3200, s1;
	_ =	sdelay $0x1  }
0xd0: {  	_ =	swait.ge [sflag:s17], $0xC80  }
0xd1: {  	[sflag:s17] =	ssyncset.done $0x0  }
0xd2: {  	[sflag:s17] =	ssyncadd.s32 $0xFFFFF380  }
0xd3: {  	s3 =	simm.s32 $0x0;
	s15 =	simm.s32 $0x0;
	[bflag:$0x0] =	sbarrier.arrive $0xFFFF  }
.LBB2_10:
0xd4: {  	p1 =	seq.s32 s15, $0x0  }
0xd5: {  	s1 =	simm.s32 @!p1 $0x3  }
0xd6: {  	_ =	swait.ge @!p1 [sflag:s1], $0x1400  }
0xd7: {  	s4 =	smul.u32 $0x50, s15;
	[sflag:s1] =	ssyncset.done @!p1 $0x0  }
0xd8: {  	[sflag:s1] =	ssyncadd.s32 @!p1 $0xFFFFEC00;
	s1 =	simm.s32 @!p1 $0x4  }
0xd9: {  	s4 =	sadd.s32 s12, s4;
	_ =	swait.ge @!p1 [sflag:s1], $0x1400  }
0xda: {  	s10 =	sshrl.u32 s4, $0x3;
	[sflag:s1] =	ssyncset.done @!p1 $0x0  }
0xdb: {  	s13 =	sadd.s32 s8, s10;
	[sflag:s1] =	ssyncadd.s32 @!p1 $0xFFFFEC00  }
0xdc: {  	[tilespmem:s19], [sflag:$0x5] =	stream.linear.gather [hbm4b:s13+s3], $0x28, $0x38;
	[tilespmem:$0x1D880] =	vst v63  }
0xdd: {  	_ =	swait.ge [sflag:s17], $0x28  }
0xde: {  	[sflag:s17] =	ssyncset.done $0x0  }
0xdf: {  	s13 =	sadd.s32 s9, s10;
	[sflag:s17] =	ssyncadd.s32 $0xFFFFFFD8  }
0xe0: {  	[tilespmem:s20], [sflag:$0x5] =	stream.linear.gather [hbm4b:s13+s3], $0x28, $0x38;
	[tilespmem:$0x1D880] =	vst v63  }
0xe1: {  	_ =	swait.ge [sflag:s17], $0x28  }
0xe2: {  	[sflag:s17] =	ssyncset.done $0x0  }
0xe3: {  	s13 =	sadd.s32 s2, s10;
	[sflag:s17] =	ssyncadd.s32 $0xFFFFFFD8  }
0xe4: {  	[tilespmem:s21], [sflag:$0x5] =	stream.linear.gather [hbm4b:s13+s3], $0x28, $0x38;
	[tilespmem:$0x1D880] =	vst v63  }
0xe5: {  	_ =	swait.ge [sflag:s17], $0x28  }
0xe6: {  	[sflag:s17] =	ssyncset.done $0x0  }
0xe7: {  	[sflag:s17] =	ssyncadd.s32 $0xFFFFFFD8  }
0xe8: {  	[tilespmem:s24], [sflag:$0x2] =	stream.indirect.gather [spmem:s6], $0x80, s21, s23, $0xb8;
	[tilespmem:$0x1D880] =	vst v63  }
0xe9: {  	_ = 	snop  }
0xea: {  	[tilespmem:s25], [sflag:$0x1] =	stream.indirect.gather [hbm4b:s0+s23], $0x80, s19, s23, $0xb8;
	[tilespmem:$0x1D880] =	vst v63  }
0xeb: {  	_ =	swait.ge [sflag:s26], $0x1400  }
0xec: {  	[sflag:s26] =	ssyncset.done $0x0  }
0xed: {  	[sflag:s26] =	ssyncadd.s32 $0xFFFFEC00  }
0xee: {  	_ =	swait.ge [sflag:s28], $0x1400  }
0xef: {  	[sflag:s28] =	ssyncset.done $0x0  }
0xf0: {  	s10 =	simm.s32 $0x0;
	[sflag:s28] =	ssyncadd.s32 $0xFFFFEC00  }
0xf1: {  	v13 =	vld.idx.msk [tilespmem:v1+s10+$0xFFFFFF00 ss:$0x1], $0xffff  }
0xf2: {  	v14 =	vld [tilespmem:s10+$0x15B00];
	_ =	sdelay $0x4  }
0xf3: {  	v13 =	vmul.f32 v14, v13;
	_ =	sdelay $0x1  }
0xf4: {  	v14 =	vld [tilespmem:s10+$0x15B10];
	[tilespmem:s10+$0x16F00] =	vst v13  }
0xf5: {  	v13 =	vld.idx.msk [tilespmem:v1+s10+$0xFFFFFF10 ss:$0x1], $0xffff;
	_ =	sdelay $0x4  }
0xf6: {  	v13 =	vmul.f32 v14, v13;
	_ =	sdelay $0x1  }
0xf7: {  	v14 =	vld [tilespmem:s10+$0x15B20];
	[tilespmem:s10+$0x16F10] =	vst v13  }
0xf8: {  	v13 =	vld.idx.msk [tilespmem:v1+s10+$0xFFFFFF20 ss:$0x1], $0xffff;
	_ =	sdelay $0x4  }
0xf9: {  	v13 =	vmul.f32 v14, v13  }
0xfa: {  	v15 =	vld [tilespmem:s10+$0x15B30]  }
0xfb: {  	v16 =	vld [tilespmem:s10+$0x15B40];
	[tilespmem:s10+$0x16F20] =	vst v13  }
0xfc: {  	v14 =	vld.idx.msk [tilespmem:v1+s10+$0xFFFFFF30 ss:$0x1], $0xffff  }
0xfd: {  	v13 =	vld [tilespmem:s10+$0x15B50];
	_ =	sdelay $0x3  }
0xfe: {  	[tilespmem:s10+$0x16F40] =	vst v16;
	v14 =	vmul.f32 v15, v14  }
0xff: {  	[tilespmem:s10+$0x16F50] =	vst v13  }
0x100: {  	[tilespmem:s10+$0x16F30] =	vst v14;
	v14 =	vld [tilespmem:s10+$0x15B80]  }
0x101: {  	v13 =	vld.idx.msk [tilespmem:v1+s10+$0xFFFFFF80 ss:$0x1], $0xffff;
	_ =	sdelay $0x4  }
0x102: {  	v13 =	vmul.f32 v14, v13;
	_ =	sdelay $0x1  }
0x103: {  	v14 =	vld [tilespmem:s10+$0x15B90];
	[tilespmem:s10+$0x16F80] =	vst v13  }
0x104: {  	v13 =	vld.idx.msk [tilespmem:v1+s10+$0xFFFFFF90 ss:$0x1], $0xffff;
	_ =	sdelay $0x4  }
0x105: {  	v13 =	vmul.f32 v14, v13;
	_ =	sdelay $0x1  }
0x106: {  	v14 =	vld [tilespmem:s10+$0x15BA0];
	[tilespmem:s10+$0x16F90] =	vst v13  }
0x107: {  	v13 =	vld.idx.msk [tilespmem:v1+s10+$0xFFFFFFA0 ss:$0x1], $0xffff;
	_ =	sdelay $0x4  }
0x108: {  	v13 =	vmul.f32 v14, v13  }
0x109: {  	v61 =	vld [tilespmem:s10+$0x15BB0]  }
0x10a: {  	v15 =	vld [tilespmem:s10+$0x15BC0];
	[tilespmem:s10+$0x16FA0] =	vst v13  }
0x10b: {  	v13 =	vld.idx.msk [tilespmem:v1+s10+$0xFFFFFFB0 ss:$0x1], $0xffff  }
0x10c: {  	v14 =	vld [tilespmem:s10+$0x15BD0];
	_ =	sdelay $0x3  }
0x10d: {  	[tilespmem:s10+$0x16FC0] =	vst v15;
	v13 =	vmul.f32 v61, v13  }
0x10e: {  	[tilespmem:s10+$0x16FD0] =	vst v14  }
0x10f: {  	v14 =	vld [tilespmem:s10+$0x15C00];
	[tilespmem:s10+$0x16FB0] =	vst v13  }
0x110: {  	v13 =	vld.idx.msk [tilespmem:v1+s10+$0x0 ss:$0x1], $0xffff;
	_ =	sdelay $0x4  }
0x111: {  	v13 =	vmul.f32 v14, v13;
	_ =	sdelay $0x1  }
0x112: {  	v14 =	vld [tilespmem:s10+$0x15C10];
	[tilespmem:s10+$0x17000] =	vst v13  }
0x113: {  	v13 =	vld.idx.msk [tilespmem:v1+s10+$0x10 ss:$0x1], $0xffff;
	_ =	sdelay $0x4  }
0x114: {  	v13 =	vmul.f32 v14, v13;
	_ =	sdelay $0x1  }
0x115: {  	v14 =	vld [tilespmem:s10+$0x15C20];
	[tilespmem:s10+$0x17010] =	vst v13  }
0x116: {  	v13 =	vld.idx.msk [tilespmem:v1+s10+$0x20 ss:$0x1], $0xffff;
	_ =	sdelay $0x4  }
0x117: {  	v13 =	vmul.f32 v14, v13  }
0x118: {  	v62 =	vld [tilespmem:s10+$0x15C30]  }
0x119: {  	v15 =	vld [tilespmem:s10+$0x15C40];
	[tilespmem:s10+$0x17020] =	vst v13  }
0x11a: {  	v13 =	vld.idx.msk [tilespmem:v1+s10+$0x30 ss:$0x1], $0xffff  }
0x11b: {  	v14 =	vld [tilespmem:s10+$0x15C50];
	_ =	sdelay $0x3  }
0x11c: {  	[tilespmem:s10+$0x17040] =	vst v15;
	v13 =	vmul.f32 v62, v13  }
0x11d: {  	[tilespmem:s10+$0x17050] =	vst v14  }
0x11e: {  	v14 =	vld [tilespmem:s10+$0x15C80];
	[tilespmem:s10+$0x17030] =	vst v13  }
0x11f: {  	v13 =	vld.idx.msk [tilespmem:v1+s10+$0x80 ss:$0x1], $0xffff;
	_ =	sdelay $0x4  }
0x120: {  	v13 =	vmul.f32 v14, v13;
	_ =	sdelay $0x1  }
0x121: {  	v14 =	vld [tilespmem:s10+$0x15C90];
	[tilespmem:s10+$0x17080] =	vst v13  }
0x122: {  	v13 =	vld.idx.msk [tilespmem:v1+s10+$0x90 ss:$0x1], $0xffff;
	_ =	sdelay $0x4  }
0x123: {  	v13 =	vmul.f32 v14, v13;
	_ =	sdelay $0x1  }
0x124: {  	v14 =	vld [tilespmem:s10+$0x15CA0];
	[tilespmem:s10+$0x17090] =	vst v13  }
0x125: {  	v13 =	vld.idx.msk [tilespmem:v1+s10+$0xA0 ss:$0x1], $0xffff;
	_ =	sdelay $0x4  }
0x126: {  	v63 =	vld [tilespmem:s10+$0x15CB0];
	v13 =	vmul.f32 v14, v13  }
0x127: {  	v15 =	vld [tilespmem:s10+$0x15CC0]  }
0x128: {  	v14 =	vld [tilespmem:s10+$0x15CD0];
	[tilespmem:s10+$0x170A0] =	vst v13  }
0x129: {  	v13 =	vld.idx.msk [tilespmem:v1+s10+$0xB0 ss:$0x1], $0xffff;
	_ =	sdelay $0x3  }
0x12a: {  	[tilespmem:s10+$0x170C0] =	vst v15  }
0x12b: {  	s31 =	simm.s32 $0x1000;
	s13 =	simm.s32 $0x800;
	[tilespmem:s10+$0x170D0] =	vst v14;
	v13 =	vmul.f32 v63, v13  }
.LBB2_11:
0x12c: {  	p1 =	sne.s32 s31, $0x4800  }
0x12d: {  	[tilespmem:s10+$0x170B0] =	vst v13;
	s10 =	sshra.s32 s13, $0x2;
	s13 =	smov.u32 s31;
	s31 =	sadd.s32 $0x800, s31  }
0x12e: {  	v13 =	vld.idx.msk [tilespmem:v1+s10+$0xFFFFFF00 ss:$0x1], $0xffff  }
0x12f: {  	v14 =	vld [tilespmem:s10+$0x15B00];
	_ =	sdelay $0x4  }
0x130: {  	v13 =	vmul.f32 v14, v13;
	_ =	sdelay $0x1  }
0x131: {  	[tilespmem:s10+$0x16F00] =	vst v13  }
0x132: {  	v13 =	vld.idx.msk [tilespmem:v1+s10+$0xFFFFFF10 ss:$0x1], $0xffff  }
0x133: {  	v14 =	vld [tilespmem:s10+$0x15B10];
	_ =	sdelay $0x4  }
0x134: {  	v13 =	vmul.f32 v14, v13;
	_ =	sdelay $0x1  }
0x135: {  	[tilespmem:s10+$0x16F10] =	vst v13  }
0x136: {  	v13 =	vld.idx.msk [tilespmem:v1+s10+$0xFFFFFF20 ss:$0x1], $0xffff  }
0x137: {  	v14 =	vld [tilespmem:s10+$0x15B20];
	_ =	sdelay $0x4  }
0x138: {  	v13 =	vmul.f32 v14, v13;
	_ =	sdelay $0x1  }
0x139: {  	[tilespmem:s10+$0x16F20] =	vst v13;
	v13 =	vld [tilespmem:s10+$0x15B50]  }
0x13a: {  	v14 =	vld.idx.msk [tilespmem:v1+s10+$0xFFFFFF30 ss:$0x1], $0xffff  }
0x13b: {  	v15 =	vld [tilespmem:s10+$0x15B30]  }
0x13c: {  	v16 =	vld [tilespmem:s10+$0x15B40];
	_ =	sdelay $0x3  }
0x13d: {  	v14 =	vmul.f32 v15, v14;
	[tilespmem:s10+$0x16F50] =	vst v13  }
0x13e: {  	[tilespmem:s10+$0x16F40] =	vst v16  }
0x13f: {  	[tilespmem:s10+$0x16F30] =	vst v14  }
0x140: {  	v13 =	vld.idx.msk [tilespmem:v1+s10+$0xFFFFFF80 ss:$0x1], $0xffff  }
0x141: {  	v14 =	vld [tilespmem:s10+$0x15B80];
	_ =	sdelay $0x4  }
0x142: {  	v13 =	vmul.f32 v14, v13;
	_ =	sdelay $0x1  }
0x143: {  	[tilespmem:s10+$0x16F80] =	vst v13  }
0x144: {  	v13 =	vld.idx.msk [tilespmem:v1+s10+$0xFFFFFF90 ss:$0x1], $0xffff  }
0x145: {  	v14 =	vld [tilespmem:s10+$0x15B90];
	_ =	sdelay $0x4  }
0x146: {  	v13 =	vmul.f32 v14, v13;
	_ =	sdelay $0x1  }
0x147: {  	[tilespmem:s10+$0x16F90] =	vst v13  }
0x148: {  	v13 =	vld.idx.msk [tilespmem:v1+s10+$0xFFFFFFA0 ss:$0x1], $0xffff  }
0x149: {  	v14 =	vld [tilespmem:s10+$0x15BA0];
	_ =	sdelay $0x3  }
0x14a: {  	v15 =	vld [tilespmem:s10+$0x15BC0]  }
0x14b: {  	v13 =	vmul.f32 v14, v13;
	v14 =	vld [tilespmem:s10+$0x15BD0];
	_ =	sdelay $0x1  }
0x14c: {  	[tilespmem:s10+$0x16FA0] =	vst v13  }
0x14d: {  	v13 =	vld.idx.msk [tilespmem:v1+s10+$0xFFFFFFB0 ss:$0x1], $0xffff  }
0x14e: {  	v16 =	vld [tilespmem:s10+$0x15BB0];
	[tilespmem:s10+$0x16FC0] =	vst v15  }
0x14f: {  	[tilespmem:s10+$0x16FD0] =	vst v14;
	_ =	sdelay $0x3  }
0x150: {  	v13 =	vmul.f32 v16, v13;
	_ =	sdelay $0x1  }
0x151: {  	[tilespmem:s10+$0x16FB0] =	vst v13  }
0x152: {  	v13 =	vld.idx.msk [tilespmem:v1+s10+$0x0 ss:$0x1], $0xffff  }
0x153: {  	v14 =	vld [tilespmem:s10+$0x15C00];
	_ =	sdelay $0x4  }
0x154: {  	v13 =	vmul.f32 v14, v13;
	_ =	sdelay $0x1  }
0x155: {  	[tilespmem:s10+$0x17000] =	vst v13  }
0x156: {  	v13 =	vld.idx.msk [tilespmem:v1+s10+$0x10 ss:$0x1], $0xffff  }
0x157: {  	v14 =	vld [tilespmem:s10+$0x15C10];
	_ =	sdelay $0x4  }
0x158: {  	v13 =	vmul.f32 v14, v13;
	_ =	sdelay $0x1  }
0x159: {  	[tilespmem:s10+$0x17010] =	vst v13  }
0x15a: {  	v13 =	vld.idx.msk [tilespmem:v1+s10+$0x20 ss:$0x1], $0xffff  }
0x15b: {  	v14 =	vld [tilespmem:s10+$0x15C20];
	_ =	sdelay $0x3  }
0x15c: {  	v15 =	vld [tilespmem:s10+$0x15C40]  }
0x15d: {  	v13 =	vmul.f32 v14, v13;
	v14 =	vld [tilespmem:s10+$0x15C50];
	_ =	sdelay $0x1  }
0x15e: {  	[tilespmem:s10+$0x17020] =	vst v13  }
0x15f: {  	v13 =	vld.idx.msk [tilespmem:v1+s10+$0x30 ss:$0x1], $0xffff  }
0x160: {  	v16 =	vld [tilespmem:s10+$0x15C30];
	[tilespmem:s10+$0x17040] =	vst v15  }
0x161: {  	[tilespmem:s10+$0x17050] =	vst v14;
	_ =	sdelay $0x3  }
0x162: {  	v13 =	vmul.f32 v16, v13;
	_ =	sdelay $0x1  }
0x163: {  	[tilespmem:s10+$0x17030] =	vst v13  }
0x164: {  	v13 =	vld.idx.msk [tilespmem:v1+s10+$0x80 ss:$0x1], $0xffff  }
0x165: {  	v14 =	vld [tilespmem:s10+$0x15C80];
	_ =	sdelay $0x4  }
0x166: {  	v13 =	vmul.f32 v14, v13;
	_ =	sdelay $0x1  }
0x167: {  	[tilespmem:s10+$0x17080] =	vst v13  }
0x168: {  	v13 =	vld.idx.msk [tilespmem:v1+s10+$0x90 ss:$0x1], $0xffff  }
0x169: {  	v14 =	vld [tilespmem:s10+$0x15C90];
	_ =	sdelay $0x4  }
0x16a: {  	v13 =	vmul.f32 v14, v13;
	_ =	sdelay $0x1  }
0x16b: {  	[tilespmem:s10+$0x17090] =	vst v13  }
0x16c: {  	v13 =	vld.idx.msk [tilespmem:v1+s10+$0xA0 ss:$0x1], $0xffff  }
0x16d: {  	v14 =	vld [tilespmem:s10+$0x15CA0];
	_ =	sdelay $0x3  }
0x16e: {  	v15 =	vld [tilespmem:s10+$0x15CC0]  }
0x16f: {  	v13 =	vmul.f32 v14, v13;
	v14 =	vld [tilespmem:s10+$0x15CD0];
	_ =	sdelay $0x1  }
0x170: {  	[tilespmem:s10+$0x170A0] =	vst v13  }
0x171: {  	v13 =	vld.idx.msk [tilespmem:v1+s10+$0xB0 ss:$0x1], $0xffff  }
0x172: {  	v16 =	vld [tilespmem:s10+$0x15CB0];
	[tilespmem:s10+$0x170C0] =	vst v15  }
.Ltmp4:
0x173: {  	[tilespmem:s10+$0x170D0] =	vst v14;
	(pc) =	sbr.rel @p1 .LBB2_11-.Ltmp4, $2  }
0x174: {  	_ =	sdelay $0x2  }
0x175: {  	v13 =	vmul.f32 v16, v13  }
0x176: {  	_ =	sdelay $0x2  }
0x177: {  	s1 =	sshra.s32 s13, $0x2;
	[tilespmem:s10+$0x170B0] =	vst v13  }
0x178: {  	v13 =	vld.idx.msk [tilespmem:v1+s1+$0xFFFFFF00 ss:$0x1], $0xffff  }
0x179: {  	v14 =	vld [tilespmem:s1+$0x15B00];
	_ =	sdelay $0x4  }
0x17a: {  	v13 =	vmul.f32 v14, v13;
	_ =	sdelay $0x1  }
0x17b: {  	v14 =	vld [tilespmem:s1+$0x15B10];
	[tilespmem:s1+$0x16F00] =	vst v13  }
0x17c: {  	v13 =	vld.idx.msk [tilespmem:v1+s1+$0xFFFFFF10 ss:$0x1], $0xffff;
	_ =	sdelay $0x4  }
0x17d: {  	v13 =	vmul.f32 v14, v13;
	_ =	sdelay $0x1  }
0x17e: {  	v14 =	vld [tilespmem:s1+$0x15B20];
	[tilespmem:s1+$0x16F10] =	vst v13  }
0x17f: {  	v13 =	vld.idx.msk [tilespmem:v1+s1+$0xFFFFFF20 ss:$0x1], $0xffff;
	_ =	sdelay $0x4  }
0x180: {  	v13 =	vmul.f32 v14, v13  }
0x181: {  	v15 =	vld [tilespmem:s1+$0x15B30]  }
0x182: {  	v16 =	vld [tilespmem:s1+$0x15B40];
	[tilespmem:s1+$0x16F20] =	vst v13  }
0x183: {  	v14 =	vld.idx.msk [tilespmem:v1+s1+$0xFFFFFF30 ss:$0x1], $0xffff  }
0x184: {  	v13 =	vld [tilespmem:s1+$0x15B50];
	_ =	sdelay $0x3  }
0x185: {  	[tilespmem:s1+$0x16F40] =	vst v16;
	v14 =	vmul.f32 v15, v14  }
0x186: {  	[tilespmem:s1+$0x16F50] =	vst v13  }
0x187: {  	[tilespmem:s1+$0x16F30] =	vst v14;
	v14 =	vld [tilespmem:s1+$0x15B80]  }
0x188: {  	v13 =	vld.idx.msk [tilespmem:v1+s1+$0xFFFFFF80 ss:$0x1], $0xffff;
	_ =	sdelay $0x4  }
0x189: {  	v13 =	vmul.f32 v14, v13;
	_ =	sdelay $0x1  }
0x18a: {  	v14 =	vld [tilespmem:s1+$0x15B90];
	[tilespmem:s1+$0x16F80] =	vst v13  }
0x18b: {  	v13 =	vld.idx.msk [tilespmem:v1+s1+$0xFFFFFF90 ss:$0x1], $0xffff;
	_ =	sdelay $0x4  }
0x18c: {  	v13 =	vmul.f32 v14, v13;
	_ =	sdelay $0x1  }
0x18d: {  	v14 =	vld [tilespmem:s1+$0x15BA0];
	[tilespmem:s1+$0x16F90] =	vst v13  }
0x18e: {  	v13 =	vld.idx.msk [tilespmem:v1+s1+$0xFFFFFFA0 ss:$0x1], $0xffff;
	_ =	sdelay $0x4  }
0x18f: {  	v13 =	vmul.f32 v14, v13  }
0x190: {  	v57 =	vld [tilespmem:s1+$0x15BD0]  }
0x191: {  	v15 =	vld [tilespmem:s1+$0x15BB0];
	[tilespmem:s1+$0x16FA0] =	vst v13  }
0x192: {  	v13 =	vld.idx.msk [tilespmem:v1+s1+$0xFFFFFFB0 ss:$0x1], $0xffff  }
0x193: {  	v14 =	vld [tilespmem:s1+$0x15BC0];
	_ =	sdelay $0x3  }
0x194: {  	[tilespmem:s1+$0x16FD0] =	vst v57;
	v13 =	vmul.f32 v15, v13  }
0x195: {  	[tilespmem:s1+$0x16FC0] =	vst v14  }
0x196: {  	v14 =	vld [tilespmem:s1+$0x15C00];
	[tilespmem:s1+$0x16FB0] =	vst v13  }
0x197: {  	v13 =	vld.idx.msk [tilespmem:v1+s1+$0x0 ss:$0x1], $0xffff;
	_ =	sdelay $0x4  }
0x198: {  	v13 =	vmul.f32 v14, v13;
	_ =	sdelay $0x1  }
0x199: {  	v14 =	vld [tilespmem:s1+$0x15C10];
	[tilespmem:s1+$0x17000] =	vst v13  }
0x19a: {  	v13 =	vld.idx.msk [tilespmem:v1+s1+$0x10 ss:$0x1], $0xffff;
	_ =	sdelay $0x4  }
0x19b: {  	v13 =	vmul.f32 v14, v13;
	_ =	sdelay $0x1  }
0x19c: {  	v14 =	vld [tilespmem:s1+$0x15C20];
	[tilespmem:s1+$0x17010] =	vst v13  }
0x19d: {  	v13 =	vld.idx.msk [tilespmem:v1+s1+$0x20 ss:$0x1], $0xffff;
	_ =	sdelay $0x4  }
0x19e: {  	v13 =	vmul.f32 v14, v13  }
0x19f: {  	v58 =	vld [tilespmem:s1+$0x15C50]  }
0x1a0: {  	v15 =	vld [tilespmem:s1+$0x15C30];
	[tilespmem:s1+$0x17020] =	vst v13  }
0x1a1: {  	v13 =	vld.idx.msk [tilespmem:v1+s1+$0x30 ss:$0x1], $0xffff  }
0x1a2: {  	v14 =	vld [tilespmem:s1+$0x15C40];
	_ =	sdelay $0x3  }
0x1a3: {  	[tilespmem:s1+$0x17050] =	vst v58;
	v13 =	vmul.f32 v15, v13  }
0x1a4: {  	[tilespmem:s1+$0x17040] =	vst v14  }
0x1a5: {  	v14 =	vld [tilespmem:s1+$0x15C80];
	[tilespmem:s1+$0x17030] =	vst v13  }
0x1a6: {  	v13 =	vld.idx.msk [tilespmem:v1+s1+$0x80 ss:$0x1], $0xffff;
	_ =	sdelay $0x4  }
0x1a7: {  	v13 =	vmul.f32 v14, v13;
	_ =	sdelay $0x1  }
0x1a8: {  	v14 =	vld [tilespmem:s1+$0x15C90];
	[tilespmem:s1+$0x17080] =	vst v13  }
0x1a9: {  	v13 =	vld.idx.msk [tilespmem:v1+s1+$0x90 ss:$0x1], $0xffff;
	_ =	sdelay $0x4  }
0x1aa: {  	v13 =	vmul.f32 v14, v13;
	_ =	sdelay $0x1  }
0x1ab: {  	v14 =	vld [tilespmem:s1+$0x15CA0];
	[tilespmem:s1+$0x17090] =	vst v13  }
0x1ac: {  	v13 =	vld.idx.msk [tilespmem:v1+s1+$0xA0 ss:$0x1], $0xffff;
	_ =	sdelay $0x4  }
0x1ad: {  	v13 =	vmul.f32 v14, v13  }
0x1ae: {  	v59 =	vld [tilespmem:s1+$0x15CD0]  }
0x1af: {  	v15 =	vld [tilespmem:s1+$0x15CB0];
	[tilespmem:s1+$0x170A0] =	vst v13  }
0x1b0: {  	v13 =	vld.idx.msk [tilespmem:v1+s1+$0xB0 ss:$0x1], $0xffff  }
0x1b1: {  	v14 =	vld [tilespmem:s1+$0x15CC0];
	_ =	sdelay $0x3  }
0x1b2: {  	[tilespmem:s1+$0x170D0] =	vst v59;
	v13 =	vmul.f32 v15, v13  }
0x1b3: {  	s4 =	sadd.s32 $0x28, s4;
	[tilespmem:s1+$0x170C0] =	vst v14  }
0x1b4: {  	[tilespmem:s1+$0x170B0] =	vst v13;
	s1 =	sshrl.u32 s4, $0x3  }
0x1b5: {  	[spmem:s5] =	stream.indirect.scatter.add.f32 [tilespmem:s29], [sflag:$0x3], $0x80, s20, s23, $0xb8;
	[tilespmem:$0x1D880] =	vst v63  }
0x1b6: {  	s13 =	simm.s32 $0x0;
	s10 =	sadd.s32 s8, s1  }
0x1b7: {  	[tilespmem:s19], [sflag:$0x5] =	stream.linear.gather [hbm4b:s10+s13], $0x28, $0x38;
	[tilespmem:$0x1D880] =	vst v63  }
0x1b8: {  	_ =	swait.ge [sflag:s17], $0x28  }
0x1b9: {  	[sflag:s17] =	ssyncset.done $0x0  }
0x1ba: {  	s31 =	sadd.s32 s9, s1;
	[sflag:s17] =	ssyncadd.s32 $0xFFFFFFD8  }
0x1bb: {  	[tilespmem:s30], [sflag:$0x5] =	stream.linear.gather [hbm4b:s31+s13], $0x28, $0x38;
	[tilespmem:$0x1D880] =	vst v63  }
0x1bc: {  	_ =	swait.ge [sflag:s17], $0x28  }
0x1bd: {  	[sflag:s17] =	ssyncset.done $0x0  }
0x1be: {  	s1 =	sadd.s32 s2, s1;
	[sflag:s17] =	ssyncadd.s32 $0xFFFFFFD8  }
0x1bf: {  	[tilespmem:s21], [sflag:$0x5] =	stream.linear.gather [hbm4b:s1+s13], $0x28, $0x38;
	[tilespmem:$0x1D880] =	vst v63  }
0x1c0: {  	_ =	swait.ge [sflag:s17], $0x28  }
0x1c1: {  	[sflag:s17] =	ssyncset.done $0x0  }
0x1c2: {  	[sflag:s17] =	ssyncadd.s32 $0xFFFFFFD8  }
0x1c3: {  	[tilespmem:s24], [sflag:$0x2] =	stream.indirect.gather [spmem:s6], $0x80, s21, s23, $0xb8;
	[tilespmem:$0x1D880] =	vst v63  }
0x1c4: {  	_ = 	snop  }
0x1c5: {  	[tilespmem:s25], [sflag:$0x1] =	stream.indirect.gather [hbm4b:s0+s23], $0x80, s19, s23, $0xb8;
	[tilespmem:$0x1D880] =	vst v63  }
0x1c6: {  	_ =	swait.ge [sflag:s26], $0x1400  }
0x1c7: {  	[sflag:s26] =	ssyncset.done $0x0  }
0x1c8: {  	[sflag:s26] =	ssyncadd.s32 $0xFFFFEC00  }
0x1c9: {  	_ =	swait.ge [sflag:s28], $0x1400  }
0x1ca: {  	[sflag:s28] =	ssyncset.done $0x0  }
0x1cb: {  	s4 =	simm.s32 $0x0;
	[sflag:s28] =	ssyncadd.s32 $0xFFFFEC00  }
0x1cc: {  	v13 =	vld.idx.msk [tilespmem:v1+s4+$0xFFFFFF00 ss:$0x1], $0xffff  }
0x1cd: {  	v14 =	vld [tilespmem:s4+$0x15B00];
	_ =	sdelay $0x4  }
0x1ce: {  	v13 =	vmul.f32 v14, v13;
	_ =	sdelay $0x1  }
0x1cf: {  	v14 =	vld [tilespmem:s4+$0x15B10];
	[tilespmem:s4+$0x18380] =	vst v13  }
0x1d0: {  	v13 =	vld.idx.msk [tilespmem:v1+s4+$0xFFFFFF10 ss:$0x1], $0xffff;
	_ =	sdelay $0x4  }
0x1d1: {  	v13 =	vmul.f32 v14, v13;
	_ =	sdelay $0x1  }
0x1d2: {  	v14 =	vld [tilespmem:s4+$0x15B20];
	[tilespmem:s4+$0x18390] =	vst v13  }
0x1d3: {  	v13 =	vld.idx.msk [tilespmem:v1+s4+$0xFFFFFF20 ss:$0x1], $0xffff;
	_ =	sdelay $0x4  }
0x1d4: {  	v13 =	vmul.f32 v14, v13  }
0x1d5: {  	v15 =	vld [tilespmem:s4+$0x15B30]  }
0x1d6: {  	v60 =	vld [tilespmem:s4+$0x15B40];
	[tilespmem:s4+$0x183A0] =	vst v13  }
0x1d7: {  	v14 =	vld.idx.msk [tilespmem:v1+s4+$0xFFFFFF30 ss:$0x1], $0xffff  }
0x1d8: {  	v13 =	vld [tilespmem:s4+$0x15B50];
	_ =	sdelay $0x3  }
0x1d9: {  	[tilespmem:s4+$0x183C0] =	vst v60;
	v14 =	vmul.f32 v15, v14  }
0x1da: {  	[tilespmem:s4+$0x183D0] =	vst v13  }
0x1db: {  	[tilespmem:s4+$0x183B0] =	vst v14;
	v14 =	vld [tilespmem:s4+$0x15B80]  }
0x1dc: {  	v13 =	vld.idx.msk [tilespmem:v1+s4+$0xFFFFFF80 ss:$0x1], $0xffff;
	_ =	sdelay $0x4  }
0x1dd: {  	v13 =	vmul.f32 v14, v13;
	_ =	sdelay $0x1  }
0x1de: {  	v14 =	vld [tilespmem:s4+$0x15B90];
	[tilespmem:s4+$0x18400] =	vst v13  }
0x1df: {  	v13 =	vld.idx.msk [tilespmem:v1+s4+$0xFFFFFF90 ss:$0x1], $0xffff;
	_ =	sdelay $0x4  }
0x1e0: {  	v13 =	vmul.f32 v14, v13;
	_ =	sdelay $0x1  }
0x1e1: {  	v14 =	vld [tilespmem:s4+$0x15BA0];
	[tilespmem:s4+$0x18410] =	vst v13  }
0x1e2: {  	v13 =	vld.idx.msk [tilespmem:v1+s4+$0xFFFFFFA0 ss:$0x1], $0xffff;
	_ =	sdelay $0x4  }
0x1e3: {  	v13 =	vmul.f32 v14, v13  }
0x1e4: {  	v61 =	vld [tilespmem:s4+$0x15BB0]  }
0x1e5: {  	v15 =	vld [tilespmem:s4+$0x15BC0];
	[tilespmem:s4+$0x18420] =	vst v13  }
0x1e6: {  	v13 =	vld.idx.msk [tilespmem:v1+s4+$0xFFFFFFB0 ss:$0x1], $0xffff  }
0x1e7: {  	v14 =	vld [tilespmem:s4+$0x15BD0];
	_ =	sdelay $0x3  }
0x1e8: {  	[tilespmem:s4+$0x18440] =	vst v15;
	v13 =	vmul.f32 v61, v13  }
0x1e9: {  	[tilespmem:s4+$0x18450] =	vst v14  }
0x1ea: {  	v14 =	vld [tilespmem:s4+$0x15C00];
	[tilespmem:s4+$0x18430] =	vst v13  }
0x1eb: {  	v13 =	vld.idx.msk [tilespmem:v1+s4+$0x0 ss:$0x1], $0xffff;
	_ =	sdelay $0x4  }
0x1ec: {  	v13 =	vmul.f32 v14, v13;
	_ =	sdelay $0x1  }
0x1ed: {  	v14 =	vld [tilespmem:s4+$0x15C10];
	[tilespmem:s4+$0x18480] =	vst v13  }
0x1ee: {  	v13 =	vld.idx.msk [tilespmem:v1+s4+$0x10 ss:$0x1], $0xffff;
	_ =	sdelay $0x4  }
0x1ef: {  	v13 =	vmul.f32 v14, v13;
	_ =	sdelay $0x1  }
0x1f0: {  	v14 =	vld [tilespmem:s4+$0x15C20];
	[tilespmem:s4+$0x18490] =	vst v13  }
0x1f1: {  	v13 =	vld.idx.msk [tilespmem:v1+s4+$0x20 ss:$0x1], $0xffff;
	_ =	sdelay $0x4  }
0x1f2: {  	v13 =	vmul.f32 v14, v13  }
0x1f3: {  	v62 =	vld [tilespmem:s4+$0x15C30]  }
0x1f4: {  	v15 =	vld [tilespmem:s4+$0x15C40];
	[tilespmem:s4+$0x184A0] =	vst v13  }
0x1f5: {  	v13 =	vld.idx.msk [tilespmem:v1+s4+$0x30 ss:$0x1], $0xffff  }
0x1f6: {  	v14 =	vld [tilespmem:s4+$0x15C50];
	_ =	sdelay $0x3  }
0x1f7: {  	[tilespmem:s4+$0x184C0] =	vst v15;
	v13 =	vmul.f32 v62, v13  }
0x1f8: {  	[tilespmem:s4+$0x184D0] =	vst v14  }
0x1f9: {  	v14 =	vld [tilespmem:s4+$0x15C80];
	[tilespmem:s4+$0x184B0] =	vst v13  }
0x1fa: {  	v13 =	vld.idx.msk [tilespmem:v1+s4+$0x80 ss:$0x1], $0xffff;
	_ =	sdelay $0x4  }
0x1fb: {  	v13 =	vmul.f32 v14, v13;
	_ =	sdelay $0x1  }
0x1fc: {  	v14 =	vld [tilespmem:s4+$0x15C90];
	[tilespmem:s4+$0x18500] =	vst v13  }
0x1fd: {  	v13 =	vld.idx.msk [tilespmem:v1+s4+$0x90 ss:$0x1], $0xffff;
	_ =	sdelay $0x4  }
0x1fe: {  	v13 =	vmul.f32 v14, v13;
	_ =	sdelay $0x1  }
0x1ff: {  	v14 =	vld [tilespmem:s4+$0x15CA0];
	[tilespmem:s4+$0x18510] =	vst v13  }
0x200: {  	v13 =	vld.idx.msk [tilespmem:v1+s4+$0xA0 ss:$0x1], $0xffff;
	_ =	sdelay $0x4  }
0x201: {  	v63 =	vld [tilespmem:s4+$0x15CB0];
	v13 =	vmul.f32 v14, v13  }
0x202: {  	v15 =	vld [tilespmem:s4+$0x15CC0]  }
0x203: {  	v14 =	vld [tilespmem:s4+$0x15CD0];
	[tilespmem:s4+$0x18520] =	vst v13  }
0x204: {  	v13 =	vld.idx.msk [tilespmem:v1+s4+$0xB0 ss:$0x1], $0xffff;
	_ =	sdelay $0x3  }
0x205: {  	[tilespmem:s4+$0x18540] =	vst v15  }
0x206: {  	s10 =	simm.s32 $0x800;
	s13 =	simm.s32 $0x1000;
	[tilespmem:s4+$0x18550] =	vst v14;
	v13 =	vmul.f32 v63, v13  }
.LBB2_13:
0x207: {  	p1 =	sne.s32 s13, $0x4800  }
0x208: {  	[tilespmem:s4+$0x18530] =	vst v13;
	s4 =	sshra.s32 s10, $0x2;
	s10 =	smov.u32 s13;
	s13 =	sadd.s32 $0x800, s13  }
0x209: {  	v13 =	vld.idx.msk [tilespmem:v1+s4+$0xFFFFFF00 ss:$0x1], $0xffff  }
0x20a: {  	v14 =	vld [tilespmem:s4+$0x15B00];
	_ =	sdelay $0x4  }
0x20b: {  	v13 =	vmul.f32 v14, v13;
	_ =	sdelay $0x1  }
0x20c: {  	[tilespmem:s4+$0x18380] =	vst v13  }
0x20d: {  	v13 =	vld.idx.msk [tilespmem:v1+s4+$0xFFFFFF10 ss:$0x1], $0xffff  }
0x20e: {  	v14 =	vld [tilespmem:s4+$0x15B10];
	_ =	sdelay $0x4  }
0x20f: {  	v13 =	vmul.f32 v14, v13;
	_ =	sdelay $0x1  }
0x210: {  	[tilespmem:s4+$0x18390] =	vst v13  }
0x211: {  	v13 =	vld.idx.msk [tilespmem:v1+s4+$0xFFFFFF20 ss:$0x1], $0xffff  }
0x212: {  	v14 =	vld [tilespmem:s4+$0x15B20];
	_ =	sdelay $0x4  }
0x213: {  	v13 =	vmul.f32 v14, v13;
	_ =	sdelay $0x1  }
0x214: {  	[tilespmem:s4+$0x183A0] =	vst v13;
	v13 =	vld [tilespmem:s4+$0x15B50]  }
0x215: {  	v14 =	vld.idx.msk [tilespmem:v1+s4+$0xFFFFFF30 ss:$0x1], $0xffff  }
0x216: {  	v15 =	vld [tilespmem:s4+$0x15B30]  }
0x217: {  	v16 =	vld [tilespmem:s4+$0x15B40];
	_ =	sdelay $0x3  }
0x218: {  	v14 =	vmul.f32 v15, v14;
	[tilespmem:s4+$0x183D0] =	vst v13  }
0x219: {  	[tilespmem:s4+$0x183C0] =	vst v16  }
0x21a: {  	[tilespmem:s4+$0x183B0] =	vst v14  }
0x21b: {  	v13 =	vld.idx.msk [tilespmem:v1+s4+$0xFFFFFF80 ss:$0x1], $0xffff  }
0x21c: {  	v14 =	vld [tilespmem:s4+$0x15B80];
	_ =	sdelay $0x4  }
0x21d: {  	v13 =	vmul.f32 v14, v13;
	_ =	sdelay $0x1  }
0x21e: {  	[tilespmem:s4+$0x18400] =	vst v13  }
0x21f: {  	v13 =	vld.idx.msk [tilespmem:v1+s4+$0xFFFFFF90 ss:$0x1], $0xffff  }
0x220: {  	v14 =	vld [tilespmem:s4+$0x15B90];
	_ =	sdelay $0x4  }
0x221: {  	v13 =	vmul.f32 v14, v13;
	_ =	sdelay $0x1  }
0x222: {  	[tilespmem:s4+$0x18410] =	vst v13  }
0x223: {  	v13 =	vld.idx.msk [tilespmem:v1+s4+$0xFFFFFFA0 ss:$0x1], $0xffff  }
0x224: {  	v14 =	vld [tilespmem:s4+$0x15BA0];
	_ =	sdelay $0x3  }
0x225: {  	v15 =	vld [tilespmem:s4+$0x15BC0]  }
0x226: {  	v13 =	vmul.f32 v14, v13;
	v14 =	vld [tilespmem:s4+$0x15BD0];
	_ =	sdelay $0x1  }
0x227: {  	[tilespmem:s4+$0x18420] =	vst v13  }
0x228: {  	v13 =	vld.idx.msk [tilespmem:v1+s4+$0xFFFFFFB0 ss:$0x1], $0xffff  }
0x229: {  	v16 =	vld [tilespmem:s4+$0x15BB0];
	[tilespmem:s4+$0x18440] =	vst v15  }
0x22a: {  	[tilespmem:s4+$0x18450] =	vst v14;
	_ =	sdelay $0x3  }
0x22b: {  	v13 =	vmul.f32 v16, v13;
	_ =	sdelay $0x1  }
0x22c: {  	[tilespmem:s4+$0x18430] =	vst v13  }
0x22d: {  	v13 =	vld.idx.msk [tilespmem:v1+s4+$0x0 ss:$0x1], $0xffff  }
0x22e: {  	v14 =	vld [tilespmem:s4+$0x15C00];
	_ =	sdelay $0x4  }
0x22f: {  	v13 =	vmul.f32 v14, v13;
	_ =	sdelay $0x1  }
0x230: {  	[tilespmem:s4+$0x18480] =	vst v13  }
0x231: {  	v13 =	vld.idx.msk [tilespmem:v1+s4+$0x10 ss:$0x1], $0xffff  }
0x232: {  	v14 =	vld [tilespmem:s4+$0x15C10];
	_ =	sdelay $0x4  }
0x233: {  	v13 =	vmul.f32 v14, v13;
	_ =	sdelay $0x1  }
0x234: {  	[tilespmem:s4+$0x18490] =	vst v13  }
0x235: {  	v13 =	vld.idx.msk [tilespmem:v1+s4+$0x20 ss:$0x1], $0xffff  }
0x236: {  	v14 =	vld [tilespmem:s4+$0x15C20];
	_ =	sdelay $0x3  }
0x237: {  	v15 =	vld [tilespmem:s4+$0x15C40]  }
0x238: {  	v13 =	vmul.f32 v14, v13;
	v14 =	vld [tilespmem:s4+$0x15C50];
	_ =	sdelay $0x1  }
0x239: {  	[tilespmem:s4+$0x184A0] =	vst v13  }
0x23a: {  	v13 =	vld.idx.msk [tilespmem:v1+s4+$0x30 ss:$0x1], $0xffff  }
0x23b: {  	v16 =	vld [tilespmem:s4+$0x15C30];
	[tilespmem:s4+$0x184C0] =	vst v15  }
0x23c: {  	[tilespmem:s4+$0x184D0] =	vst v14;
	_ =	sdelay $0x3  }
0x23d: {  	v13 =	vmul.f32 v16, v13;
	_ =	sdelay $0x1  }
0x23e: {  	[tilespmem:s4+$0x184B0] =	vst v13  }
0x23f: {  	v13 =	vld.idx.msk [tilespmem:v1+s4+$0x80 ss:$0x1], $0xffff  }
0x240: {  	v14 =	vld [tilespmem:s4+$0x15C80];
	_ =	sdelay $0x4  }
0x241: {  	v13 =	vmul.f32 v14, v13;
	_ =	sdelay $0x1  }
0x242: {  	[tilespmem:s4+$0x18500] =	vst v13  }
0x243: {  	v13 =	vld.idx.msk [tilespmem:v1+s4+$0x90 ss:$0x1], $0xffff  }
0x244: {  	v14 =	vld [tilespmem:s4+$0x15C90];
	_ =	sdelay $0x4  }
0x245: {  	v13 =	vmul.f32 v14, v13;
	_ =	sdelay $0x1  }
0x246: {  	[tilespmem:s4+$0x18510] =	vst v13  }
0x247: {  	v13 =	vld.idx.msk [tilespmem:v1+s4+$0xA0 ss:$0x1], $0xffff  }
0x248: {  	v14 =	vld [tilespmem:s4+$0x15CA0];
	_ =	sdelay $0x3  }
0x249: {  	v15 =	vld [tilespmem:s4+$0x15CC0]  }
0x24a: {  	v13 =	vmul.f32 v14, v13;
	v14 =	vld [tilespmem:s4+$0x15CD0];
	_ =	sdelay $0x1  }
0x24b: {  	[tilespmem:s4+$0x18520] =	vst v13  }
0x24c: {  	v13 =	vld.idx.msk [tilespmem:v1+s4+$0xB0 ss:$0x1], $0xffff  }
0x24d: {  	v16 =	vld [tilespmem:s4+$0x15CB0];
	[tilespmem:s4+$0x18540] =	vst v15  }
.Ltmp5:
0x24e: {  	[tilespmem:s4+$0x18550] =	vst v14;
	(pc) =	sbr.rel @p1 .LBB2_13-.Ltmp5, $2  }
0x24f: {  	_ =	sdelay $0x2  }
0x250: {  	v13 =	vmul.f32 v16, v13  }
0x251: {  	_ =	sdelay $0x2  }
0x252: {  	s1 =	sshra.s32 s10, $0x2;
	[tilespmem:s4+$0x18530] =	vst v13  }
0x253: {  	v13 =	vld.idx.msk [tilespmem:v1+s1+$0xFFFFFF00 ss:$0x1], $0xffff  }
0x254: {  	v14 =	vld [tilespmem:s1+$0x15B00];
	_ =	sdelay $0x4  }
0x255: {  	v13 =	vmul.f32 v14, v13;
	_ =	sdelay $0x1  }
0x256: {  	v14 =	vld [tilespmem:s1+$0x15B10];
	[tilespmem:s1+$0x18380] =	vst v13  }
0x257: {  	v13 =	vld.idx.msk [tilespmem:v1+s1+$0xFFFFFF10 ss:$0x1], $0xffff;
	_ =	sdelay $0x4  }
0x258: {  	v13 =	vmul.f32 v14, v13;
	_ =	sdelay $0x1  }
0x259: {  	v14 =	vld [tilespmem:s1+$0x15B20];
	[tilespmem:s1+$0x18390] =	vst v13  }
0x25a: {  	v13 =	vld.idx.msk [tilespmem:v1+s1+$0xFFFFFF20 ss:$0x1], $0xffff;
	_ =	sdelay $0x4  }
0x25b: {  	v13 =	vmul.f32 v14, v13  }
0x25c: {  	v15 =	vld [tilespmem:s1+$0x15B30]  }
0x25d: {  	v16 =	vld [tilespmem:s1+$0x15B40];
	[tilespmem:s1+$0x183A0] =	vst v13  }
0x25e: {  	v14 =	vld.idx.msk [tilespmem:v1+s1+$0xFFFFFF30 ss:$0x1], $0xffff  }
0x25f: {  	v13 =	vld [tilespmem:s1+$0x15B50];
	_ =	sdelay $0x3  }
0x260: {  	[tilespmem:s1+$0x183C0] =	vst v16;
	v14 =	vmul.f32 v15, v14  }
0x261: {  	[tilespmem:s1+$0x183D0] =	vst v13  }
0x262: {  	[tilespmem:s1+$0x183B0] =	vst v14;
	v14 =	vld [tilespmem:s1+$0x15B80]  }
0x263: {  	v13 =	vld.idx.msk [tilespmem:v1+s1+$0xFFFFFF80 ss:$0x1], $0xffff;
	_ =	sdelay $0x4  }
0x264: {  	v13 =	vmul.f32 v14, v13;
	_ =	sdelay $0x1  }
0x265: {  	v14 =	vld [tilespmem:s1+$0x15B90];
	[tilespmem:s1+$0x18400] =	vst v13  }
0x266: {  	v13 =	vld.idx.msk [tilespmem:v1+s1+$0xFFFFFF90 ss:$0x1], $0xffff;
	_ =	sdelay $0x4  }
0x267: {  	v13 =	vmul.f32 v14, v13;
	_ =	sdelay $0x1  }
0x268: {  	v14 =	vld [tilespmem:s1+$0x15BA0];
	[tilespmem:s1+$0x18410] =	vst v13  }
0x269: {  	v13 =	vld.idx.msk [tilespmem:v1+s1+$0xFFFFFFA0 ss:$0x1], $0xffff;
	_ =	sdelay $0x4  }
0x26a: {  	v13 =	vmul.f32 v14, v13  }
0x26b: {  	v61 =	vld [tilespmem:s1+$0x15BD0]  }
0x26c: {  	v15 =	vld [tilespmem:s1+$0x15BB0];
	[tilespmem:s1+$0x18420] =	vst v13  }
0x26d: {  	v13 =	vld.idx.msk [tilespmem:v1+s1+$0xFFFFFFB0 ss:$0x1], $0xffff  }
0x26e: {  	v14 =	vld [tilespmem:s1+$0x15BC0];
	_ =	sdelay $0x3  }
0x26f: {  	[tilespmem:s1+$0x18450] =	vst v61;
	v13 =	vmul.f32 v15, v13  }
0x270: {  	[tilespmem:s1+$0x18440] =	vst v14  }
0x271: {  	v14 =	vld [tilespmem:s1+$0x15C00];
	[tilespmem:s1+$0x18430] =	vst v13  }
0x272: {  	v13 =	vld.idx.msk [tilespmem:v1+s1+$0x0 ss:$0x1], $0xffff;
	_ =	sdelay $0x4  }
0x273: {  	v13 =	vmul.f32 v14, v13;
	_ =	sdelay $0x1  }
0x274: {  	v14 =	vld [tilespmem:s1+$0x15C10];
	[tilespmem:s1+$0x18480] =	vst v13  }
0x275: {  	v13 =	vld.idx.msk [tilespmem:v1+s1+$0x10 ss:$0x1], $0xffff;
	_ =	sdelay $0x4  }
0x276: {  	v13 =	vmul.f32 v14, v13;
	_ =	sdelay $0x1  }
0x277: {  	v14 =	vld [tilespmem:s1+$0x15C20];
	[tilespmem:s1+$0x18490] =	vst v13  }
0x278: {  	v13 =	vld.idx.msk [tilespmem:v1+s1+$0x20 ss:$0x1], $0xffff;
	_ =	sdelay $0x4  }
0x279: {  	v13 =	vmul.f32 v14, v13  }
0x27a: {  	v62 =	vld [tilespmem:s1+$0x15C50]  }
0x27b: {  	v15 =	vld [tilespmem:s1+$0x15C30];
	[tilespmem:s1+$0x184A0] =	vst v13  }
0x27c: {  	v13 =	vld.idx.msk [tilespmem:v1+s1+$0x30 ss:$0x1], $0xffff  }
0x27d: {  	v14 =	vld [tilespmem:s1+$0x15C40];
	_ =	sdelay $0x3  }
0x27e: {  	[tilespmem:s1+$0x184D0] =	vst v62;
	v13 =	vmul.f32 v15, v13  }
0x27f: {  	[tilespmem:s1+$0x184C0] =	vst v14  }
0x280: {  	v14 =	vld [tilespmem:s1+$0x15C80];
	[tilespmem:s1+$0x184B0] =	vst v13  }
0x281: {  	v13 =	vld.idx.msk [tilespmem:v1+s1+$0x80 ss:$0x1], $0xffff;
	_ =	sdelay $0x4  }
0x282: {  	v13 =	vmul.f32 v14, v13;
	_ =	sdelay $0x1  }
0x283: {  	v14 =	vld [tilespmem:s1+$0x15C90];
	[tilespmem:s1+$0x18500] =	vst v13  }
0x284: {  	v13 =	vld.idx.msk [tilespmem:v1+s1+$0x90 ss:$0x1], $0xffff;
	_ =	sdelay $0x4  }
0x285: {  	v13 =	vmul.f32 v14, v13;
	_ =	sdelay $0x1  }
0x286: {  	v14 =	vld [tilespmem:s1+$0x15CA0];
	[tilespmem:s1+$0x18510] =	vst v13  }
0x287: {  	v13 =	vld.idx.msk [tilespmem:v1+s1+$0xA0 ss:$0x1], $0xffff;
	_ =	sdelay $0x4  }
0x288: {  	v13 =	vmul.f32 v14, v13  }
0x289: {  	v63 =	vld [tilespmem:s1+$0x15CD0]  }
0x28a: {  	v15 =	vld [tilespmem:s1+$0x15CB0];
	[tilespmem:s1+$0x18520] =	vst v13  }
0x28b: {  	v13 =	vld.idx.msk [tilespmem:v1+s1+$0xB0 ss:$0x1], $0xffff  }
0x28c: {  	v14 =	vld [tilespmem:s1+$0x15CC0]  }
0x28d: {  	s15 =	sadd.s32 $0x1, s15  }
0x28e: {  	p1 =	sne.s32 s15, $0xFA  }
.Ltmp6:
0x28f: {  	_ = 	snop;
	(pc) =	sbr.rel @p1 .LBB2_10-.Ltmp6, $4  }
0x290: {  	[tilespmem:s1+$0x18550] =	vst v63;
	v13 =	vmul.f32 v15, v13  }
0x291: {  	[tilespmem:s1+$0x18540] =	vst v14  }
0x292: {  	s31 =	simm.s32 $0x18380;
	[tilespmem:s1+$0x18530] =	vst v13  }
0x293: {  	[spmem:s5] =	stream.indirect.scatter.add.f32 [tilespmem:s31], [sflag:$0x4], $0x80, s30, s23, $0xb8;
	[tilespmem:$0x1D880] =	vst v63  }
0x294: {  	s0 =	simm.s32 $0x3  }
0x295: {  	_ =	swait.ge [sflag:s0], $0x1400  }
0x296: {  	[sflag:s0] =	ssyncset.done $0x0  }
0x297: {  	s15 =	simm.s32 $0x4;
	[sflag:s0] =	ssyncadd.s32 $0xFFFFEC00  }
.Ltmp7:
0x298: {  	_ =	swait.ge [sflag:s15], $0x1400;
	(pc) =	sbr.rel .LBB2_16-.Ltmp7, $4  }
0x299: {  	[sflag:s15] =	ssyncset.done $0x0  }
0x29a: {  	[sflag:s15] =	ssyncadd.s32 $0xFFFFEC00  }
0x29b: {  	[bflag:$0x0] =	sbarrier.arrive $0xFFFF  }
0x29c: {  	s3 =	simm.s32 $0x0;
	s0 =	stileid.u32;
	s31 =	rddreg [dreg:$0x8]  }
.LBB2_24:
0x29d: {  	s3 =	sadd.s32 $0x1, s3  }
0x29e: {  	p1 =	sne.s32 s3, $0x7D  }
.Ltmp8:
0x29f: {  	_ = 	snop;
	(pc) =	sbr.rel @!p1 .LBB2_25-.Ltmp8, $1  }
0x2a0: {  	_ =	sdelay $0x3  }
.LBB2_16:
0x2a1: {  	s1 =	sand.u32 $0xF, s3  }
0x2a2: {  	p1 =	sne.s32 s1, s0  }
.Ltmp9:
0x2a3: {  	_ = 	snop;
	(pc) =	sbr.rel @p1 .LBB2_24-.Ltmp9, $1  }
0x2a4: {  	_ =	sdelay $0x3  }
0x2a5: {  	s1 =	smul.u32 $0xA000, s3;
	_ =	sdelay $0x1  }
0x2a6: {  	s1 =	sshra.s32 s1, $0x2  }
0x2a7: {  	s1 =	sadd.s32 s1, s5  }
0x2a8: {  	[tilespmem:s18], [sflag:$0x6] =	stream.linear.gather [spmem:s1], $0x2800, $0x38;
	[tilespmem:$0x1D880] =	vst v63  }
0x2a9: {  	_ =	swait.ge [sflag:s16], $0x2800  }
0x2aa: {  	[sflag:s16] =	ssyncset.done $0x0  }
0x2ab: {  	s4 =	simm.s32 $0x0;
	[sflag:s16] =	ssyncadd.s32 $0xFFFFD800  }
0x2ac: {  	v13 =	vld.idx.msk [tilespmem:v2+s4+$0x0 ss:$0x1], $0xffff;
	_ =	sdelay $0x4  }
0x2ad: {  	v14 =	vperm.xlane v13, v9;
	_ =	sdelay $0x1  }
0x2ae: {  	v14 =	vmax.f32 v14, $1.000000000e-30  }
0x2af: {  	(erf) = vrcp.f32 v14;
	_ =	sdelay $0x3  }
0x2b0: {  	v14 =	vperm.xlane v13, v10  }
0x2b1: {  	v15 =	vld [tilespmem:s4+$0x19C80]  }
0x2b2: {  	v14 =	vmax.f32 v14, $1.000000000e-30;
	_ =	sdelay $0x1  }
0x2b3: {  	(erf) = vrcp.f32 v14  }
0x2b4: {  	v14 =	vpop (erf)  }
0x2b5: {  	v14 =	vmul.f32 v14, v15  }
0x2b6: {  	s1 =	simm.s32 $0x1C4A0  }
0x2b7: {  	[tilespmem:s1+$0xFFFFFFE0] =	vst v14;
	v14 =	vperm.xlane v13, v11  }
0x2b8: {  	v15 =	vld [tilespmem:s4+$0x19C90]  }
0x2b9: {  	v14 =	vmax.f32 v14, $1.000000000e-30;
	_ =	sdelay $0x1  }
0x2ba: {  	(erf) = vrcp.f32 v14  }
0x2bb: {  	v14 =	vpop (erf)  }
0x2bc: {  	v14 =	vmul.f32 v14, v15;
	_ =	sdelay $0x1  }
0x2bd: {  	v13 =	vperm.xlane v13, v12;
	[tilespmem:s1+$0xFFFFFFF0] =	vst v14  }
0x2be: {  	v14 =	vld [tilespmem:s4+$0x19CA0]  }
0x2bf: {  	v13 =	vmax.f32 v13, $1.000000000e-30;
	_ =	sdelay $0x1  }
0x2c0: {  	(erf) = vrcp.f32 v13  }
0x2c1: {  	v13 =	vpop (erf)  }
0x2c2: {  	v13 =	vmul.f32 v13, v14;
	_ =	sdelay $0x1  }
0x2c3: {  	[tilespmem:s1+$0x0] =	vst v13  }
0x2c4: {  	v13 =	vld [tilespmem:s4+$0x19CB0];
	_ =	sdelay $0x3  }
0x2c5: {  	v14 =	vpop (erf)  }
0x2c6: {  	s15 =	simm.s32 $0x400;
	s4 =	simm.s32 $0x200;
	v13 =	vmul.f32 v14, v13  }
.LBB2_18:
0x2c7: {  	s13 =	sshra.s32 s4, $0x2  }
0x2c8: {  	s4 =	smov.u32 s15;
	s10 =	sadd.s32 $0x200, s15;
	[tilespmem:s1+$0x10] =	vst v13;
	s1 =	sadd.s32 $0x40, s1  }
0x2c9: {  	p1 =	sne.s32 s15, $0x9E00;
	v13 =	vld.idx.msk [tilespmem:v2+s13+$0x0 ss:$0x1], $0xffff;
	_ =	sdelay $0x5  }
0x2ca: {  	v14 =	vperm.xlane v13, v9;
	v15 =	vperm.xlane v13, v10  }
0x2cb: {  	v16 =	vperm.xlane v13, v11;
	v13 =	vperm.xlane v13, v12  }
0x2cc: {  	v14 =	vmax.f32 v14, $1.000000000e-30;
	v15 =	vmax.f32 v15, $1.000000000e-30  }
0x2cd: {  	v16 =	vmax.f32 v16, $1.000000000e-30;
	v13 =	vmax.f32 v13, $1.000000000e-30;
	(erf) = vrcp.f32 v14;
	_ =	sdelay $0x4  }
0x2ce: {  	v14 =	vld [tilespmem:s13+$0x19C80];
	_ =	sdelay $0x2  }
0x2cf: {  	(erf) = vrcp.f32 v15  }
0x2d0: {  	v15 =	vpop (erf)  }
0x2d1: {  	v14 =	vmul.f32 v15, v14;
	_ =	sdelay $0x1  }
0x2d2: {  	[tilespmem:s1+$0xFFFFFFE0] =	vst v14  }
0x2d3: {  	v14 =	vld [tilespmem:s13+$0x19C90];
	_ =	sdelay $0x2  }
0x2d4: {  	(erf) = vrcp.f32 v16  }
0x2d5: {  	v15 =	vpop (erf)  }
0x2d6: {  	v14 =	vmul.f32 v15, v14;
	_ =	sdelay $0x1  }
0x2d7: {  	[tilespmem:s1+$0xFFFFFFF0] =	vst v14  }
0x2d8: {  	v14 =	vld [tilespmem:s13+$0x19CA0];
	_ =	sdelay $0x2  }
0x2d9: {  	(erf) = vrcp.f32 v13  }
0x2da: {  	v13 =	vpop (erf)  }
0x2db: {  	v13 =	vmul.f32 v13, v14;
	_ =	sdelay $0x1  }
0x2dc: {  	[tilespmem:s1+$0x0] =	vst v13  }
0x2dd: {  	v13 =	vld [tilespmem:s13+$0x19CB0]  }
.Ltmp10:
0x2de: {  	(pc) =	sbr.rel @p1 .LBB2_18-.Ltmp10, $3  }
0x2df: {  	_ =	sdelay $0x1  }
0x2e0: {  	v14 =	vpop (erf)  }
0x2e1: {  	s15 =	smov.u32 s10;
	v13 =	vmul.f32 v14, v13  }
0x2e2: {  	_ =	sdelay $0x2  }
0x2e3: {  	s4 =	sshra.s32 s4, $0x2;
	[tilespmem:s1+$0x10] =	vst v13  }
0x2e4: {  	v13 =	vld.idx.msk [tilespmem:v2+s4+$0x0 ss:$0x1], $0xffff;
	_ =	sdelay $0x4  }
0x2e5: {  	v14 =	vperm.xlane v13, v9;
	_ =	sdelay $0x1  }
0x2e6: {  	v14 =	vmax.f32 v14, $1.000000000e-30  }
0x2e7: {  	(erf) = vrcp.f32 v14;
	_ =	sdelay $0x3  }
0x2e8: {  	v14 =	vperm.xlane v13, v10  }
0x2e9: {  	v15 =	vld [tilespmem:s4+$0x19C80]  }
0x2ea: {  	v14 =	vmax.f32 v14, $1.000000000e-30;
	_ =	sdelay $0x1  }
0x2eb: {  	(erf) = vrcp.f32 v14  }
0x2ec: {  	v14 =	vpop (erf)  }
0x2ed: {  	v14 =	vmul.f32 v14, v15  }
0x2ee: {  	s15 =	sadd.s32 $0x40, s1  }
0x2ef: {  	[tilespmem:s15+$0xFFFFFFE0] =	vst v14;
	v14 =	vperm.xlane v13, v11  }
0x2f0: {  	v15 =	vld [tilespmem:s4+$0x19C90]  }
0x2f1: {  	v14 =	vmax.f32 v14, $1.000000000e-30;
	_ =	sdelay $0x1  }
0x2f2: {  	(erf) = vrcp.f32 v14  }
0x2f3: {  	v14 =	vpop (erf)  }
0x2f4: {  	v14 =	vmul.f32 v14, v15;
	_ =	sdelay $0x1  }
0x2f5: {  	v13 =	vperm.xlane v13, v12;
	[tilespmem:s15+$0xFFFFFFF0] =	vst v14  }
0x2f6: {  	v14 =	vld [tilespmem:s4+$0x19CA0]  }
0x2f7: {  	v13 =	vmax.f32 v13, $1.000000000e-30;
	_ =	sdelay $0x1  }
0x2f8: {  	(erf) = vrcp.f32 v13  }
0x2f9: {  	v13 =	vpop (erf)  }
0x2fa: {  	v13 =	vmul.f32 v13, v14;
	_ =	sdelay $0x1  }
0x2fb: {  	[tilespmem:s15+$0x0] =	vst v13  }
0x2fc: {  	v13 =	vld [tilespmem:s4+$0x19CB0];
	_ =	sdelay $0x3  }
0x2fd: {  	v14 =	vpop (erf)  }
0x2fe: {  	s10 =	smul.u32 $0x280, s3;
	v13 =	vmul.f32 v14, v13;
	_ =	sdelay $0x1  }
0x2ff: {  	s13 =	sadd.s32 s31, s10;
	s10 =	simm.s32 $0x1C480;
	[tilespmem:s15+$0x10] =	vst v13;
	s15 =	simm.s32 $0x0  }
0x300: {  	[hbm4b:s13+s15] =	stream.linear.scatter [tilespmem:s10], [sflag:$0x6], $0x1400, $0x38;
	[tilespmem:$0x1D880] =	vst v63  }
0x301: {  	_ =	swait.ge [sflag:s16], $0x1400  }
0x302: {  	[sflag:s16] =	ssyncset.done $0x0  }
0x303: {  	s1 =	simm.s32 $0x0;
	[sflag:s16] =	ssyncadd.s32 $0xFFFFEC00  }
0x304: {  	v13 =	vld [tilespmem:s1+$0x19CD0]  }
0x305: {  	s4 =	simm.s32 $0x200;
	v14 =	vld [tilespmem:s1+$0x19CC0]  }
.LBB2_20:
0x306: {  	p1 =	sne.s32 s4, $0x4E00  }
.Ltmp11:
0x307: {  	_ = 	snop;
	(pc) =	sbr.rel @p1 .LBB2_20-.Ltmp11, $4  }
0x308: {  	_ = 	snop  }
0x309: {  	s10 =	sshra.s32 s4, $0x2;
	s4 =	sadd.s32 $0x200, s4;
	[tilespmem:s1+$0x14750] =	vst v13  }
0x30a: {  	v13 =	vld [tilespmem:s10+$0x19CD0];
	[tilespmem:s1+$0x14740] =	vst v14;
	s1 =	smov.u32 s10  }
0x30b: {  	v14 =	vld [tilespmem:s1+$0x19CC0]  }
0x30c: {  	_ =	sdelay $0x1  }
0x30d: {  	s4 =	smul.u32 $0x500, s3  }
0x30e: {  	[tilespmem:s1+$0x14750] =	vst v13  }
0x30f: {  	s15 =	simm.s32 $0x0;
	s13 =	sadd.s32 s11, s4;
	[tilespmem:s1+$0x14740] =	vst v14  }
0x310: {  	[hbm4b:s13+s15] =	stream.linear.scatter [tilespmem:s25], [sflag:$0x6], $0x1400, $0x38;
	[tilespmem:$0x1D880] =	vst v63  }
0x311: {  	_ =	swait.ge [sflag:s16], $0x1400  }
0x312: {  	[sflag:s16] =	ssyncset.done $0x0  }
0x313: {  	s1 =	simm.s32 $0x0;
	[sflag:s16] =	ssyncadd.s32 $0xFFFFEC00  }
0x314: {  	v13 =	vld [tilespmem:s1+$0x1B0D0]  }
0x315: {  	s4 =	simm.s32 $0x200;
	v14 =	vld [tilespmem:s1+$0x1B0C0]  }
.LBB2_22:
0x316: {  	p1 =	sne.s32 s4, $0x4E00  }
.Ltmp12:
0x317: {  	_ = 	snop;
	(pc) =	sbr.rel @p1 .LBB2_22-.Ltmp12, $4  }
0x318: {  	_ = 	snop  }
0x319: {  	s10 =	sshra.s32 s4, $0x2;
	s4 =	sadd.s32 $0x200, s4;
	[tilespmem:s1+$0x14750] =	vst v13  }
0x31a: {  	v13 =	vld [tilespmem:s10+$0x1B0D0];
	[tilespmem:s1+$0x14740] =	vst v14;
	s1 =	smov.u32 s10  }
0x31b: {  	v14 =	vld [tilespmem:s1+$0x1B0C0]  }
0x31c: {  	s4 =	smul.u32 $0x2800, s3;
	_ =	sdelay $0x1  }
0x31d: {  	s4 =	sshrl.u32 s4, $0x3  }
0x31e: {  	[tilespmem:s1+$0x14750] =	vst v13;
	s4 =	sadd.s32 s11, s4  }
.Ltmp13:
0x31f: {  	[tilespmem:s1+$0x14740] =	vst v14;
	s15 =	sadd.s32 $0x280, s4;
	(pc) =	sbr.rel .LBB2_24-.Ltmp13, $4  }
0x320: {  	[hbm4b:s15+s7] =	stream.linear.scatter [tilespmem:s25], [sflag:$0x5], $0x1400, $0x38;
	[tilespmem:$0x1D880] =	vst v63  }
0x321: {  	_ =	swait.ge [sflag:s17], $0x1400  }
0x322: {  	[sflag:s17] =	ssyncset.done $0x0  }
0x323: {  	[sflag:s17] =	ssyncadd.s32 $0xFFFFEC00  }
.LBB2_25:
0x324: {  	[bflag:$0x0] =	sbarrier.arrive $0xFFFF;
	s3 =	simm.s32 $0x0  }
.LBB2_26:
0x325: {  	s1 =	smul.u32 $0x28, s3;
	_ =	sdelay $0x1  }
0x326: {  	s4 =	sadd.s32 s1, s14  }
0x327: {  	s1 =	sshrl.u32 s4, $0x3  }
0x328: {  	s10 =	sadd.s32 s9, s1  }
0x329: {  	[tilespmem:s20], [sflag:$0x5] =	stream.linear.gather [hbm4b:s10+s7], $0x28, $0x38;
	[tilespmem:$0x1D880] =	vst v63  }
0x32a: {  	_ =	swait.ge [sflag:s17], $0x28  }
0x32b: {  	[sflag:s17] =	ssyncset.done $0x0  }
0x32c: {  	s1 =	sadd.s32 s2, s1;
	[sflag:s17] =	ssyncadd.s32 $0xFFFFFFD8  }
0x32d: {  	[tilespmem:s21], [sflag:$0x5] =	stream.linear.gather [hbm4b:s1+s7], $0x28, $0x38;
	[tilespmem:$0x1D880] =	vst v63  }
0x32e: {  	_ =	swait.ge [sflag:s17], $0x28  }
0x32f: {  	[sflag:s17] =	ssyncset.done $0x0  }
0x330: {  	[sflag:s17] =	ssyncadd.s32 $0xFFFFFFD8  }
0x331: {  	[tilespmem:s24], [sflag:$0x2] =	stream.indirect.gather [spmem:s6], $0x80, s21, s23, $0xb8;
	[tilespmem:$0x1D880] =	vst v63  }
0x332: {  	_ = 	snop  }
0x333: {  	[tilespmem:s29], [sflag:$0x1] =	stream.indirect.gather [hbm4b:s11+s23], $0x80, s20, s23, $0xb8;
	[tilespmem:$0x1D880] =	vst v63  }
0x334: {  	_ =	swait.ge [sflag:s26], $0x1400  }
0x335: {  	[sflag:s26] =	ssyncset.done $0x0  }
0x336: {  	[sflag:s26] =	ssyncadd.s32 $0xFFFFEC00  }
0x337: {  	_ =	swait.ge [sflag:s28], $0x1400  }
0x338: {  	[sflag:s28] =	ssyncset.done $0x0  }
0x339: {  	s10 =	simm.s32 $0x17040;
	[sflag:s28] =	ssyncadd.s32 $0xFFFFEC00  }
0x33a: {  	v13 =	vld [tilespmem:s10+$0xFFFFFF00];
	_ =	sdelay $0x4  }
0x33b: {  	(erf) = vrcp.f32 v13;
	_ =	sdelay $0x3  }
0x33c: {  	s15 =	simm.s32 $0x15C40  }
0x33d: {  	v13 =	vld [tilespmem:s15+$0xFFFFFF00];
	_ =	sdelay $0x3  }
0x33e: {  	v14 =	vpop (erf)  }
0x33f: {  	v13 =	vmul.f32 v14, v13  }
0x340: {  	s13 =	simm.s32 $0x197C0  }
0x341: {  	[tilespmem:s13+$0xFFFFFFC0] =	vst v13  }
0x342: {  	v13 =	vld [tilespmem:s10+$0xFFFFFF10];
	_ =	sdelay $0x4  }
0x343: {  	(erf) = vrcp.f32 v13;
	_ =	sdelay $0x4  }
0x344: {  	v13 =	vld [tilespmem:s15+$0xFFFFFF10];
	_ =	sdelay $0x3  }
0x345: {  	v14 =	vpop (erf)  }
0x346: {  	v13 =	vmul.f32 v14, v13;
	_ =	sdelay $0x1  }
0x347: {  	[tilespmem:s13+$0xFFFFFFD0] =	vst v13  }
0x348: {  	v13 =	vld [tilespmem:s10+$0xFFFFFF80];
	_ =	sdelay $0x4  }
0x349: {  	(erf) = vrcp.f32 v13;
	_ =	sdelay $0x4  }
0x34a: {  	v13 =	vld [tilespmem:s15+$0xFFFFFF80];
	_ =	sdelay $0x3  }
0x34b: {  	v14 =	vpop (erf)  }
0x34c: {  	v13 =	vmul.f32 v14, v13;
	_ =	sdelay $0x1  }
0x34d: {  	[tilespmem:s13+$0xFFFFFFE0] =	vst v13  }
0x34e: {  	v13 =	vld [tilespmem:s10+$0xFFFFFF90];
	_ =	sdelay $0x4  }
0x34f: {  	(erf) = vrcp.f32 v13;
	_ =	sdelay $0x4  }
0x350: {  	v13 =	vld [tilespmem:s15+$0xFFFFFF90];
	_ =	sdelay $0x3  }
0x351: {  	v14 =	vpop (erf)  }
0x352: {  	s0 =	simm.s32 $0x20;
	v13 =	vmul.f32 v14, v13  }
0x353: {  	s1 =	sor.u32 $0x30, s0  }
0x354: {  	[tilespmem:s1+$0x19780] =	vst v13  }
0x355: {  	v13 =	vld [tilespmem:s10+$0x0];
	_ =	sdelay $0x4  }
0x356: {  	(erf) = vrcp.f32 v13;
	_ =	sdelay $0x4  }
0x357: {  	v13 =	vld [tilespmem:s15+$0x0];
	_ =	sdelay $0x3  }
0x358: {  	v14 =	vpop (erf)  }
0x359: {  	v13 =	vmul.f32 v14, v13;
	_ =	sdelay $0x1  }
0x35a: {  	[tilespmem:s13+$0x0] =	vst v13  }
0x35b: {  	v13 =	vld [tilespmem:s10+$0x10];
	_ =	sdelay $0x4  }
0x35c: {  	(erf) = vrcp.f32 v13;
	_ =	sdelay $0x4  }
0x35d: {  	v13 =	vld [tilespmem:s15+$0x10];
	_ =	sdelay $0x3  }
0x35e: {  	v14 =	vpop (erf)  }
0x35f: {  	s0 =	simm.s32 $0x40;
	v13 =	vmul.f32 v14, v13  }
0x360: {  	s1 =	sor.u32 $0x50, s0  }
0x361: {  	[tilespmem:s1+$0x19780] =	vst v13  }
0x362: {  	v13 =	vld [tilespmem:s10+$0x80];
	_ =	sdelay $0x4  }
0x363: {  	(erf) = vrcp.f32 v13;
	_ =	sdelay $0x4  }
0x364: {  	v13 =	vld [tilespmem:s15+$0x80];
	_ =	sdelay $0x3  }
0x365: {  	v14 =	vpop (erf)  }
0x366: {  	v13 =	vmul.f32 v14, v13;
	_ =	sdelay $0x1  }
0x367: {  	[tilespmem:s13+$0x20] =	vst v13  }
0x368: {  	v13 =	vld [tilespmem:s10+$0x90];
	_ =	sdelay $0x4  }
0x369: {  	(erf) = vrcp.f32 v13;
	_ =	sdelay $0x4  }
0x36a: {  	v13 =	vld [tilespmem:s15+$0x90];
	_ =	sdelay $0x3  }
0x36b: {  	v14 =	vpop (erf)  }
0x36c: {  	s0 =	simm.s32 $0x60;
	v13 =	vmul.f32 v14, v13  }
0x36d: {  	s31 =	simm.s32 $0xE0;
	s1 =	sor.u32 $0x70, s0  }
.LBB2_27:
0x36e: {  	[tilespmem:s1+$0x19780] =	vst v13;
	s10 =	sadd.s32 $0x200, s10;
	s15 =	sadd.s32 $0x200, s15;
	s13 =	sadd.s32 $0x80, s13  }
0x36f: {  	p1 =	sne.s32 s31, $0x4E0;
	s1 =	smov.u32 s31;
	s31 =	sadd.s32 $0x80, s31;
	v13 =	vld [tilespmem:s10+$0xFFFFFF00]  }
0x370: {  	_ =	sdelay $0x3  }
0x371: {  	(erf) = vrcp.f32 v13;
	_ =	sdelay $0x4  }
0x372: {  	v13 =	vld [tilespmem:s15+$0xFFFFFF00];
	_ =	sdelay $0x3  }
0x373: {  	v14 =	vpop (erf)  }
0x374: {  	v13 =	vmul.f32 v14, v13;
	_ =	sdelay $0x1  }
0x375: {  	[tilespmem:s13+$0xFFFFFFC0] =	vst v13  }
0x376: {  	v13 =	vld [tilespmem:s10+$0xFFFFFF10];
	_ =	sdelay $0x4  }
0x377: {  	(erf) = vrcp.f32 v13;
	_ =	sdelay $0x4  }
0x378: {  	v13 =	vld [tilespmem:s15+$0xFFFFFF10];
	_ =	sdelay $0x3  }
0x379: {  	v14 =	vpop (erf)  }
0x37a: {  	v13 =	vmul.f32 v14, v13;
	_ =	sdelay $0x1  }
0x37b: {  	[tilespmem:s13+$0xFFFFFFD0] =	vst v13  }
0x37c: {  	v13 =	vld [tilespmem:s10+$0xFFFFFF80];
	_ =	sdelay $0x4  }
0x37d: {  	(erf) = vrcp.f32 v13;
	_ =	sdelay $0x4  }
0x37e: {  	v13 =	vld [tilespmem:s15+$0xFFFFFF80];
	_ =	sdelay $0x3  }
0x37f: {  	v14 =	vpop (erf)  }
0x380: {  	v13 =	vmul.f32 v14, v13;
	_ =	sdelay $0x1  }
0x381: {  	[tilespmem:s13+$0xFFFFFFE0] =	vst v13  }
0x382: {  	v13 =	vld [tilespmem:s10+$0xFFFFFF90];
	_ =	sdelay $0x4  }
0x383: {  	(erf) = vrcp.f32 v13;
	_ =	sdelay $0x4  }
0x384: {  	v13 =	vld [tilespmem:s15+$0xFFFFFF90];
	_ =	sdelay $0x3  }
0x385: {  	v14 =	vpop (erf)  }
0x386: {  	s0 =	sadd.s32 $0xFFFFFFC0, s1;
	v13 =	vmul.f32 v14, v13  }
0x387: {  	s0 =	sor.u32 $0x30, s0  }
0x388: {  	[tilespmem:s0+$0x19780] =	vst v13  }
0x389: {  	v13 =	vld [tilespmem:s10+$0x0];
	_ =	sdelay $0x4  }
0x38a: {  	(erf) = vrcp.f32 v13;
	_ =	sdelay $0x4  }
0x38b: {  	v13 =	vld [tilespmem:s15+$0x0];
	_ =	sdelay $0x3  }
0x38c: {  	v14 =	vpop (erf)  }
0x38d: {  	v13 =	vmul.f32 v14, v13;
	_ =	sdelay $0x1  }
0x38e: {  	[tilespmem:s13+$0x0] =	vst v13  }
0x38f: {  	v13 =	vld [tilespmem:s10+$0x10]  }
0x390: {  	v14 =	vld [tilespmem:s15+$0x10];
	_ =	sdelay $0x3  }
0x391: {  	(erf) = vrcp.f32 v13;
	_ =	sdelay $0x8  }
0x392: {  	v13 =	vpop (erf)  }
0x393: {  	s0 =	sadd.s32 $0xFFFFFFE0, s1;
	v13 =	vmul.f32 v13, v14  }
0x394: {  	s0 =	sor.u32 $0x50, s0  }
0x395: {  	[tilespmem:s0+$0x19780] =	vst v13  }
0x396: {  	v13 =	vld [tilespmem:s10+$0x80]  }
0x397: {  	v14 =	vld [tilespmem:s15+$0x80];
	_ =	sdelay $0x3  }
0x398: {  	(erf) = vrcp.f32 v13;
	_ =	sdelay $0x8  }
0x399: {  	v13 =	vpop (erf)  }
0x39a: {  	v13 =	vmul.f32 v13, v14;
	_ =	sdelay $0x1  }
0x39b: {  	[tilespmem:s13+$0x20] =	vst v13  }
0x39c: {  	v13 =	vld [tilespmem:s10+$0x90]  }
0x39d: {  	v14 =	vld [tilespmem:s15+$0x90];
	_ =	sdelay $0x3  }
0x39e: {  	(erf) = vrcp.f32 v13;
	_ =	sdelay $0x6  }
.Ltmp14:
0x39f: {  	(pc) =	sbr.rel @p1 .LBB2_27-.Ltmp14, $4  }
0x3a0: {  	_ = 	snop  }
0x3a1: {  	v13 =	vpop (erf)  }
0x3a2: {  	v13 =	vmul.f32 v13, v14  }
0x3a3: {  	s1 =	sor.u32 $0x70, s1  }
0x3a4: {  	s3 =	sadd.s32 $0x1, s3  }
0x3a5: {  	s0 =	sshll.u32 s4, $0x2;
	s15 =	rddreg [dreg:$0x4];
	p1 =	sne.s32 s3, $0xFA  }
.Ltmp15:
0x3a6: {  	[tilespmem:s1+$0x19780] =	vst v13;
	s31 =	simm.s32 $0x19780;
	s0 =	sadd.s32 s15, s0;
	(pc) =	sbr.rel @p1 .LBB2_26-.Ltmp15, $4  }
0x3a7: {  	[hbm4b:s0+s7] =	stream.linear.scatter [tilespmem:s31], [sflag:$0x5], $0x500, $0x38;
	[tilespmem:$0x1D880] =	vst v63  }
0x3a8: {  	_ =	swait.ge [sflag:s17], $0x500  }
0x3a9: {  	[sflag:s17] =	ssyncset.done $0x0  }
0x3aa: {  	[sflag:s17] =	ssyncadd.s32 $0xFFFFFB00  }
0x3ab: {  	s1 =	rddreg [dreg:$0x19]  }
0x3ac: {  	s0 =	rddreg [dreg:$0x9];
	s1 =	sadd.s32 $0x1, s1  }
0x3ad: {  	p1 =	sne.s32 s1, s0  }
.Ltmp16:
0x3ae: {  	_ = 	snop;
	(pc) =	sbr.rel @p1 .LBB2_1-.Ltmp16, $2  }
0x3af: {  	_ =	sdelay $0x2  }
0x3b0: {  	s0 =	rddreg [dreg:$0x0]  }
0x3b1: {  	_ =	sfence.sel $0x180000  }
0x3b2: {  	[bflag:$0x0] =	sbarrier.arrive $0xFFFF  }
0x3b3: {  	_ =	strace $0x90000047  }
0x3b4: {  	[bflag:$0x2] =	sbarrier.arrive $0xFFFF  }
0x3b5: {  	s0 =	rddreg [dreg:$0x7]  }
0x3b6: {  	s0 =	sadd.s32 @!p0 $0x100000, s0  }
0x3b7: {  	[sflag:s0] =	ssyncadd.tile.s32 @!p0 $0x1;
	_ =	shalt  }
.Lfunc_end2:
_tile_overlayer_lowered:
.L_overlay_start_2:
0x3b8: {  	(tag) =	ssettag $0x2  }
0x3b9: {  	s0 =	rddreg [dreg:$0x0];
	s2 =	stileid.u32  }
0x3ba: {  	s1 =	rddreg [dreg:$0x1];
	p0 =	sne.s32 s2, $0x0  }
0x3bb: {  	s3 =	rddreg [dreg:$0x2];
	[bflag:$0x3] =	sbarrier.arrive $0xFFFF;
	s2 =	simm.s32 @!p0 $0x1C05  }
0x3bc: {  	[timem:s3], [sflag:s2] =	dma.local @!p0 [hbm:s0], s1  }
0x3bd: {  	s0 =	simm.s32 @!p0 $0x5  }
0x3be: {  	_ =	swait.ge @!p0 [sflag:s0], s1  }
0x3bf: {  	s1 =	ssub.s32 @!p0 $0x0, s1;
	[sflag:s0] =	ssyncset.done @!p0 $0x0  }
0x3c0: {  	[sflag:s0] =	ssyncadd.s32 @!p0 s1  }
0x3c1: {  	[bflag:$0x3] =	sbarrier.arrive $0xFFFF  }
0x3c2: {  	_ =	shalt  }

</sc_bundles>
